<compile_context>
chip_gen: v7x
topology: tpu7x:2x2x1
jax: 0.10.2.dev20260603
libtpu: 0.0.44.dev20260713+nightly
codegen_flags: <defaults>
</compile_context>

<pallas_src>
import functools

import jax
import jax.numpy as jnp
from jax import lax
from jax.experimental import pallas as pl
from jax.experimental.pallas import tpu as pltpu
from jax.experimental.pallas import tpu_sc as plsc

_N = 10000
_E = 320000
_D = 128
_H = 128
_C = 10
_G = 64

_NC = 2
_NS = 16
_CHUNK = 80
_E_SC = _E // _NC
_E_TILE = _E_SC // _NS
_NCHUNK = _E_TILE // _CHUNK
_NPAD = 10240
_ROWS_TILE = _NPAD // _NS

_F32 = jnp.float32


_HALF = _NPAD // _NC
_ACC = 5248
_TRASH = 5127
_STRIPE = _ACC // _NS
_OUT_TILE = _HALF // _NS
_E_TILE2 = _E // _NS
_NCHUNK2 = _E_TILE2 // _CHUNK


@functools.lru_cache(maxsize=None)
def _make_seg_kernel():
    mesh = plsc.VectorSubcoreMesh(
        core_axis_name="c", subcore_axis_name="s",
        num_cores=_NC, num_subcores=_NS)

    out_type = (jax.ShapeDtypeStruct((_NPAD, _H), _F32),
                jax.ShapeDtypeStruct((_NPAD, 16), _F32))
    scratch = [
        pltpu.VMEM_SHARED((_ACC, _H), _F32),
        pltpu.VMEM_SHARED((_ACC, 16), _F32),
        pltpu.VMEM((_CHUNK,), jnp.int32),
        pltpu.VMEM((_CHUNK,), jnp.int32),
        pltpu.VMEM((_CHUNK, _H), _F32),
        pltpu.VMEM((_CHUNK,), jnp.int32),
        pltpu.VMEM((_CHUNK,), jnp.int32),
        pltpu.VMEM((_CHUNK, _H), _F32),
        pltpu.VMEM((_CHUNK, 16), _F32),
        pltpu.SemaphoreType.DMA,
        pltpu.SemaphoreType.DMA,
    ]

    def body(h_hbm, src_hbm, dst_hbm, out_hbm, deg_hbm,
             msg_acc, deg_acc, src_a, dst_a, rows_a, src_b, dst_b, rows_b,
             ones_v, sem_a, sem_b):
        src_v, dst_v, rows_v = src_a, dst_a, rows_a
        c = lax.axis_index("c")
        s = lax.axis_index("s")
        rbase = s * _STRIPE
        zero16 = jnp.zeros((16,), _F32)

        @pl.loop(0, _CHUNK)
        def _zrow(i):
            @pl.loop(0, _H // 16)
            def _zcol(k):
                rows_v[i, pl.ds(k * 16, 16)] = zero16
            ones_v[i, :] = zero16

        for k in range(_STRIPE // _CHUNK):
            pltpu.sync_copy(rows_v, msg_acc.at[pl.ds(rbase + k * _CHUNK, _CHUNK)])
            pltpu.sync_copy(ones_v, deg_acc.at[pl.ds(rbase + k * _CHUNK, _CHUNK)])
        tail = _STRIPE % _CHUNK
        toff = rbase + (_STRIPE // _CHUNK) * _CHUNK
        pltpu.sync_copy(rows_v.at[pl.ds(0, tail)], msg_acc.at[pl.ds(toff, tail)])
        pltpu.sync_copy(ones_v.at[pl.ds(0, tail)], deg_acc.at[pl.ds(toff, tail)])

        one16 = jnp.ones((16,), _F32)

        @pl.loop(0, _CHUNK)
        def _orow(i):
            ones_v[i, :] = one16

        plsc.subcore_barrier()

        lo = c * _HALF
        ebase = s * _E_TILE2

        def _load(j, sv, dv):
            eb = ebase + j * _CHUNK
            pltpu.sync_copy(src_hbm.at[pl.ds(eb, _CHUNK)], sv)
            pltpu.sync_copy(dst_hbm.at[pl.ds(eb, _CHUNK)], dv)

        def _clamp(dv):
            @pl.loop(0, _CHUNK // 16)
            def _c(k):
                v = dv[pl.ds(k * 16, 16)] - lo
                inr = (v >= 0) & (v < _HALF)
                dv[pl.ds(k * 16, 16)] = jnp.where(inr, v, _TRASH)

        def _scatter(rv, dv):
            pltpu.sync_copy(rv, msg_acc.at[dv], add=True)
            pltpu.sync_copy(ones_v, deg_acc.at[dv], add=True)

        npair = _NCHUNK2 // 2
        _load(0, src_a, dst_a)
        pltpu.async_copy(h_hbm.at[src_a], rows_a, sem_a)

        @pl.loop(0, npair - 1)
        def _step(t):
            a = 2 * t
            _load(a + 1, src_b, dst_b)
            _clamp(dst_a)
            pltpu.make_async_copy(h_hbm.at[src_a], rows_a, sem_a).wait()
            pltpu.async_copy(h_hbm.at[src_b], rows_b, sem_b)
            _scatter(rows_a, dst_a)
            _load(a + 2, src_a, dst_a)
            _clamp(dst_b)
            pltpu.make_async_copy(h_hbm.at[src_b], rows_b, sem_b).wait()
            pltpu.async_copy(h_hbm.at[src_a], rows_a, sem_a)
            _scatter(rows_b, dst_b)

        _load(_NCHUNK2 - 1, src_b, dst_b)
        _clamp(dst_a)
        pltpu.make_async_copy(h_hbm.at[src_a], rows_a, sem_a).wait()
        pltpu.async_copy(h_hbm.at[src_b], rows_b, sem_b)
        _scatter(rows_a, dst_a)
        _clamp(dst_b)
        pltpu.make_async_copy(h_hbm.at[src_b], rows_b, sem_b).wait()
        _scatter(rows_b, dst_b)

        plsc.subcore_barrier()

        obase = s * _OUT_TILE
        for k in range(_OUT_TILE // _CHUNK):
            pltpu.sync_copy(msg_acc.at[pl.ds(obase + k * _CHUNK, _CHUNK)], rows_v)
            pltpu.sync_copy(rows_v, out_hbm.at[pl.ds(lo + obase + k * _CHUNK, _CHUNK)])
            pltpu.sync_copy(deg_acc.at[pl.ds(obase + k * _CHUNK, _CHUNK)], ones_v)
            pltpu.sync_copy(ones_v, deg_hbm.at[pl.ds(lo + obase + k * _CHUNK, _CHUNK)])

    return pl.kernel(body, out_type=out_type, mesh=mesh,
                     scratch_types=scratch)


def _seg_call(h, src, dst):
    return _make_seg_kernel()(h, src, dst)


@functools.lru_cache(maxsize=None)
def _make_sc_probe():
    B = 1024
    bpw = B // (_NC * _NS)
    mesh = plsc.VectorSubcoreMesh(
        core_axis_name="c", subcore_axis_name="s",
        num_cores=_NC, num_subcores=_NS)

    def body(table_hbm, idx_hbm, out_hbm, idx_v, rows_v, shr, sem):
        wid = lax.axis_index("s") * _NC + lax.axis_index("c")
        base = wid * bpw
        pltpu.sync_copy(idx_hbm.at[pl.ds(base, bpw)], idx_v)
        pltpu.async_copy(table_hbm.at[idx_v], rows_v, sem).wait()
        pltpu.sync_copy(rows_v, shr.at[pl.ds(base, bpw)])
        plsc.subcore_barrier()
        pltpu.sync_copy(shr.at[pl.ds(base, bpw)], rows_v)
        pltpu.sync_copy(rows_v, out_hbm.at[pl.ds(base, bpw)])

    return pl.kernel(
        body,
        out_type=jax.ShapeDtypeStruct((B, _H), _F32),
        mesh=mesh,
        scratch_types=[
            pltpu.VMEM((bpw,), jnp.int32),
            pltpu.VMEM((bpw, _H), _F32),
            pltpu.VMEM_SHARED((B, _H), _F32),
            pltpu.SemaphoreType.DMA,
        ],
    )


_BR = 2000


def _mlp_body(x_ref, w1_ref, b1_ref, w2_ref, b2_ref, o_ref):
    t = jnp.dot(x_ref[...], w1_ref[...], preferred_element_type=_F32)
    t = jnp.maximum(t + b1_ref[...], 0.0)
    o_ref[...] = jnp.dot(t, w2_ref[...], preferred_element_type=_F32) + b2_ref[...]


def _mlp_call(x, w1, b1, w2, b2):
    n = x.shape[0]
    grid = (n // _BR,)
    full = lambda shape: pl.BlockSpec(shape, lambda i: (0,) * len(shape))
    return pl.pallas_call(
        _mlp_body,
        grid=grid,
        in_specs=[
            pl.BlockSpec((_BR, _D), lambda i: (i, 0)),
            full((_D, _H)), full((1, _H)), full((_H, _H)), full((1, _H)),
        ],
        out_specs=pl.BlockSpec((_BR, _H), lambda i: (i, 0)),
        out_shape=jax.ShapeDtypeStruct((n, _H), _F32),
    )(x, w1, b1, w2, b2)


def _conv_core(h_ref, p_ref, d_ref, wr, wn, bcv, wpa, bpa, wpb, bpb):
    msg = p_ref[...]
    deg = d_ref[:, 0]
    agg = msg * (1.0 / jnp.maximum(deg, 1.0))[:, None]
    t = (jnp.dot(h_ref[...], wr[...], preferred_element_type=_F32)
         + jnp.dot(agg, wn[...], preferred_element_type=_F32) + bcv[...])
    z = jnp.maximum(jnp.dot(t, wpa[...], preferred_element_type=_F32) + bpa[...], 0.0)
    return jnp.maximum(jnp.dot(z, wpb[...], preferred_element_type=_F32) + bpb[...], 0.0)


def _conv_body(h_ref, p_ref, d_ref, wr, wn, bcv, wpa, bpa, wpb, bpb, o_ref):
    o_ref[...] = _conv_core(h_ref, p_ref, d_ref, wr, wn, bcv, wpa, bpa, wpb, bpb)


def _conv_specs():
    full = lambda shape: pl.BlockSpec(shape, lambda i: (0,) * len(shape))
    return [
        pl.BlockSpec((_BR, _H), lambda i: (i, 0)),
        pl.BlockSpec((_BR, _H), lambda i: (i, 0)),
        pl.BlockSpec((_BR, 16), lambda i: (i, 0)),
        full((_H, _H)), full((_H, _H)), full((1, _H)),
        full((_H, _H)), full((1, _H)), full((_H, _H)), full((1, _H)),
    ]


def _conv_call(h, p, d2, wr, wn, bcv, wpa, bpa, wpb, bpb):
    grid = (_N // _BR,)
    return pl.pallas_call(
        _conv_body,
        grid=grid,
        in_specs=_conv_specs(),
        out_specs=pl.BlockSpec((_BR, _H), lambda i: (i, 0)),
        out_shape=jax.ShapeDtypeStruct((_N, _H), _F32),
    )(h, p, d2, wr, wn, bcv, wpa, bpa, wpb, bpb)


def _conv_pool_body(h_ref, p_ref, d_ref, wr, wn, bcv, wpa, bpa, wpb, bpb,
                    batch_ref, wc, bc_ref, o_ref, sums, cnts):
    i = pl.program_id(0)

    @pl.when(i == 0)
    def _():
        sums[...] = jnp.zeros_like(sums)
        cnts[...] = jnp.zeros_like(cnts)

    hblk = _conv_core(h_ref, p_ref, d_ref, wr, wn, bcv, wpa, bpa, wpb, bpb)
    b = batch_ref[:, 0]
    onehot_t = (lax.broadcasted_iota(jnp.int32, (_G, _BR), 0)
                == b[None, :]).astype(_F32)
    sums[...] += jnp.dot(onehot_t, hblk, preferred_element_type=_F32)
    cnts[...] += jnp.sum(onehot_t, axis=1)[:, None]

    @pl.when(i == pl.num_programs(0) - 1)
    def _():
        pooled = sums[...] * (1.0 / jnp.maximum(cnts[...], 1.0))
        o_ref[...] = jnp.dot(pooled, wc[...], preferred_element_type=_F32) + bc_ref[...]


def _conv_pool_call(h, p, d2, batch2d, wr, wn, bcv, wpa, bpa, wpb, bpb, wc, bc):
    grid = (_N // _BR,)
    full = lambda shape: pl.BlockSpec(shape, lambda i: (0,) * len(shape))
    return pl.pallas_call(
        _conv_pool_body,
        grid=grid,
        in_specs=_conv_specs() + [
            pl.BlockSpec((_BR, 1), lambda i: (i, 0)),
            full((_H, _C)), full((1, _C)),
        ],
        out_specs=pl.BlockSpec((_G, _C), lambda i: (0, 0)),
        out_shape=jax.ShapeDtypeStruct((_G, _C), _F32),
        scratch_shapes=[pltpu.VMEM((_G, _H), _F32), pltpu.VMEM((_G, _H), _F32)],
    )(h, p, d2, wr, wn, bcv, wpa, bpa, wpb, bpb, batch2d, wc, bc)


def kernel(x, edge_index, batch, We1, be1, We2, be2, Wr1, Wn1, bc1,
           Wp1a, bp1a, Wp1b, bp1b, Wr2, Wn2, bc2, Wp2a, bp2a, Wp2b, bp2b,
           Wc, bc):
    src = edge_index[0]
    dst = edge_index[1]
    batch2d = batch.reshape(_N, 1)
    r2 = lambda v: v.reshape(1, -1)

    h1 = _mlp_call(x, We1, r2(be1), We2, r2(be2))
    p1, d1 = _seg_call(h1, src, dst)
    h2 = _conv_call(h1, p1, d1, Wr1, Wn1, r2(bc1), Wp1a, r2(bp1a), Wp1b, r2(bp1b))
    p2, _ = _seg_call(h2, src, dst)
    out = _conv_pool_call(h2, p2, d1, batch2d, Wr2, Wn2, r2(bc2),
                          Wp2a, r2(bp2a), Wp2b, r2(bp2b), Wc, r2(bc))
    return out

# --- scband reference (transcript-rebuilt; emitter-appended) ---
"""Pipeline reference for scband-homo-gnn-graph-conv-9715216023821 (READ-ONLY COPY).

The authoritative reference and input builder live on the scoring server;
editing this copy changes nothing except your own understanding.
"""

import jax, jax.numpy as jnp
import numpy as np

N = 10000
E = 320000
D = 128
H = 128
C = 10
G = 64

def _lin(k, i, o):
    return jax.random.normal(k, (i, o), dtype=jnp.float32) * (1.0 / np.sqrt(i))

def setup_inputs(seed: int = 0):
    key = jax.random.key(seed)
    ks = jax.random.split(key, 32)
    inp = {}
    inp['x'] = jax.random.normal(ks[0], (N, D), dtype=jnp.float32)
    inp['edge_index'] = jax.random.randint(ks[1], (2, E), 0, N, dtype=jnp.int32)
    inp['batch'] = jnp.sort(jax.random.randint(ks[2], (N,), 0, G, dtype=jnp.int32))
    inp['We1'] = _lin(ks[3], D, H); inp['be1'] = jnp.zeros((H,), jnp.float32)
    inp['We2'] = _lin(ks[4], H, H); inp['be2'] = jnp.zeros((H,), jnp.float32)
    inp['Wr1'] = _lin(ks[5], H, H); inp['Wn1'] = _lin(ks[6], H, H); inp['bc1'] = jnp.zeros((H,), jnp.float32)
    inp['Wp1a'] = _lin(ks[7], H, H); inp['bp1a'] = jnp.zeros((H,), jnp.float32)
    inp['Wp1b'] = _lin(ks[8], H, H); inp['bp1b'] = jnp.zeros((H,), jnp.float32)
    inp['Wr2'] = _lin(ks[9], H, H); inp['Wn2'] = _lin(ks[10], H, H); inp['bc2'] = jnp.zeros((H,), jnp.float32)
    inp['Wp2a'] = _lin(ks[11], H, H); inp['bp2a'] = jnp.zeros((H,), jnp.float32)
    inp['Wp2b'] = _lin(ks[12], H, H); inp['bp2b'] = jnp.zeros((H,), jnp.float32)
    inp['Wc'] = _lin(ks[13], H, C); inp['bc'] = jnp.zeros((C,), jnp.float32)
    return inp

def _mlp(h, W1, b1, W2, b2):
    # PyG MLP (2 layers): Linear -> act -> (dropout=identity in eval, batchnorm with default stats=identity) -> Linear
    h = jax.nn.relu(h @ W1 + b1)
    return h @ W2 + b2

def reference(x, edge_index, batch, We1, be1, We2, be2, Wr1, Wn1, bc1, Wp1a, bp1a, Wp1b, bp1b, Wr2, Wn2, bc2, Wp2a, bp2a, Wp2b, bp2b, Wc, bc):
    src = edge_index[0]
    dst = edge_index[1]
    h = _mlp(x, We1, be1, We2, be2)
    blocks = ((Wr1, Wn1, bc1, Wp1a, bp1a, Wp1b, bp1b), (Wr2, Wn2, bc2, Wp2a, bp2a, Wp2b, bp2b))
    for (Wr, Wn, bcv, Wpa, bpa, Wpb, bpb) in blocks:
        # GraphConv with mean aggregation: out_i = W_root h_i + W_nbr mean_{j->i} h_j + b
        msg = jax.ops.segment_sum(h[src], dst, num_segments=N)
        deg = jax.ops.segment_sum(jnp.ones((E,), jnp.float32), dst, num_segments=N)
        agg = msg / jnp.maximum(deg, 1.0)[:, None]
        h = h @ Wr + agg @ Wn + bcv
        h = _mlp(h, Wpa, bpa, Wpb, bpb)
        h = jax.nn.relu(h)
        # feat_dropout: identity in eval mode
    sums = jax.ops.segment_sum(h, batch, num_segments=G)
    cnts = jax.ops.segment_sum(jnp.ones((N,), jnp.float32), batch, num_segments=G)
    pooled = sums / jnp.maximum(cnts, 1.0)[:, None]
    return pooled @ Wc + bc

if __name__ == "__main__":
    import jax
    _d = setup_inputs()
    print(jax.jit(kernel)(*tuple(_d.values())))

</pallas_src>

<mosaic_0001>
#map = affine_map<(d0, d1) -> (0, 0)>
#map1 = affine_map<(d0, d1) -> (0)>
module attributes {stable_mosaic.version = 14 : i64} {
  func.func @body(%arg0: i32, %arg1: i32, %arg2: memref<10000x128xf32, #tpu.memory_space<hbm>>, %arg3: memref<320000xi32, #tpu.memory_space<hbm>>, %arg4: memref<320000xi32, #tpu.memory_space<hbm>>, %arg5: memref<10240x128xf32, #tpu.memory_space<hbm>>, %arg6: memref<10240x16xf32, #tpu.memory_space<hbm>>, %arg7: memref<5248x128xf32, #tpu.memory_space<vmem_shared>>, %arg8: memref<5248x16xf32, #tpu.memory_space<vmem_shared>>, %arg9: memref<80xi32, #tpu.memory_space<vmem>>, %arg10: memref<80xi32, #tpu.memory_space<vmem>>, %arg11: memref<80x128xf32, #tpu.memory_space<vmem>>, %arg12: memref<80xi32, #tpu.memory_space<vmem>>, %arg13: memref<80xi32, #tpu.memory_space<vmem>>, %arg14: memref<80x128xf32, #tpu.memory_space<vmem>>, %arg15: memref<80x16xf32, #tpu.memory_space<vmem>>, %arg16: memref<!tpu.dma_semaphore, #tpu.memory_space<semaphore_mem>>, %arg17: memref<!tpu.dma_semaphore, #tpu.memory_space<semaphore_mem>>) attributes {dimension_semantics = [#tpu.dimension_semantics<core_parallel>, #tpu.dimension_semantics<subcore_parallel>], iteration_bounds = array<i64: 2, 16>, scalar_prefetch = 0 : i64, scratch_operands = 11 : i64, tpu.core_type = #tpu.core_type<sc_vector_subcore>, window_params = [{transform_indices = #map}, {transform_indices = #map1}, {transform_indices = #map1}, {transform_indices = #map}, {transform_indices = #map}]} {
    %mul3A = arith.constant 328 : i32
    %mul3A_0 = arith.muli %arg1, %mul3A : i32
    %broadcast_in_dim3A = arith.constant 0.000000e+00 : f32
    %broadcast_in_dim3A_1 = vector.broadcast %broadcast_in_dim3A : f32 to vector<16xf32>
    %scan3A = arith.constant 0 : i32
    %scan3A_2 = arith.constant 80 : i32
    %scan3A_3 = arith.addi %scan3A, %scan3A_2 : i32
    %scan3A_4 = arith.constant 1 : i32
    scf.for %scan3A_106 = %scan3A to %scan3A_3 step %scan3A_4  : i32 {
      %mul3A_107 = arith.constant 1 : i32
      %mul3A_108 = arith.muli %scan3A_106, %mul3A_107 : i32
      %add3A_109 = arith.constant 0 : i32
      %add3A_110 = arith.addi %add3A_109, %mul3A_108 : i32
      %scan3A_111 = arith.constant 0 : i32
      %scan3A_112 = arith.constant 8 : i32
      %scan3A_113 = arith.addi %scan3A_111, %scan3A_112 : i32
      %scan3A_114 = arith.constant 1 : i32
      scf.for %scan3A_120 = %scan3A_111 to %scan3A_113 step %scan3A_114  : i32 {
        %mul3A_121 = arith.constant 1 : i32
        %mul3A_122 = arith.muli %scan3A_120, %mul3A_121 : i32
        %add3A_123 = arith.constant 0 : i32
        %add3A_124 = arith.addi %add3A_123, %mul3A_122 : i32
        %mul3A_125 = arith.constant 16 : i32
        %mul3A_126 = arith.muli %add3A_124, %mul3A_125 : i32
        %swap3A_127 = arith.index_cast %add3A_110 : i32 to index
        %swap3A_128 = arith.index_cast %mul3A_126 : i32 to index
        %swap3A_129 = tpu.vector_load %arg11[%swap3A_127, %swap3A_128] {strides = array<i32>} : memref<80x128xf32, #tpu.memory_space<vmem>>, vector<1x16xf32>,
        %swap3A_130 = vector.shape_cast %swap3A_129 : vector<1x16xf32> to vector<16xf32>
        %swap3A_131 = vector.shape_cast %broadcast_in_dim3A_1 : vector<16xf32> to vector<1x16xf32>
        tpu.vector_store %arg11[%swap3A_127, %swap3A_128], %swap3A_131 {strides = array<i32>} : memref<80x128xf32, #tpu.memory_space<vmem>>, vector<1x16xf32>,
      }
      %scan3A_115 = arith.constant 8 : i32
      %swap3A = arith.index_cast %add3A_110 : i32 to index
      %swap3A_116 = arith.constant 0 : index
      %swap3A_117 = tpu.vector_load %arg15[%swap3A, %swap3A_116] {strides = array<i32>} : memref<80x16xf32, #tpu.memory_space<vmem>>, vector<1x16xf32>,
      %swap3A_118 = vector.shape_cast %swap3A_117 : vector<1x16xf32> to vector<16xf32>
      %swap3A_119 = vector.shape_cast %broadcast_in_dim3A_1 : vector<16xf32> to vector<1x16xf32>
      tpu.vector_store %arg15[%swap3A, %swap3A_116], %swap3A_119 {strides = array<i32>} : memref<80x16xf32, #tpu.memory_space<vmem>>, vector<1x16xf32>,
    }
    %scan3A_5 = arith.constant 80 : i32
    %add3A = arith.constant 0 : i32
    %add3A_6 = arith.addi %mul3A_0, %add3A : i32
    "tpu.region"() ({
      %run_scoped3A = tpu.sem_alloc : memref<!tpu.dma_semaphore, #tpu.memory_space<semaphore_mem>>
      %dma_start3A_106 = arith.constant 0 : i32
      %dma_start3A_107 = tpu.memref_slice %arg7[%add3A_6, %dma_start3A_106] : memref<5248x128xf32, #tpu.memory_space<vmem_shared>> -> memref<80x128xf32, #tpu.memory_space<vmem_shared>>
      %dma_start3A_108 = arith.constant 0 : i32
      %dma_start3A_109 = tpu.memref_slice %arg7[%add3A_6, %dma_start3A_108] : memref<5248x128xf32, #tpu.memory_space<vmem_shared>> -> memref<80x128xf32, #tpu.memory_space<vmem_shared>>
      tpu.enqueue_dma source(%arg11 : memref<80x128xf32, #tpu.memory_space<vmem>>) target(%dma_start3A_109 : memref<80x128xf32, #tpu.memory_space<vmem_shared>>) target_semaphore(%run_scoped3A : memref<!tpu.dma_semaphore, #tpu.memory_space<semaphore_mem>>)
      %dma_wait3A_110 = arith.constant 0 : i32
      %dma_wait3A_111 = tpu.memref_slice %arg7[%add3A_6, %dma_wait3A_110] : memref<5248x128xf32, #tpu.memory_space<vmem_shared>> -> memref<80x128xf32, #tpu.memory_space<vmem_shared>>
      %dma_wait3A_112 = arith.constant 0 : i32
      %dma_wait3A_113 = tpu.memref_slice %arg7[%add3A_6, %dma_wait3A_112] : memref<5248x128xf32, #tpu.memory_space<vmem_shared>> -> memref<80x128xf32, #tpu.memory_space<vmem_shared>>
      tpu.wait_dma2 semaphore(%run_scoped3A : memref<!tpu.dma_semaphore, #tpu.memory_space<semaphore_mem>>) src(%arg11 : memref<80x128xf32, #tpu.memory_space<vmem>>) dst(%dma_wait3A_113 : memref<80x128xf32, #tpu.memory_space<vmem_shared>>)
      tpu.yield
    }) : () -> ()
    %add3A_7 = arith.constant 0 : i32
    %add3A_8 = arith.addi %mul3A_0, %add3A_7 : i32
    "tpu.region"() ({
      %run_scoped3A = tpu.sem_alloc : memref<!tpu.dma_semaphore, #tpu.memory_space<semaphore_mem>>
      %dma_start3A_106 = arith.constant 0 : i32
      %dma_start3A_107 = tpu.memref_slice %arg8[%add3A_8, %dma_start3A_106] : memref<5248x16xf32, #tpu.memory_space<vmem_shared>> -> memref<80x16xf32, #tpu.memory_space<vmem_shared>>
      %dma_start3A_108 = arith.constant 0 : i32
      %dma_start3A_109 = tpu.memref_slice %arg8[%add3A_8, %dma_start3A_108] : memref<5248x16xf32, #tpu.memory_space<vmem_shared>> -> memref<80x16xf32, #tpu.memory_space<vmem_shared>>
      tpu.enqueue_dma source(%arg15 : memref<80x16xf32, #tpu.memory_space<vmem>>) target(%dma_start3A_109 : memref<80x16xf32, #tpu.memory_space<vmem_shared>>) target_semaphore(%run_scoped3A : memref<!tpu.dma_semaphore, #tpu.memory_space<semaphore_mem>>)
      %dma_wait3A_110 = arith.constant 0 : i32
      %dma_wait3A_111 = tpu.memref_slice %arg8[%add3A_8, %dma_wait3A_110] : memref<5248x16xf32, #tpu.memory_space<vmem_shared>> -> memref<80x16xf32, #tpu.memory_space<vmem_shared>>
      %dma_wait3A_112 = arith.constant 0 : i32
      %dma_wait3A_113 = tpu.memref_slice %arg8[%add3A_8, %dma_wait3A_112] : memref<5248x16xf32, #tpu.memory_space<vmem_shared>> -> memref<80x16xf32, #tpu.memory_space<vmem_shared>>
      tpu.wait_dma2 semaphore(%run_scoped3A : memref<!tpu.dma_semaphore, #tpu.memory_space<semaphore_mem>>) src(%arg15 : memref<80x16xf32, #tpu.memory_space<vmem>>) dst(%dma_wait3A_113 : memref<80x16xf32, #tpu.memory_space<vmem_shared>>)
      tpu.yield
    }) : () -> ()
    %add3A_9 = arith.constant 80 : i32
    %add3A_10 = arith.addi %mul3A_0, %add3A_9 : i32
    "tpu.region"() ({
      %run_scoped3A = tpu.sem_alloc : memref<!tpu.dma_semaphore, #tpu.memory_space<semaphore_mem>>
      %dma_start3A_106 = arith.constant 0 : i32
      %dma_start3A_107 = tpu.memref_slice %arg7[%add3A_10, %dma_start3A_106] : memref<5248x128xf32, #tpu.memory_space<vmem_shared>> -> memref<80x128xf32, #tpu.memory_space<vmem_shared>>
      %dma_start3A_108 = arith.constant 0 : i32
      %dma_start3A_109 = tpu.memref_slice %arg7[%add3A_10, %dma_start3A_108] : memref<5248x128xf32, #tpu.memory_space<vmem_shared>> -> memref<80x128xf32, #tpu.memory_space<vmem_shared>>
      tpu.enqueue_dma source(%arg11 : memref<80x128xf32, #tpu.memory_space<vmem>>) target(%dma_start3A_109 : memref<80x128xf32, #tpu.memory_space<vmem_shared>>) target_semaphore(%run_scoped3A : memref<!tpu.dma_semaphore, #tpu.memory_space<semaphore_mem>>)
      %dma_wait3A_110 = arith.constant 0 : i32
      %dma_wait3A_111 = tpu.memref_slice %arg7[%add3A_10, %dma_wait3A_110] : memref<5248x128xf32, #tpu.memory_space<vmem_shared>> -> memref<80x128xf32, #tpu.memory_space<vmem_shared>>
      %dma_wait3A_112 = arith.constant 0 : i32
      %dma_wait3A_113 = tpu.memref_slice %arg7[%add3A_10, %dma_wait3A_112] : memref<5248x128xf32, #tpu.memory_space<vmem_shared>> -> memref<80x128xf32, #tpu.memory_space<vmem_shared>>
      tpu.wait_dma2 semaphore(%run_scoped3A : memref<!tpu.dma_semaphore, #tpu.memory_space<semaphore_mem>>) src(%arg11 : memref<80x128xf32, #tpu.memory_space<vmem>>) dst(%dma_wait3A_113 : memref<80x128xf32, #tpu.memory_space<vmem_shared>>)
      tpu.yield
    }) : () -> ()
    %add3A_11 = arith.constant 80 : i32
    %add3A_12 = arith.addi %mul3A_0, %add3A_11 : i32
    "tpu.region"() ({
      %run_scoped3A = tpu.sem_alloc : memref<!tpu.dma_semaphore, #tpu.memory_space<semaphore_mem>>
      %dma_start3A_106 = arith.constant 0 : i32
      %dma_start3A_107 = tpu.memref_slice %arg8[%add3A_12, %dma_start3A_106] : memref<5248x16xf32, #tpu.memory_space<vmem_shared>> -> memref<80x16xf32, #tpu.memory_space<vmem_shared>>
      %dma_start3A_108 = arith.constant 0 : i32
      %dma_start3A_109 = tpu.memref_slice %arg8[%add3A_12, %dma_start3A_108] : memref<5248x16xf32, #tpu.memory_space<vmem_shared>> -> memref<80x16xf32, #tpu.memory_space<vmem_shared>>
      tpu.enqueue_dma source(%arg15 : memref<80x16xf32, #tpu.memory_space<vmem>>) target(%dma_start3A_109 : memref<80x16xf32, #tpu.memory_space<vmem_shared>>) target_semaphore(%run_scoped3A : memref<!tpu.dma_semaphore, #tpu.memory_space<semaphore_mem>>)
      %dma_wait3A_110 = arith.constant 0 : i32
      %dma_wait3A_111 = tpu.memref_slice %arg8[%add3A_12, %dma_wait3A_110] : memref<5248x16xf32, #tpu.memory_space<vmem_shared>> -> memref<80x16xf32, #tpu.memory_space<vmem_shared>>
      %dma_wait3A_112 = arith.constant 0 : i32
      %dma_wait3A_113 = tpu.memref_slice %arg8[%add3A_12, %dma_wait3A_112] : memref<5248x16xf32, #tpu.memory_space<vmem_shared>> -> memref<80x16xf32, #tpu.memory_space<vmem_shared>>
      tpu.wait_dma2 semaphore(%run_scoped3A : memref<!tpu.dma_semaphore, #tpu.memory_space<semaphore_mem>>) src(%arg15 : memref<80x16xf32, #tpu.memory_space<vmem>>) dst(%dma_wait3A_113 : memref<80x16xf32, #tpu.memory_space<vmem_shared>>)
      tpu.yield
    }) : () -> ()
    %add3A_13 = arith.constant 160 : i32
    %add3A_14 = arith.addi %mul3A_0, %add3A_13 : i32
    "tpu.region"() ({
      %run_scoped3A = tpu.sem_alloc : memref<!tpu.dma_semaphore, #tpu.memory_space<semaphore_mem>>
      %dma_start3A_106 = arith.constant 0 : i32
      %dma_start3A_107 = tpu.memref_slice %arg7[%add3A_14, %dma_start3A_106] : memref<5248x128xf32, #tpu.memory_space<vmem_shared>> -> memref<80x128xf32, #tpu.memory_space<vmem_shared>>
      %dma_start3A_108 = arith.constant 0 : i32
      %dma_start3A_109 = tpu.memref_slice %arg7[%add3A_14, %dma_start3A_108] : memref<5248x128xf32, #tpu.memory_space<vmem_shared>> -> memref<80x128xf32, #tpu.memory_space<vmem_shared>>
      tpu.enqueue_dma source(%arg11 : memref<80x128xf32, #tpu.memory_space<vmem>>) target(%dma_start3A_109 : memref<80x128xf32, #tpu.memory_space<vmem_shared>>) target_semaphore(%run_scoped3A : memref<!tpu.dma_semaphore, #tpu.memory_space<semaphore_mem>>)
      %dma_wait3A_110 = arith.constant 0 : i32
      %dma_wait3A_111 = tpu.memref_slice %arg7[%add3A_14, %dma_wait3A_110] : memref<5248x128xf32, #tpu.memory_space<vmem_shared>> -> memref<80x128xf32, #tpu.memory_space<vmem_shared>>
      %dma_wait3A_112 = arith.constant 0 : i32
      %dma_wait3A_113 = tpu.memref_slice %arg7[%add3A_14, %dma_wait3A_112] : memref<5248x128xf32, #tpu.memory_space<vmem_shared>> -> memref<80x128xf32, #tpu.memory_space<vmem_shared>>
      tpu.wait_dma2 semaphore(%run_scoped3A : memref<!tpu.dma_semaphore, #tpu.memory_space<semaphore_mem>>) src(%arg11 : memref<80x128xf32, #tpu.memory_space<vmem>>) dst(%dma_wait3A_113 : memref<80x128xf32, #tpu.memory_space<vmem_shared>>)
      tpu.yield
    }) : () -> ()
    %add3A_15 = arith.constant 160 : i32
    %add3A_16 = arith.addi %mul3A_0, %add3A_15 : i32
    "tpu.region"() ({
      %run_scoped3A = tpu.sem_alloc : memref<!tpu.dma_semaphore, #tpu.memory_space<semaphore_mem>>
      %dma_start3A_106 = arith.constant 0 : i32
      %dma_start3A_107 = tpu.memref_slice %arg8[%add3A_16, %dma_start3A_106] : memref<5248x16xf32, #tpu.memory_space<vmem_shared>> -> memref<80x16xf32, #tpu.memory_space<vmem_shared>>
      %dma_start3A_108 = arith.constant 0 : i32
      %dma_start3A_109 = tpu.memref_slice %arg8[%add3A_16, %dma_start3A_108] : memref<5248x16xf32, #tpu.memory_space<vmem_shared>> -> memref<80x16xf32, #tpu.memory_space<vmem_shared>>
      tpu.enqueue_dma source(%arg15 : memref<80x16xf32, #tpu.memory_space<vmem>>) target(%dma_start3A_109 : memref<80x16xf32, #tpu.memory_space<vmem_shared>>) target_semaphore(%run_scoped3A : memref<!tpu.dma_semaphore, #tpu.memory_space<semaphore_mem>>)
      %dma_wait3A_110 = arith.constant 0 : i32
      %dma_wait3A_111 = tpu.memref_slice %arg8[%add3A_16, %dma_wait3A_110] : memref<5248x16xf32, #tpu.memory_space<vmem_shared>> -> memref<80x16xf32, #tpu.memory_space<vmem_shared>>
      %dma_wait3A_112 = arith.constant 0 : i32
      %dma_wait3A_113 = tpu.memref_slice %arg8[%add3A_16, %dma_wait3A_112] : memref<5248x16xf32, #tpu.memory_space<vmem_shared>> -> memref<80x16xf32, #tpu.memory_space<vmem_shared>>
      tpu.wait_dma2 semaphore(%run_scoped3A : memref<!tpu.dma_semaphore, #tpu.memory_space<semaphore_mem>>) src(%arg15 : memref<80x16xf32, #tpu.memory_space<vmem>>) dst(%dma_wait3A_113 : memref<80x16xf32, #tpu.memory_space<vmem_shared>>)
      tpu.yield
    }) : () -> ()
    %add3A_17 = arith.constant 240 : i32
    %add3A_18 = arith.addi %mul3A_0, %add3A_17 : i32
    "tpu.region"() ({
      %run_scoped3A = tpu.sem_alloc : memref<!tpu.dma_semaphore, #tpu.memory_space<semaphore_mem>>
      %dma_start3A_106 = arith.constant 0 : i32
      %dma_start3A_107 = tpu.memref_slice %arg7[%add3A_18, %dma_start3A_106] : memref<5248x128xf32, #tpu.memory_space<vmem_shared>> -> memref<80x128xf32, #tpu.memory_space<vmem_shared>>
      %dma_start3A_108 = arith.constant 0 : i32
      %dma_start3A_109 = tpu.memref_slice %arg7[%add3A_18, %dma_start3A_108] : memref<5248x128xf32, #tpu.memory_space<vmem_shared>> -> memref<80x128xf32, #tpu.memory_space<vmem_shared>>
      tpu.enqueue_dma source(%arg11 : memref<80x128xf32, #tpu.memory_space<vmem>>) target(%dma_start3A_109 : memref<80x128xf32, #tpu.memory_space<vmem_shared>>) target_semaphore(%run_scoped3A : memref<!tpu.dma_semaphore, #tpu.memory_space<semaphore_mem>>)
      %dma_wait3A_110 = arith.constant 0 : i32
      %dma_wait3A_111 = tpu.memref_slice %arg7[%add3A_18, %dma_wait3A_110] : memref<5248x128xf32, #tpu.memory_space<vmem_shared>> -> memref<80x128xf32, #tpu.memory_space<vmem_shared>>
      %dma_wait3A_112 = arith.constant 0 : i32
      %dma_wait3A_113 = tpu.memref_slice %arg7[%add3A_18, %dma_wait3A_112] : memref<5248x128xf32, #tpu.memory_space<vmem_shared>> -> memref<80x128xf32, #tpu.memory_space<vmem_shared>>
      tpu.wait_dma2 semaphore(%run_scoped3A : memref<!tpu.dma_semaphore, #tpu.memory_space<semaphore_mem>>) src(%arg11 : memref<80x128xf32, #tpu.memory_space<vmem>>) dst(%dma_wait3A_113 : memref<80x128xf32, #tpu.memory_space<vmem_shared>>)
      tpu.yield
    }) : () -> ()
    %add3A_19 = arith.constant 240 : i32
    %add3A_20 = arith.addi %mul3A_0, %add3A_19 : i32
    "tpu.region"() ({
      %run_scoped3A = tpu.sem_alloc : memref<!tpu.dma_semaphore, #tpu.memory_space<semaphore_mem>>
      %dma_start3A_106 = arith.constant 0 : i32
      %dma_start3A_107 = tpu.memref_slice %arg8[%add3A_20, %dma_start3A_106] : memref<5248x16xf32, #tpu.memory_space<vmem_shared>> -> memref<80x16xf32, #tpu.memory_space<vmem_shared>>
      %dma_start3A_108 = arith.constant 0 : i32
      %dma_start3A_109 = tpu.memref_slice %arg8[%add3A_20, %dma_start3A_108] : memref<5248x16xf32, #tpu.memory_space<vmem_shared>> -> memref<80x16xf32, #tpu.memory_space<vmem_shared>>
      tpu.enqueue_dma source(%arg15 : memref<80x16xf32, #tpu.memory_space<vmem>>) target(%dma_start3A_109 : memref<80x16xf32, #tpu.memory_space<vmem_shared>>) target_semaphore(%run_scoped3A : memref<!tpu.dma_semaphore, #tpu.memory_space<semaphore_mem>>)
      %dma_wait3A_110 = arith.constant 0 : i32
      %dma_wait3A_111 = tpu.memref_slice %arg8[%add3A_20, %dma_wait3A_110] : memref<5248x16xf32, #tpu.memory_space<vmem_shared>> -> memref<80x16xf32, #tpu.memory_space<vmem_shared>>
      %dma_wait3A_112 = arith.constant 0 : i32
      %dma_wait3A_113 = tpu.memref_slice %arg8[%add3A_20, %dma_wait3A_112] : memref<5248x16xf32, #tpu.memory_space<vmem_shared>> -> memref<80x16xf32, #tpu.memory_space<vmem_shared>>
      tpu.wait_dma2 semaphore(%run_scoped3A : memref<!tpu.dma_semaphore, #tpu.memory_space<semaphore_mem>>) src(%arg15 : memref<80x16xf32, #tpu.memory_space<vmem>>) dst(%dma_wait3A_113 : memref<80x16xf32, #tpu.memory_space<vmem_shared>>)
      tpu.yield
    }) : () -> ()
    %add3A_21 = arith.constant 320 : i32
    %add3A_22 = arith.addi %mul3A_0, %add3A_21 : i32
    "tpu.region"() ({
      %run_scoped3A = tpu.sem_alloc : memref<!tpu.dma_semaphore, #tpu.memory_space<semaphore_mem>>
      %dma_start3A_106 = arith.constant 0 : i32
      %dma_start3A_107 = arith.constant 0 : i32
      %dma_start3A_108 = tpu.memref_slice %arg11[%dma_start3A_106, %dma_start3A_107] : memref<80x128xf32, #tpu.memory_space<vmem>> -> memref<8x128xf32, #tpu.memory_space<vmem>>
      %dma_start3A_109 = arith.constant 0 : i32
      %dma_start3A_110 = tpu.memref_slice %arg7[%add3A_22, %dma_start3A_109] : memref<5248x128xf32, #tpu.memory_space<vmem_shared>> -> memref<8x128xf32, #tpu.memory_space<vmem_shared>>
      %dma_start3A_111 = arith.constant 0 : i32
      %dma_start3A_112 = tpu.memref_slice %arg7[%add3A_22, %dma_start3A_111] : memref<5248x128xf32, #tpu.memory_space<vmem_shared>> -> memref<8x128xf32, #tpu.memory_space<vmem_shared>>
      %dma_start3A_113 = arith.constant 0 : i32
      %dma_start3A_114 = arith.constant 0 : i32
      %dma_start3A_115 = tpu.memref_slice %arg11[%dma_start3A_113, %dma_start3A_114] : memref<80x128xf32, #tpu.memory_space<vmem>> -> memref<8x128xf32, #tpu.memory_space<vmem>>
      tpu.enqueue_dma source(%dma_start3A_115 : memref<8x128xf32, #tpu.memory_space<vmem>>) target(%dma_start3A_112 : memref<8x128xf32, #tpu.memory_space<vmem_shared>>) target_semaphore(%run_scoped3A : memref<!tpu.dma_semaphore, #tpu.memory_space<semaphore_mem>>)
      %dma_wait3A_116 = arith.constant 0 : i32
      %dma_wait3A_117 = arith.constant 0 : i32
      %dma_wait3A_118 = tpu.memref_slice %arg11[%dma_wait3A_116, %dma_wait3A_117] : memref<80x128xf32, #tpu.memory_space<vmem>> -> memref<8x128xf32, #tpu.memory_space<vmem>>
      %dma_wait3A_119 = arith.constant 0 : i32
      %dma_wait3A_120 = tpu.memref_slice %arg7[%add3A_22, %dma_wait3A_119] : memref<5248x128xf32, #tpu.memory_space<vmem_shared>> -> memref<8x128xf32, #tpu.memory_space<vmem_shared>>
      %dma_wait3A_121 = arith.constant 0 : i32
      %dma_wait3A_122 = tpu.memref_slice %arg7[%add3A_22, %dma_wait3A_121] : memref<5248x128xf32, #tpu.memory_space<vmem_shared>> -> memref<8x128xf32, #tpu.memory_space<vmem_shared>>
      %dma_wait3A_123 = arith.constant 0 : i32
      %dma_wait3A_124 = arith.constant 0 : i32
      %dma_wait3A_125 = tpu.memref_slice %arg11[%dma_wait3A_123, %dma_wait3A_124] : memref<80x128xf32, #tpu.memory_space<vmem>> -> memref<8x128xf32, #tpu.memory_space<vmem>>
      tpu.wait_dma2 semaphore(%run_scoped3A : memref<!tpu.dma_semaphore, #tpu.memory_space<semaphore_mem>>) src(%dma_wait3A_125 : memref<8x128xf32, #tpu.memory_space<vmem>>) dst(%dma_wait3A_122 : memref<8x128xf32, #tpu.memory_space<vmem_shared>>)
      tpu.yield
    }) : () -> ()
    "tpu.region"() ({
      %run_scoped3A = tpu.sem_alloc : memref<!tpu.dma_semaphore, #tpu.memory_space<semaphore_mem>>
      %dma_start3A_106 = arith.constant 0 : i32
      %dma_start3A_107 = arith.constant 0 : i32
      %dma_start3A_108 = tpu.memref_slice %arg15[%dma_start3A_106, %dma_start3A_107] : memref<80x16xf32, #tpu.memory_space<vmem>> -> memref<8x16xf32, #tpu.memory_space<vmem>>
      %dma_start3A_109 = arith.constant 0 : i32
      %dma_start3A_110 = tpu.memref_slice %arg8[%add3A_22, %dma_start3A_109] : memref<5248x16xf32, #tpu.memory_space<vmem_shared>> -> memref<8x16xf32, #tpu.memory_space<vmem_shared>>
      %dma_start3A_111 = arith.constant 0 : i32
      %dma_start3A_112 = tpu.memref_slice %arg8[%add3A_22, %dma_start3A_111] : memref<5248x16xf32, #tpu.memory_space<vmem_shared>> -> memref<8x16xf32, #tpu.memory_space<vmem_shared>>
      %dma_start3A_113 = arith.constant 0 : i32
      %dma_start3A_114 = arith.constant 0 : i32
      %dma_start3A_115 = tpu.memref_slice %arg15[%dma_start3A_113, %dma_start3A_114] : memref<80x16xf32, #tpu.memory_space<vmem>> -> memref<8x16xf32, #tpu.memory_space<vmem>>
      tpu.enqueue_dma source(%dma_start3A_115 : memref<8x16xf32, #tpu.memory_space<vmem>>) target(%dma_start3A_112 : memref<8x16xf32, #tpu.memory_space<vmem_shared>>) target_semaphore(%run_scoped3A : memref<!tpu.dma_semaphore, #tpu.memory_space<semaphore_mem>>)
      %dma_wait3A_116 = arith.constant 0 : i32
      %dma_wait3A_117 = arith.constant 0 : i32
      %dma_wait3A_118 = tpu.memref_slice %arg15[%dma_wait3A_116, %dma_wait3A_117] : memref<80x16xf32, #tpu.memory_space<vmem>> -> memref<8x16xf32, #tpu.memory_space<vmem>>
      %dma_wait3A_119 = arith.constant 0 : i32
      %dma_wait3A_120 = tpu.memref_slice %arg8[%add3A_22, %dma_wait3A_119] : memref<5248x16xf32, #tpu.memory_space<vmem_shared>> -> memref<8x16xf32, #tpu.memory_space<vmem_shared>>
      %dma_wait3A_121 = arith.constant 0 : i32
      %dma_wait3A_122 = tpu.memref_slice %arg8[%add3A_22, %dma_wait3A_121] : memref<5248x16xf32, #tpu.memory_space<vmem_shared>> -> memref<8x16xf32, #tpu.memory_space<vmem_shared>>
      %dma_wait3A_123 = arith.constant 0 : i32
      %dma_wait3A_124 = arith.constant 0 : i32
      %dma_wait3A_125 = tpu.memref_slice %arg15[%dma_wait3A_123, %dma_wait3A_124] : memref<80x16xf32, #tpu.memory_space<vmem>> -> memref<8x16xf32, #tpu.memory_space<vmem>>
      tpu.wait_dma2 semaphore(%run_scoped3A : memref<!tpu.dma_semaphore, #tpu.memory_space<semaphore_mem>>) src(%dma_wait3A_125 : memref<8x16xf32, #tpu.memory_space<vmem>>) dst(%dma_wait3A_122 : memref<8x16xf32, #tpu.memory_space<vmem_shared>>)
      tpu.yield
    }) : () -> ()
    %broadcast_in_dim3A_23 = arith.constant 1.000000e+00 : f32
    %broadcast_in_dim3A_24 = vector.broadcast %broadcast_in_dim3A_23 : f32 to vector<16xf32>
    %scan3A_25 = arith.constant 0 : i32
    %scan3A_26 = arith.constant 80 : i32
    %scan3A_27 = arith.addi %scan3A_25, %scan3A_26 : i32
    %scan3A_28 = arith.constant 1 : i32
    scf.for %scan3A_106 = %scan3A_25 to %scan3A_27 step %scan3A_28  : i32 {
      %mul3A_107 = arith.constant 1 : i32
      %mul3A_108 = arith.muli %scan3A_106, %mul3A_107 : i32
      %add3A_109 = arith.constant 0 : i32
      %add3A_110 = arith.addi %add3A_109, %mul3A_108 : i32
      %swap3A = arith.index_cast %add3A_110 : i32 to index
      %swap3A_111 = arith.constant 0 : index
      %swap3A_112 = tpu.vector_load %arg15[%swap3A, %swap3A_111] {strides = array<i32>} : memref<80x16xf32, #tpu.memory_space<vmem>>, vector<1x16xf32>,
      %swap3A_113 = vector.shape_cast %swap3A_112 : vector<1x16xf32> to vector<16xf32>
      %swap3A_114 = vector.shape_cast %broadcast_in_dim3A_24 : vector<16xf32> to vector<1x16xf32>
      tpu.vector_store %arg15[%swap3A, %swap3A_111], %swap3A_114 {strides = array<i32>} : memref<80x16xf32, #tpu.memory_space<vmem>>, vector<1x16xf32>,
    }
    %scan3A_29 = arith.constant 80 : i32
    %barrier3A = arith.constant 0 : index
    tpu.barrier barrier_id(%barrier3A)
    %mul3A_30 = arith.constant 5120 : i32
    %mul3A_31 = arith.muli %arg0, %mul3A_30 : i32
    %mul3A_32 = arith.constant 20000 : i32
    %mul3A_33 = arith.muli %arg1, %mul3A_32 : i32
    %add3A_34 = arith.constant 0 : i32
    %add3A_35 = arith.addi %mul3A_33, %add3A_34 : i32
    "tpu.region"() ({
      %run_scoped3A = tpu.sem_alloc : memref<!tpu.dma_semaphore, #tpu.memory_space<semaphore_mem>>
      %dma_start3A_106 = tpu.memref_slice %arg3[%add3A_35] : memref<320000xi32, #tpu.memory_space<hbm>> -> memref<80xi32, #tpu.memory_space<hbm>>
      %dma_start3A_107 = tpu.memref_slice %arg3[%add3A_35] : memref<320000xi32, #tpu.memory_space<hbm>> -> memref<80xi32, #tpu.memory_space<hbm>>
      tpu.enqueue_dma source(%dma_start3A_107 : memref<80xi32, #tpu.memory_space<hbm>>) target(%arg9 : memref<80xi32, #tpu.memory_space<vmem>>) target_semaphore(%run_scoped3A : memref<!tpu.dma_semaphore, #tpu.memory_space<semaphore_mem>>)
      %dma_wait3A_108 = tpu.memref_slice %arg3[%add3A_35] : memref<320000xi32, #tpu.memory_space<hbm>> -> memref<80xi32, #tpu.memory_space<hbm>>
      %dma_wait3A_109 = tpu.memref_slice %arg3[%add3A_35] : memref<320000xi32, #tpu.memory_space<hbm>> -> memref<80xi32, #tpu.memory_space<hbm>>
      tpu.wait_dma2 semaphore(%run_scoped3A : memref<!tpu.dma_semaphore, #tpu.memory_space<semaphore_mem>>) src(%dma_wait3A_109 : memref<80xi32, #tpu.memory_space<hbm>>) dst(%arg9 : memref<80xi32, #tpu.memory_space<vmem>>)
      tpu.yield
    }) : () -> ()
    "tpu.region"() ({
      %run_scoped3A = tpu.sem_alloc : memref<!tpu.dma_semaphore, #tpu.memory_space<semaphore_mem>>
      %dma_start3A_106 = tpu.memref_slice %arg4[%add3A_35] : memref<320000xi32, #tpu.memory_space<hbm>> -> memref<80xi32, #tpu.memory_space<hbm>>
      %dma_start3A_107 = tpu.memref_slice %arg4[%add3A_35] : memref<320000xi32, #tpu.memory_space<hbm>> -> memref<80xi32, #tpu.memory_space<hbm>>
      tpu.enqueue_dma source(%dma_start3A_107 : memref<80xi32, #tpu.memory_space<hbm>>) target(%arg10 : memref<80xi32, #tpu.memory_space<vmem>>) target_semaphore(%run_scoped3A : memref<!tpu.dma_semaphore, #tpu.memory_space<semaphore_mem>>)
      %dma_wait3A_108 = tpu.memref_slice %arg4[%add3A_35] : memref<320000xi32, #tpu.memory_space<hbm>> -> memref<80xi32, #tpu.memory_space<hbm>>
      %dma_wait3A_109 = tpu.memref_slice %arg4[%add3A_35] : memref<320000xi32, #tpu.memory_space<hbm>> -> memref<80xi32, #tpu.memory_space<hbm>>
      tpu.wait_dma2 semaphore(%run_scoped3A : memref<!tpu.dma_semaphore, #tpu.memory_space<semaphore_mem>>) src(%dma_wait3A_109 : memref<80xi32, #tpu.memory_space<hbm>>) dst(%arg10 : memref<80xi32, #tpu.memory_space<vmem>>)
      tpu.yield
    }) : () -> ()
    %dma_start3A = arith.constant 0 : i32
    %dma_start3A_36 = arith.constant 0 : i32
    %dma_start3A_37 = tpu.memref_slice %arg2[%dma_start3A, %dma_start3A_36] : memref<10000x128xf32, #tpu.memory_space<hbm>> -> memref<10000x128xf32, #tpu.memory_space<hbm>>
    tpu.enqueue_indirect_dma source(%dma_start3A_37 : memref<10000x128xf32, #tpu.memory_space<hbm>>) target(%arg11 : memref<80x128xf32, #tpu.memory_space<vmem>>) offsets(%arg9 : memref<80xi32, #tpu.memory_space<vmem>>) semaphore(%arg16 : memref<!tpu.dma_semaphore, #tpu.memory_space<semaphore_mem>>)
    %scan3A_38 = arith.constant 0 : i32
    %scan3A_39 = arith.constant 124 : i32
    %scan3A_40 = arith.addi %scan3A_38, %scan3A_39 : i32
    %scan3A_41 = arith.constant 1 : i32
    scf.for %scan3A_106 = %scan3A_38 to %scan3A_40 step %scan3A_41  : i32 {
      %mul3A_107 = arith.constant 1 : i32
      %mul3A_108 = arith.muli %scan3A_106, %mul3A_107 : i32
      %add3A_109 = arith.constant 0 : i32
      %add3A_110 = arith.addi %add3A_109, %mul3A_108 : i32
      %mul3A_111 = arith.constant 2 : i32
      %mul3A_112 = arith.muli %mul3A_111, %add3A_110 : i32
      %add3A_113 = arith.constant 1 : i32
      %add3A_114 = arith.addi %mul3A_112, %add3A_113 : i32
      %mul3A_115 = arith.constant 80 : i32
      %mul3A_116 = arith.muli %add3A_114, %mul3A_115 : i32
      %add3A_117 = arith.addi %mul3A_33, %mul3A_116 : i32
      "tpu.region"() ({
        %run_scoped3A = tpu.sem_alloc : memref<!tpu.dma_semaphore, #tpu.memory_space<semaphore_mem>>
        %dma_start3A_145 = tpu.memref_slice %arg3[%add3A_117] : memref<320000xi32, #tpu.memory_space<hbm>> -> memref<80xi32, #tpu.memory_space<hbm>>
        %dma_start3A_146 = tpu.memref_slice %arg3[%add3A_117] : memref<320000xi32, #tpu.memory_space<hbm>> -> memref<80xi32, #tpu.memory_space<hbm>>
        tpu.enqueue_dma source(%dma_start3A_146 : memref<80xi32, #tpu.memory_space<hbm>>) target(%arg12 : memref<80xi32, #tpu.memory_space<vmem>>) target_semaphore(%run_scoped3A : memref<!tpu.dma_semaphore, #tpu.memory_space<semaphore_mem>>)
        %dma_wait3A_147 = tpu.memref_slice %arg3[%add3A_117] : memref<320000xi32, #tpu.memory_space<hbm>> -> memref<80xi32, #tpu.memory_space<hbm>>
        %dma_wait3A_148 = tpu.memref_slice %arg3[%add3A_117] : memref<320000xi32, #tpu.memory_space<hbm>> -> memref<80xi32, #tpu.memory_space<hbm>>
        tpu.wait_dma2 semaphore(%run_scoped3A : memref<!tpu.dma_semaphore, #tpu.memory_space<semaphore_mem>>) src(%dma_wait3A_148 : memref<80xi32, #tpu.memory_space<hbm>>) dst(%arg12 : memref<80xi32, #tpu.memory_space<vmem>>)
        tpu.yield
      }) : () -> ()
      "tpu.region"() ({
        %run_scoped3A = tpu.sem_alloc : memref<!tpu.dma_semaphore, #tpu.memory_space<semaphore_mem>>
        %dma_start3A_145 = tpu.memref_slice %arg4[%add3A_117] : memref<320000xi32, #tpu.memory_space<hbm>> -> memref<80xi32, #tpu.memory_space<hbm>>
        %dma_start3A_146 = tpu.memref_slice %arg4[%add3A_117] : memref<320000xi32, #tpu.memory_space<hbm>> -> memref<80xi32, #tpu.memory_space<hbm>>
        tpu.enqueue_dma source(%dma_start3A_146 : memref<80xi32, #tpu.memory_space<hbm>>) target(%arg13 : memref<80xi32, #tpu.memory_space<vmem>>) target_semaphore(%run_scoped3A : memref<!tpu.dma_semaphore, #tpu.memory_space<semaphore_mem>>)
        %dma_wait3A_147 = tpu.memref_slice %arg4[%add3A_117] : memref<320000xi32, #tpu.memory_space<hbm>> -> memref<80xi32, #tpu.memory_space<hbm>>
        %dma_wait3A_148 = tpu.memref_slice %arg4[%add3A_117] : memref<320000xi32, #tpu.memory_space<hbm>> -> memref<80xi32, #tpu.memory_space<hbm>>
        tpu.wait_dma2 semaphore(%run_scoped3A : memref<!tpu.dma_semaphore, #tpu.memory_space<semaphore_mem>>) src(%dma_wait3A_148 : memref<80xi32, #tpu.memory_space<hbm>>) dst(%arg13 : memref<80xi32, #tpu.memory_space<vmem>>)
        tpu.yield
      }) : () -> ()
      %scan3A_118 = arith.constant 0 : i32
      %scan3A_119 = arith.constant 5 : i32
      %scan3A_120 = arith.addi %scan3A_118, %scan3A_119 : i32
      %scan3A_121 = arith.constant 1 : i32
      scf.for %scan3A_145 = %scan3A_118 to %scan3A_120 step %scan3A_121  : i32 {
        %mul3A_146 = arith.constant 1 : i32
        %mul3A_147 = arith.muli %scan3A_145, %mul3A_146 : i32
        %add3A_148 = arith.constant 0 : i32
        %add3A_149 = arith.addi %add3A_148, %mul3A_147 : i32
        %mul3A_150 = arith.constant 16 : i32
        %mul3A_151 = arith.muli %add3A_149, %mul3A_150 : i32
        %get3A = arith.index_cast %mul3A_151 : i32 to index
        %get3A_152 = tpu.vector_load %arg10[%get3A] {strides = array<i32>} : memref<80xi32, #tpu.memory_space<vmem>>, vector<16xi32>,
        %get3A_153 = vector.shape_cast %get3A_152 : vector<16xi32> to vector<16xi32>
        %sub3A = vector.broadcast %mul3A_31 : i32 to vector<16xi32>
        %sub3A_154 = arith.subi %get3A_153, %sub3A : vector<16xi32>
        %ge3A = arith.constant 0 : i32
        %ge3A_155 = vector.broadcast %ge3A : i32 to vector<16xi32>
        %ge3A_156 = arith.cmpi sge, %sub3A_154, %ge3A_155 : vector<16xi32>
        %lt3A = arith.constant 5120 : i32
        %lt3A_157 = vector.broadcast %lt3A : i32 to vector<16xi32>
        %lt3A_158 = arith.cmpi slt, %sub3A_154, %lt3A_157 : vector<16xi32>
        %and3A = arith.andi %ge3A_156, %lt3A_158 : vector<16xi1>
        %jit3A = arith.constant 5127 : i32
        %broadcast_in_dim3A_159 = vector.broadcast %jit3A : i32 to vector<16xi32>
        %select_n3A = arith.select %and3A, %sub3A_154, %broadcast_in_dim3A_159 : vector<16xi1>, vector<16xi32>
        %mul3A_160 = arith.constant 16 : i32
        %mul3A_161 = arith.muli %add3A_149, %mul3A_160 : i32
        %swap3A = arith.index_cast %mul3A_161 : i32 to index
        %swap3A_162 = tpu.vector_load %arg10[%swap3A] {strides = array<i32>} : memref<80xi32, #tpu.memory_space<vmem>>, vector<16xi32>,
        %swap3A_163 = vector.shape_cast %swap3A_162 : vector<16xi32> to vector<16xi32>
        %swap3A_164 = vector.shape_cast %select_n3A : vector<16xi32> to vector<16xi32>
        tpu.vector_store %arg10[%swap3A], %swap3A_164 {strides = array<i32>} : memref<80xi32, #tpu.memory_space<vmem>>, vector<16xi32>,
      }
      %scan3A_122 = arith.constant 5 : i32
      %dma_wait3A_123 = arith.constant 0 : i32
      %dma_wait3A_124 = arith.constant 0 : i32
      %dma_wait3A_125 = tpu.memref_slice %arg2[%dma_wait3A_123, %dma_wait3A_124] : memref<10000x128xf32, #tpu.memory_space<hbm>> -> memref<10000x128xf32, #tpu.memory_space<hbm>>
      tpu.wait_indirect_dma semaphore(%arg16 : memref<!tpu.dma_semaphore, #tpu.memory_space<semaphore_mem>>) src(%dma_wait3A_125 : memref<10000x128xf32, #tpu.memory_space<hbm>>) dst(%arg11 : memref<80x128xf32, #tpu.memory_space<vmem>>)
      %dma_start3A_126 = arith.constant 0 : i32
      %dma_start3A_127 = arith.constant 0 : i32
      %dma_start3A_128 = tpu.memref_slice %arg2[%dma_start3A_126, %dma_start3A_127] : memref<10000x128xf32, #tpu.memory_space<hbm>> -> memref<10000x128xf32, #tpu.memory_space<hbm>>
      tpu.enqueue_indirect_dma source(%dma_start3A_128 : memref<10000x128xf32, #tpu.memory_space<hbm>>) target(%arg14 : memref<80x128xf32, #tpu.memory_space<vmem>>) offsets(%arg12 : memref<80xi32, #tpu.memory_space<vmem>>) semaphore(%arg17 : memref<!tpu.dma_semaphore, #tpu.memory_space<semaphore_mem>>)
      "tpu.region"() ({
        %run_scoped3A = tpu.sem_alloc : memref<!tpu.dma_semaphore, #tpu.memory_space<semaphore_mem>>
        %dma_start3A_145 = arith.constant 0 : i32
        %dma_start3A_146 = arith.constant 0 : i32
        %dma_start3A_147 = tpu.memref_slice %arg7[%dma_start3A_145, %dma_start3A_146] : memref<5248x128xf32, #tpu.memory_space<vmem_shared>> -> memref<5248x128xf32, #tpu.memory_space<vmem_shared>>
        tpu.enqueue_indirect_dma source(%arg11 : memref<80x128xf32, #tpu.memory_space<vmem>>) target(%dma_start3A_147 : memref<5248x128xf32, #tpu.memory_space<vmem_shared>>) offsets(%arg10 : memref<80xi32, #tpu.memory_space<vmem>>) semaphore(%run_scoped3A : memref<!tpu.dma_semaphore, #tpu.memory_space<semaphore_mem>>) {add = true}
        %dma_wait3A_148 = arith.constant 0 : i32
        %dma_wait3A_149 = arith.constant 0 : i32
        %dma_wait3A_150 = tpu.memref_slice %arg7[%dma_wait3A_148, %dma_wait3A_149] : memref<5248x128xf32, #tpu.memory_space<vmem_shared>> -> memref<5248x128xf32, #tpu.memory_space<vmem_shared>>
        tpu.wait_indirect_dma semaphore(%run_scoped3A : memref<!tpu.dma_semaphore, #tpu.memory_space<semaphore_mem>>) src(%arg11 : memref<80x128xf32, #tpu.memory_space<vmem>>) dst(%dma_wait3A_150 : memref<5248x128xf32, #tpu.memory_space<vmem_shared>>)
        tpu.yield
      }) : () -> ()
      "tpu.region"() ({
        %run_scoped3A = tpu.sem_alloc : memref<!tpu.dma_semaphore, #tpu.memory_space<semaphore_mem>>
        %dma_start3A_145 = arith.constant 0 : i32
        %dma_start3A_146 = arith.constant 0 : i32
        %dma_start3A_147 = tpu.memref_slice %arg8[%dma_start3A_145, %dma_start3A_146] : memref<5248x16xf32, #tpu.memory_space<vmem_shared>> -> memref<5248x16xf32, #tpu.memory_space<vmem_shared>>
        tpu.enqueue_indirect_dma source(%arg15 : memref<80x16xf32, #tpu.memory_space<vmem>>) target(%dma_start3A_147 : memref<5248x16xf32, #tpu.memory_space<vmem_shared>>) offsets(%arg10 : memref<80xi32, #tpu.memory_space<vmem>>) semaphore(%run_scoped3A : memref<!tpu.dma_semaphore, #tpu.memory_space<semaphore_mem>>) {add = true}
        %dma_wait3A_148 = arith.constant 0 : i32
        %dma_wait3A_149 = arith.constant 0 : i32
        %dma_wait3A_150 = tpu.memref_slice %arg8[%dma_wait3A_148, %dma_wait3A_149] : memref<5248x16xf32, #tpu.memory_space<vmem_shared>> -> memref<5248x16xf32, #tpu.memory_space<vmem_shared>>
        tpu.wait_indirect_dma semaphore(%run_scoped3A : memref<!tpu.dma_semaphore, #tpu.memory_space<semaphore_mem>>) src(%arg15 : memref<80x16xf32, #tpu.memory_space<vmem>>) dst(%dma_wait3A_150 : memref<5248x16xf32, #tpu.memory_space<vmem_shared>>)
        tpu.yield
      }) : () -> ()
      %add3A_129 = arith.constant 2 : i32
      %add3A_130 = arith.addi %mul3A_112, %add3A_129 : i32
      %mul3A_131 = arith.constant 80 : i32
      %mul3A_132 = arith.muli %add3A_130, %mul3A_131 : i32
      %add3A_133 = arith.addi %mul3A_33, %mul3A_132 : i32
      "tpu.region"() ({
        %run_scoped3A = tpu.sem_alloc : memref<!tpu.dma_semaphore, #tpu.memory_space<semaphore_mem>>
        %dma_start3A_145 = tpu.memref_slice %arg3[%add3A_133] : memref<320000xi32, #tpu.memory_space<hbm>> -> memref<80xi32, #tpu.memory_space<hbm>>
        %dma_start3A_146 = tpu.memref_slice %arg3[%add3A_133] : memref<320000xi32, #tpu.memory_space<hbm>> -> memref<80xi32, #tpu.memory_space<hbm>>
        tpu.enqueue_dma source(%dma_start3A_146 : memref<80xi32, #tpu.memory_space<hbm>>) target(%arg9 : memref<80xi32, #tpu.memory_space<vmem>>) target_semaphore(%run_scoped3A : memref<!tpu.dma_semaphore, #tpu.memory_space<semaphore_mem>>)
        %dma_wait3A_147 = tpu.memref_slice %arg3[%add3A_133] : memref<320000xi32, #tpu.memory_space<hbm>> -> memref<80xi32, #tpu.memory_space<hbm>>
        %dma_wait3A_148 = tpu.memref_slice %arg3[%add3A_133] : memref<320000xi32, #tpu.memory_space<hbm>> -> memref<80xi32, #tpu.memory_space<hbm>>
        tpu.wait_dma2 semaphore(%run_scoped3A : memref<!tpu.dma_semaphore, #tpu.memory_space<semaphore_mem>>) src(%dma_wait3A_148 : memref<80xi32, #tpu.memory_space<hbm>>) dst(%arg9 : memref<80xi32, #tpu.memory_space<vmem>>)
        tpu.yield
      }) : () -> ()
      "tpu.region"() ({
        %run_scoped3A = tpu.sem_alloc : memref<!tpu.dma_semaphore, #tpu.memory_space<semaphore_mem>>
        %dma_start3A_145 = tpu.memref_slice %arg4[%add3A_133] : memref<320000xi32, #tpu.memory_space<hbm>> -> memref<80xi32, #tpu.memory_space<hbm>>
        %dma_start3A_146 = tpu.memref_slice %arg4[%add3A_133] : memref<320000xi32, #tpu.memory_space<hbm>> -> memref<80xi32, #tpu.memory_space<hbm>>
        tpu.enqueue_dma source(%dma_start3A_146 : memref<80xi32, #tpu.memory_space<hbm>>) target(%arg10 : memref<80xi32, #tpu.memory_space<vmem>>) target_semaphore(%run_scoped3A : memref<!tpu.dma_semaphore, #tpu.memory_space<semaphore_mem>>)
        %dma_wait3A_147 = tpu.memref_slice %arg4[%add3A_133] : memref<320000xi32, #tpu.memory_space<hbm>> -> memref<80xi32, #tpu.memory_space<hbm>>
        %dma_wait3A_148 = tpu.memref_slice %arg4[%add3A_133] : memref<320000xi32, #tpu.memory_space<hbm>> -> memref<80xi32, #tpu.memory_space<hbm>>
        tpu.wait_dma2 semaphore(%run_scoped3A : memref<!tpu.dma_semaphore, #tpu.memory_space<semaphore_mem>>) src(%dma_wait3A_148 : memref<80xi32, #tpu.memory_space<hbm>>) dst(%arg10 : memref<80xi32, #tpu.memory_space<vmem>>)
        tpu.yield
      }) : () -> ()
      %scan3A_134 = arith.constant 0 : i32
      %scan3A_135 = arith.constant 5 : i32
      %scan3A_136 = arith.addi %scan3A_134, %scan3A_135 : i32
      %scan3A_137 = arith.constant 1 : i32
      scf.for %scan3A_145 = %scan3A_134 to %scan3A_136 step %scan3A_137  : i32 {
        %mul3A_146 = arith.constant 1 : i32
        %mul3A_147 = arith.muli %scan3A_145, %mul3A_146 : i32
        %add3A_148 = arith.constant 0 : i32
        %add3A_149 = arith.addi %add3A_148, %mul3A_147 : i32
        %mul3A_150 = arith.constant 16 : i32
        %mul3A_151 = arith.muli %add3A_149, %mul3A_150 : i32
        %get3A = arith.index_cast %mul3A_151 : i32 to index
        %get3A_152 = tpu.vector_load %arg13[%get3A] {strides = array<i32>} : memref<80xi32, #tpu.memory_space<vmem>>, vector<16xi32>,
        %get3A_153 = vector.shape_cast %get3A_152 : vector<16xi32> to vector<16xi32>
        %sub3A = vector.broadcast %mul3A_31 : i32 to vector<16xi32>
        %sub3A_154 = arith.subi %get3A_153, %sub3A : vector<16xi32>
        %ge3A = arith.constant 0 : i32
        %ge3A_155 = vector.broadcast %ge3A : i32 to vector<16xi32>
        %ge3A_156 = arith.cmpi sge, %sub3A_154, %ge3A_155 : vector<16xi32>
        %lt3A = arith.constant 5120 : i32
        %lt3A_157 = vector.broadcast %lt3A : i32 to vector<16xi32>
        %lt3A_158 = arith.cmpi slt, %sub3A_154, %lt3A_157 : vector<16xi32>
        %and3A = arith.andi %ge3A_156, %lt3A_158 : vector<16xi1>
        %jit3A = arith.constant 5127 : i32
        %broadcast_in_dim3A_159 = vector.broadcast %jit3A : i32 to vector<16xi32>
        %select_n3A = arith.select %and3A, %sub3A_154, %broadcast_in_dim3A_159 : vector<16xi1>, vector<16xi32>
        %mul3A_160 = arith.constant 16 : i32
        %mul3A_161 = arith.muli %add3A_149, %mul3A_160 : i32
        %swap3A = arith.index_cast %mul3A_161 : i32 to index
        %swap3A_162 = tpu.vector_load %arg13[%swap3A] {strides = array<i32>} : memref<80xi32, #tpu.memory_space<vmem>>, vector<16xi32>,
        %swap3A_163 = vector.shape_cast %swap3A_162 : vector<16xi32> to vector<16xi32>
        %swap3A_164 = vector.shape_cast %select_n3A : vector<16xi32> to vector<16xi32>
        tpu.vector_store %arg13[%swap3A], %swap3A_164 {strides = array<i32>} : memref<80xi32, #tpu.memory_space<vmem>>, vector<16xi32>,
      }
      %scan3A_138 = arith.constant 5 : i32
      %dma_wait3A_139 = arith.constant 0 : i32
      %dma_wait3A_140 = arith.constant 0 : i32
      %dma_wait3A_141 = tpu.memref_slice %arg2[%dma_wait3A_139, %dma_wait3A_140] : memref<10000x128xf32, #tpu.memory_space<hbm>> -> memref<10000x128xf32, #tpu.memory_space<hbm>>
      tpu.wait_indirect_dma semaphore(%arg17 : memref<!tpu.dma_semaphore, #tpu.memory_space<semaphore_mem>>) src(%dma_wait3A_141 : memref<10000x128xf32, #tpu.memory_space<hbm>>) dst(%arg14 : memref<80x128xf32, #tpu.memory_space<vmem>>)
      %dma_start3A_142 = arith.constant 0 : i32
      %dma_start3A_143 = arith.constant 0 : i32
      %dma_start3A_144 = tpu.memref_slice %arg2[%dma_start3A_142, %dma_start3A_143] : memref<10000x128xf32, #tpu.memory_space<hbm>> -> memref<10000x128xf32, #tpu.memory_space<hbm>>
      tpu.enqueue_indirect_dma source(%dma_start3A_144 : memref<10000x128xf32, #tpu.memory_space<hbm>>) target(%arg11 : memref<80x128xf32, #tpu.memory_space<vmem>>) offsets(%arg9 : memref<80xi32, #tpu.memory_space<vmem>>) semaphore(%arg16 : memref<!tpu.dma_semaphore, #tpu.memory_space<semaphore_mem>>)
      "tpu.region"() ({
        %run_scoped3A = tpu.sem_alloc : memref<!tpu.dma_semaphore, #tpu.memory_space<semaphore_mem>>
        %dma_start3A_145 = arith.constant 0 : i32
        %dma_start3A_146 = arith.constant 0 : i32
        %dma_start3A_147 = tpu.memref_slice %arg7[%dma_start3A_145, %dma_start3A_146] : memref<5248x128xf32, #tpu.memory_space<vmem_shared>> -> memref<5248x128xf32, #tpu.memory_space<vmem_shared>>
        tpu.enqueue_indirect_dma source(%arg14 : memref<80x128xf32, #tpu.memory_space<vmem>>) target(%dma_start3A_147 : memref<5248x128xf32, #tpu.memory_space<vmem_shared>>) offsets(%arg13 : memref<80xi32, #tpu.memory_space<vmem>>) semaphore(%run_scoped3A : memref<!tpu.dma_semaphore, #tpu.memory_space<semaphore_mem>>) {add = true}
        %dma_wait3A_148 = arith.constant 0 : i32
        %dma_wait3A_149 = arith.constant 0 : i32
        %dma_wait3A_150 = tpu.memref_slice %arg7[%dma_wait3A_148, %dma_wait3A_149] : memref<5248x128xf32, #tpu.memory_space<vmem_shared>> -> memref<5248x128xf32, #tpu.memory_space<vmem_shared>>
        tpu.wait_indirect_dma semaphore(%run_scoped3A : memref<!tpu.dma_semaphore, #tpu.memory_space<semaphore_mem>>) src(%arg14 : memref<80x128xf32, #tpu.memory_space<vmem>>) dst(%dma_wait3A_150 : memref<5248x128xf32, #tpu.memory_space<vmem_shared>>)
        tpu.yield
      }) : () -> ()
      "tpu.region"() ({
        %run_scoped3A = tpu.sem_alloc : memref<!tpu.dma_semaphore, #tpu.memory_space<semaphore_mem>>
        %dma_start3A_145 = arith.constant 0 : i32
        %dma_start3A_146 = arith.constant 0 : i32
        %dma_start3A_147 = tpu.memref_slice %arg8[%dma_start3A_145, %dma_start3A_146] : memref<5248x16xf32, #tpu.memory_space<vmem_shared>> -> memref<5248x16xf32, #tpu.memory_space<vmem_shared>>
        tpu.enqueue_indirect_dma source(%arg15 : memref<80x16xf32, #tpu.memory_space<vmem>>) target(%dma_start3A_147 : memref<5248x16xf32, #tpu.memory_space<vmem_shared>>) offsets(%arg13 : memref<80xi32, #tpu.memory_space<vmem>>) semaphore(%run_scoped3A : memref<!tpu.dma_semaphore, #tpu.memory_space<semaphore_mem>>) {add = true}
        %dma_wait3A_148 = arith.constant 0 : i32
        %dma_wait3A_149 = arith.constant 0 : i32
        %dma_wait3A_150 = tpu.memref_slice %arg8[%dma_wait3A_148, %dma_wait3A_149] : memref<5248x16xf32, #tpu.memory_space<vmem_shared>> -> memref<5248x16xf32, #tpu.memory_space<vmem_shared>>
        tpu.wait_indirect_dma semaphore(%run_scoped3A : memref<!tpu.dma_semaphore, #tpu.memory_space<semaphore_mem>>) src(%arg15 : memref<80x16xf32, #tpu.memory_space<vmem>>) dst(%dma_wait3A_150 : memref<5248x16xf32, #tpu.memory_space<vmem_shared>>)
        tpu.yield
      }) : () -> ()
    }
    %scan3A_42 = arith.constant 124 : i32
    %add3A_43 = arith.constant 19920 : i32
    %add3A_44 = arith.addi %mul3A_33, %add3A_43 : i32
    "tpu.region"() ({
      %run_scoped3A = tpu.sem_alloc : memref<!tpu.dma_semaphore, #tpu.memory_space<semaphore_mem>>
      %dma_start3A_106 = tpu.memref_slice %arg3[%add3A_44] : memref<320000xi32, #tpu.memory_space<hbm>> -> memref<80xi32, #tpu.memory_space<hbm>>
      %dma_start3A_107 = tpu.memref_slice %arg3[%add3A_44] : memref<320000xi32, #tpu.memory_space<hbm>> -> memref<80xi32, #tpu.memory_space<hbm>>
      tpu.enqueue_dma source(%dma_start3A_107 : memref<80xi32, #tpu.memory_space<hbm>>) target(%arg12 : memref<80xi32, #tpu.memory_space<vmem>>) target_semaphore(%run_scoped3A : memref<!tpu.dma_semaphore, #tpu.memory_space<semaphore_mem>>)
      %dma_wait3A_108 = tpu.memref_slice %arg3[%add3A_44] : memref<320000xi32, #tpu.memory_space<hbm>> -> memref<80xi32, #tpu.memory_space<hbm>>
      %dma_wait3A_109 = tpu.memref_slice %arg3[%add3A_44] : memref<320000xi32, #tpu.memory_space<hbm>> -> memref<80xi32, #tpu.memory_space<hbm>>
      tpu.wait_dma2 semaphore(%run_scoped3A : memref<!tpu.dma_semaphore, #tpu.memory_space<semaphore_mem>>) src(%dma_wait3A_109 : memref<80xi32, #tpu.memory_space<hbm>>) dst(%arg12 : memref<80xi32, #tpu.memory_space<vmem>>)
      tpu.yield
    }) : () -> ()
    "tpu.region"() ({
      %run_scoped3A = tpu.sem_alloc : memref<!tpu.dma_semaphore, #tpu.memory_space<semaphore_mem>>
      %dma_start3A_106 = tpu.memref_slice %arg4[%add3A_44] : memref<320000xi32, #tpu.memory_space<hbm>> -> memref<80xi32, #tpu.memory_space<hbm>>
      %dma_start3A_107 = tpu.memref_slice %arg4[%add3A_44] : memref<320000xi32, #tpu.memory_space<hbm>> -> memref<80xi32, #tpu.memory_space<hbm>>
      tpu.enqueue_dma source(%dma_start3A_107 : memref<80xi32, #tpu.memory_space<hbm>>) target(%arg13 : memref<80xi32, #tpu.memory_space<vmem>>) target_semaphore(%run_scoped3A : memref<!tpu.dma_semaphore, #tpu.memory_space<semaphore_mem>>)
      %dma_wait3A_108 = tpu.memref_slice %arg4[%add3A_44] : memref<320000xi32, #tpu.memory_space<hbm>> -> memref<80xi32, #tpu.memory_space<hbm>>
      %dma_wait3A_109 = tpu.memref_slice %arg4[%add3A_44] : memref<320000xi32, #tpu.memory_space<hbm>> -> memref<80xi32, #tpu.memory_space<hbm>>
      tpu.wait_dma2 semaphore(%run_scoped3A : memref<!tpu.dma_semaphore, #tpu.memory_space<semaphore_mem>>) src(%dma_wait3A_109 : memref<80xi32, #tpu.memory_space<hbm>>) dst(%arg13 : memref<80xi32, #tpu.memory_space<vmem>>)
      tpu.yield
    }) : () -> ()
    %scan3A_45 = arith.constant 0 : i32
    %scan3A_46 = arith.constant 5 : i32
    %scan3A_47 = arith.addi %scan3A_45, %scan3A_46 : i32
    %scan3A_48 = arith.constant 1 : i32
    scf.for %scan3A_106 = %scan3A_45 to %scan3A_47 step %scan3A_48  : i32 {
      %mul3A_107 = arith.constant 1 : i32
      %mul3A_108 = arith.muli %scan3A_106, %mul3A_107 : i32
      %add3A_109 = arith.constant 0 : i32
      %add3A_110 = arith.addi %add3A_109, %mul3A_108 : i32
      %mul3A_111 = arith.constant 16 : i32
      %mul3A_112 = arith.muli %add3A_110, %mul3A_111 : i32
      %get3A = arith.index_cast %mul3A_112 : i32 to index
      %get3A_113 = tpu.vector_load %arg10[%get3A] {strides = array<i32>} : memref<80xi32, #tpu.memory_space<vmem>>, vector<16xi32>,
      %get3A_114 = vector.shape_cast %get3A_113 : vector<16xi32> to vector<16xi32>
      %sub3A = vector.broadcast %mul3A_31 : i32 to vector<16xi32>
      %sub3A_115 = arith.subi %get3A_114, %sub3A : vector<16xi32>
      %ge3A = arith.constant 0 : i32
      %ge3A_116 = vector.broadcast %ge3A : i32 to vector<16xi32>
      %ge3A_117 = arith.cmpi sge, %sub3A_115, %ge3A_116 : vector<16xi32>
      %lt3A = arith.constant 5120 : i32
      %lt3A_118 = vector.broadcast %lt3A : i32 to vector<16xi32>
      %lt3A_119 = arith.cmpi slt, %sub3A_115, %lt3A_118 : vector<16xi32>
      %and3A = arith.andi %ge3A_117, %lt3A_119 : vector<16xi1>
      %jit3A = arith.constant 5127 : i32
      %broadcast_in_dim3A_120 = vector.broadcast %jit3A : i32 to vector<16xi32>
      %select_n3A = arith.select %and3A, %sub3A_115, %broadcast_in_dim3A_120 : vector<16xi1>, vector<16xi32>
      %mul3A_121 = arith.constant 16 : i32
      %mul3A_122 = arith.muli %add3A_110, %mul3A_121 : i32
      %swap3A = arith.index_cast %mul3A_122 : i32 to index
      %swap3A_123 = tpu.vector_load %arg10[%swap3A] {strides = array<i32>} : memref<80xi32, #tpu.memory_space<vmem>>, vector<16xi32>,
      %swap3A_124 = vector.shape_cast %swap3A_123 : vector<16xi32> to vector<16xi32>
      %swap3A_125 = vector.shape_cast %select_n3A : vector<16xi32> to vector<16xi32>
      tpu.vector_store %arg10[%swap3A], %swap3A_125 {strides = array<i32>} : memref<80xi32, #tpu.memory_space<vmem>>, vector<16xi32>,
    }
    %scan3A_49 = arith.constant 5 : i32
    %dma_wait3A = arith.constant 0 : i32
    %dma_wait3A_50 = arith.constant 0 : i32
    %dma_wait3A_51 = tpu.memref_slice %arg2[%dma_wait3A, %dma_wait3A_50] : memref<10000x128xf32, #tpu.memory_space<hbm>> -> memref<10000x128xf32, #tpu.memory_space<hbm>>
    tpu.wait_indirect_dma semaphore(%arg16 : memref<!tpu.dma_semaphore, #tpu.memory_space<semaphore_mem>>) src(%dma_wait3A_51 : memref<10000x128xf32, #tpu.memory_space<hbm>>) dst(%arg11 : memref<80x128xf32, #tpu.memory_space<vmem>>)
    %dma_start3A_52 = arith.constant 0 : i32
    %dma_start3A_53 = arith.constant 0 : i32
    %dma_start3A_54 = tpu.memref_slice %arg2[%dma_start3A_52, %dma_start3A_53] : memref<10000x128xf32, #tpu.memory_space<hbm>> -> memref<10000x128xf32, #tpu.memory_space<hbm>>
    tpu.enqueue_indirect_dma source(%dma_start3A_54 : memref<10000x128xf32, #tpu.memory_space<hbm>>) target(%arg14 : memref<80x128xf32, #tpu.memory_space<vmem>>) offsets(%arg12 : memref<80xi32, #tpu.memory_space<vmem>>) semaphore(%arg17 : memref<!tpu.dma_semaphore, #tpu.memory_space<semaphore_mem>>)
    "tpu.region"() ({
      %run_scoped3A = tpu.sem_alloc : memref<!tpu.dma_semaphore, #tpu.memory_space<semaphore_mem>>
      %dma_start3A_106 = arith.constant 0 : i32
      %dma_start3A_107 = arith.constant 0 : i32
      %dma_start3A_108 = tpu.memref_slice %arg7[%dma_start3A_106, %dma_start3A_107] : memref<5248x128xf32, #tpu.memory_space<vmem_shared>> -> memref<5248x128xf32, #tpu.memory_space<vmem_shared>>
      tpu.enqueue_indirect_dma source(%arg11 : memref<80x128xf32, #tpu.memory_space<vmem>>) target(%dma_start3A_108 : memref<5248x128xf32, #tpu.memory_space<vmem_shared>>) offsets(%arg10 : memref<80xi32, #tpu.memory_space<vmem>>) semaphore(%run_scoped3A : memref<!tpu.dma_semaphore, #tpu.memory_space<semaphore_mem>>) {add = true}
      %dma_wait3A_109 = arith.constant 0 : i32
      %dma_wait3A_110 = arith.constant 0 : i32
      %dma_wait3A_111 = tpu.memref_slice %arg7[%dma_wait3A_109, %dma_wait3A_110] : memref<5248x128xf32, #tpu.memory_space<vmem_shared>> -> memref<5248x128xf32, #tpu.memory_space<vmem_shared>>
      tpu.wait_indirect_dma semaphore(%run_scoped3A : memref<!tpu.dma_semaphore, #tpu.memory_space<semaphore_mem>>) src(%arg11 : memref<80x128xf32, #tpu.memory_space<vmem>>) dst(%dma_wait3A_111 : memref<5248x128xf32, #tpu.memory_space<vmem_shared>>)
      tpu.yield
    }) : () -> ()
    "tpu.region"() ({
      %run_scoped3A = tpu.sem_alloc : memref<!tpu.dma_semaphore, #tpu.memory_space<semaphore_mem>>
      %dma_start3A_106 = arith.constant 0 : i32
      %dma_start3A_107 = arith.constant 0 : i32
      %dma_start3A_108 = tpu.memref_slice %arg8[%dma_start3A_106, %dma_start3A_107] : memref<5248x16xf32, #tpu.memory_space<vmem_shared>> -> memref<5248x16xf32, #tpu.memory_space<vmem_shared>>
      tpu.enqueue_indirect_dma source(%arg15 : memref<80x16xf32, #tpu.memory_space<vmem>>) target(%dma_start3A_108 : memref<5248x16xf32, #tpu.memory_space<vmem_shared>>) offsets(%arg10 : memref<80xi32, #tpu.memory_space<vmem>>) semaphore(%run_scoped3A : memref<!tpu.dma_semaphore, #tpu.memory_space<semaphore_mem>>) {add = true}
      %dma_wait3A_109 = arith.constant 0 : i32
      %dma_wait3A_110 = arith.constant 0 : i32
      %dma_wait3A_111 = tpu.memref_slice %arg8[%dma_wait3A_109, %dma_wait3A_110] : memref<5248x16xf32, #tpu.memory_space<vmem_shared>> -> memref<5248x16xf32, #tpu.memory_space<vmem_shared>>
      tpu.wait_indirect_dma semaphore(%run_scoped3A : memref<!tpu.dma_semaphore, #tpu.memory_space<semaphore_mem>>) src(%arg15 : memref<80x16xf32, #tpu.memory_space<vmem>>) dst(%dma_wait3A_111 : memref<5248x16xf32, #tpu.memory_space<vmem_shared>>)
      tpu.yield
    }) : () -> ()
    %scan3A_55 = arith.constant 0 : i32
    %scan3A_56 = arith.constant 5 : i32
    %scan3A_57 = arith.addi %scan3A_55, %scan3A_56 : i32
    %scan3A_58 = arith.constant 1 : i32
    scf.for %scan3A_106 = %scan3A_55 to %scan3A_57 step %scan3A_58  : i32 {
      %mul3A_107 = arith.constant 1 : i32
      %mul3A_108 = arith.muli %scan3A_106, %mul3A_107 : i32
      %add3A_109 = arith.constant 0 : i32
      %add3A_110 = arith.addi %add3A_109, %mul3A_108 : i32
      %mul3A_111 = arith.constant 16 : i32
      %mul3A_112 = arith.muli %add3A_110, %mul3A_111 : i32
      %get3A = arith.index_cast %mul3A_112 : i32 to index
      %get3A_113 = tpu.vector_load %arg13[%get3A] {strides = array<i32>} : memref<80xi32, #tpu.memory_space<vmem>>, vector<16xi32>,
      %get3A_114 = vector.shape_cast %get3A_113 : vector<16xi32> to vector<16xi32>
      %sub3A = vector.broadcast %mul3A_31 : i32 to vector<16xi32>
      %sub3A_115 = arith.subi %get3A_114, %sub3A : vector<16xi32>
      %ge3A = arith.constant 0 : i32
      %ge3A_116 = vector.broadcast %ge3A : i32 to vector<16xi32>
      %ge3A_117 = arith.cmpi sge, %sub3A_115, %ge3A_116 : vector<16xi32>
      %lt3A = arith.constant 5120 : i32
      %lt3A_118 = vector.broadcast %lt3A : i32 to vector<16xi32>
      %lt3A_119 = arith.cmpi slt, %sub3A_115, %lt3A_118 : vector<16xi32>
      %and3A = arith.andi %ge3A_117, %lt3A_119 : vector<16xi1>
      %jit3A = arith.constant 5127 : i32
      %broadcast_in_dim3A_120 = vector.broadcast %jit3A : i32 to vector<16xi32>
      %select_n3A = arith.select %and3A, %sub3A_115, %broadcast_in_dim3A_120 : vector<16xi1>, vector<16xi32>
      %mul3A_121 = arith.constant 16 : i32
      %mul3A_122 = arith.muli %add3A_110, %mul3A_121 : i32
      %swap3A = arith.index_cast %mul3A_122 : i32 to index
      %swap3A_123 = tpu.vector_load %arg13[%swap3A] {strides = array<i32>} : memref<80xi32, #tpu.memory_space<vmem>>, vector<16xi32>,
      %swap3A_124 = vector.shape_cast %swap3A_123 : vector<16xi32> to vector<16xi32>
      %swap3A_125 = vector.shape_cast %select_n3A : vector<16xi32> to vector<16xi32>
      tpu.vector_store %arg13[%swap3A], %swap3A_125 {strides = array<i32>} : memref<80xi32, #tpu.memory_space<vmem>>, vector<16xi32>,
    }
    %scan3A_59 = arith.constant 5 : i32
    %dma_wait3A_60 = arith.constant 0 : i32
    %dma_wait3A_61 = arith.constant 0 : i32
    %dma_wait3A_62 = tpu.memref_slice %arg2[%dma_wait3A_60, %dma_wait3A_61] : memref<10000x128xf32, #tpu.memory_space<hbm>> -> memref<10000x128xf32, #tpu.memory_space<hbm>>
    tpu.wait_indirect_dma semaphore(%arg17 : memref<!tpu.dma_semaphore, #tpu.memory_space<semaphore_mem>>) src(%dma_wait3A_62 : memref<10000x128xf32, #tpu.memory_space<hbm>>) dst(%arg14 : memref<80x128xf32, #tpu.memory_space<vmem>>)
    "tpu.region"() ({
      %run_scoped3A = tpu.sem_alloc : memref<!tpu.dma_semaphore, #tpu.memory_space<semaphore_mem>>
      %dma_start3A_106 = arith.constant 0 : i32
      %dma_start3A_107 = arith.constant 0 : i32
      %dma_start3A_108 = tpu.memref_slice %arg7[%dma_start3A_106, %dma_start3A_107] : memref<5248x128xf32, #tpu.memory_space<vmem_shared>> -> memref<5248x128xf32, #tpu.memory_space<vmem_shared>>
      tpu.enqueue_indirect_dma source(%arg14 : memref<80x128xf32, #tpu.memory_space<vmem>>) target(%dma_start3A_108 : memref<5248x128xf32, #tpu.memory_space<vmem_shared>>) offsets(%arg13 : memref<80xi32, #tpu.memory_space<vmem>>) semaphore(%run_scoped3A : memref<!tpu.dma_semaphore, #tpu.memory_space<semaphore_mem>>) {add = true}
      %dma_wait3A_109 = arith.constant 0 : i32
      %dma_wait3A_110 = arith.constant 0 : i32
      %dma_wait3A_111 = tpu.memref_slice %arg7[%dma_wait3A_109, %dma_wait3A_110] : memref<5248x128xf32, #tpu.memory_space<vmem_shared>> -> memref<5248x128xf32, #tpu.memory_space<vmem_shared>>
      tpu.wait_indirect_dma semaphore(%run_scoped3A : memref<!tpu.dma_semaphore, #tpu.memory_space<semaphore_mem>>) src(%arg14 : memref<80x128xf32, #tpu.memory_space<vmem>>) dst(%dma_wait3A_111 : memref<5248x128xf32, #tpu.memory_space<vmem_shared>>)
      tpu.yield
    }) : () -> ()
    "tpu.region"() ({
      %run_scoped3A = tpu.sem_alloc : memref<!tpu.dma_semaphore, #tpu.memory_space<semaphore_mem>>
      %dma_start3A_106 = arith.constant 0 : i32
      %dma_start3A_107 = arith.constant 0 : i32
      %dma_start3A_108 = tpu.memref_slice %arg8[%dma_start3A_106, %dma_start3A_107] : memref<5248x16xf32, #tpu.memory_space<vmem_shared>> -> memref<5248x16xf32, #tpu.memory_space<vmem_shared>>
      tpu.enqueue_indirect_dma source(%arg15 : memref<80x16xf32, #tpu.memory_space<vmem>>) target(%dma_start3A_108 : memref<5248x16xf32, #tpu.memory_space<vmem_shared>>) offsets(%arg13 : memref<80xi32, #tpu.memory_space<vmem>>) semaphore(%run_scoped3A : memref<!tpu.dma_semaphore, #tpu.memory_space<semaphore_mem>>) {add = true}
      %dma_wait3A_109 = arith.constant 0 : i32
      %dma_wait3A_110 = arith.constant 0 : i32
      %dma_wait3A_111 = tpu.memref_slice %arg8[%dma_wait3A_109, %dma_wait3A_110] : memref<5248x16xf32, #tpu.memory_space<vmem_shared>> -> memref<5248x16xf32, #tpu.memory_space<vmem_shared>>
      tpu.wait_indirect_dma semaphore(%run_scoped3A : memref<!tpu.dma_semaphore, #tpu.memory_space<semaphore_mem>>) src(%arg15 : memref<80x16xf32, #tpu.memory_space<vmem>>) dst(%dma_wait3A_111 : memref<5248x16xf32, #tpu.memory_space<vmem_shared>>)
      tpu.yield
    }) : () -> ()
    %barrier3A_63 = arith.constant 0 : index
    tpu.barrier barrier_id(%barrier3A_63)
    %mul3A_64 = arith.constant 320 : i32
    %mul3A_65 = arith.muli %arg1, %mul3A_64 : i32
    %add3A_66 = arith.constant 0 : i32
    %add3A_67 = arith.addi %mul3A_65, %add3A_66 : i32
    "tpu.region"() ({
      %run_scoped3A = tpu.sem_alloc : memref<!tpu.dma_semaphore, #tpu.memory_space<semaphore_mem>>
      %dma_start3A_106 = arith.constant 0 : i32
      %dma_start3A_107 = tpu.memref_slice %arg7[%add3A_67, %dma_start3A_106] : memref<5248x128xf32, #tpu.memory_space<vmem_shared>> -> memref<80x128xf32, #tpu.memory_space<vmem_shared>>
      %dma_start3A_108 = arith.constant 0 : i32
      %dma_start3A_109 = tpu.memref_slice %arg7[%add3A_67, %dma_start3A_108] : memref<5248x128xf32, #tpu.memory_space<vmem_shared>> -> memref<80x128xf32, #tpu.memory_space<vmem_shared>>
      tpu.enqueue_dma source(%dma_start3A_109 : memref<80x128xf32, #tpu.memory_space<vmem_shared>>) target(%arg11 : memref<80x128xf32, #tpu.memory_space<vmem>>) target_semaphore(%run_scoped3A : memref<!tpu.dma_semaphore, #tpu.memory_space<semaphore_mem>>)
      %dma_wait3A_110 = arith.constant 0 : i32
      %dma_wait3A_111 = tpu.memref_slice %arg7[%add3A_67, %dma_wait3A_110] : memref<5248x128xf32, #tpu.memory_space<vmem_shared>> -> memref<80x128xf32, #tpu.memory_space<vmem_shared>>
      %dma_wait3A_112 = arith.constant 0 : i32
      %dma_wait3A_113 = tpu.memref_slice %arg7[%add3A_67, %dma_wait3A_112] : memref<5248x128xf32, #tpu.memory_space<vmem_shared>> -> memref<80x128xf32, #tpu.memory_space<vmem_shared>>
      tpu.wait_dma2 semaphore(%run_scoped3A : memref<!tpu.dma_semaphore, #tpu.memory_space<semaphore_mem>>) src(%dma_wait3A_113 : memref<80x128xf32, #tpu.memory_space<vmem_shared>>) dst(%arg11 : memref<80x128xf32, #tpu.memory_space<vmem>>)
      tpu.yield
    }) : () -> ()
    %add3A_68 = arith.addi %mul3A_31, %mul3A_65 : i32
    %add3A_69 = arith.constant 0 : i32
    %add3A_70 = arith.addi %add3A_68, %add3A_69 : i32
    "tpu.region"() ({
      %run_scoped3A = tpu.sem_alloc : memref<!tpu.dma_semaphore, #tpu.memory_space<semaphore_mem>>
      %dma_start3A_106 = arith.constant 0 : i32
      %dma_start3A_107 = tpu.memref_slice %arg5[%add3A_70, %dma_start3A_106] : memref<10240x128xf32, #tpu.memory_space<hbm>> -> memref<80x128xf32, #tpu.memory_space<hbm>>
      %dma_start3A_108 = arith.constant 0 : i32
      %dma_start3A_109 = tpu.memref_slice %arg5[%add3A_70, %dma_start3A_108] : memref<10240x128xf32, #tpu.memory_space<hbm>> -> memref<80x128xf32, #tpu.memory_space<hbm>>
      tpu.enqueue_dma source(%arg11 : memref<80x128xf32, #tpu.memory_space<vmem>>) target(%dma_start3A_109 : memref<80x128xf32, #tpu.memory_space<hbm>>) target_semaphore(%run_scoped3A : memref<!tpu.dma_semaphore, #tpu.memory_space<semaphore_mem>>)
      %dma_wait3A_110 = arith.constant 0 : i32
      %dma_wait3A_111 = tpu.memref_slice %arg5[%add3A_70, %dma_wait3A_110] : memref<10240x128xf32, #tpu.memory_space<hbm>> -> memref<80x128xf32, #tpu.memory_space<hbm>>
      %dma_wait3A_112 = arith.constant 0 : i32
      %dma_wait3A_113 = tpu.memref_slice %arg5[%add3A_70, %dma_wait3A_112] : memref<10240x128xf32, #tpu.memory_space<hbm>> -> memref<80x128xf32, #tpu.memory_space<hbm>>
      tpu.wait_dma2 semaphore(%run_scoped3A : memref<!tpu.dma_semaphore, #tpu.memory_space<semaphore_mem>>) src(%arg11 : memref<80x128xf32, #tpu.memory_space<vmem>>) dst(%dma_wait3A_113 : memref<80x128xf32, #tpu.memory_space<hbm>>)
      tpu.yield
    }) : () -> ()
    %add3A_71 = arith.constant 0 : i32
    %add3A_72 = arith.addi %mul3A_65, %add3A_71 : i32
    "tpu.region"() ({
      %run_scoped3A = tpu.sem_alloc : memref<!tpu.dma_semaphore, #tpu.memory_space<semaphore_mem>>
      %dma_start3A_106 = arith.constant 0 : i32
      %dma_start3A_107 = tpu.memref_slice %arg8[%add3A_72, %dma_start3A_106] : memref<5248x16xf32, #tpu.memory_space<vmem_shared>> -> memref<80x16xf32, #tpu.memory_space<vmem_shared>>
      %dma_start3A_108 = arith.constant 0 : i32
      %dma_start3A_109 = tpu.memref_slice %arg8[%add3A_72, %dma_start3A_108] : memref<5248x16xf32, #tpu.memory_space<vmem_shared>> -> memref<80x16xf32, #tpu.memory_space<vmem_shared>>
      tpu.enqueue_dma source(%dma_start3A_109 : memref<80x16xf32, #tpu.memory_space<vmem_shared>>) target(%arg15 : memref<80x16xf32, #tpu.memory_space<vmem>>) target_semaphore(%run_scoped3A : memref<!tpu.dma_semaphore, #tpu.memory_space<semaphore_mem>>)
      %dma_wait3A_110 = arith.constant 0 : i32
      %dma_wait3A_111 = tpu.memref_slice %arg8[%add3A_72, %dma_wait3A_110] : memref<5248x16xf32, #tpu.memory_space<vmem_shared>> -> memref<80x16xf32, #tpu.memory_space<vmem_shared>>
      %dma_wait3A_112 = arith.constant 0 : i32
      %dma_wait3A_113 = tpu.memref_slice %arg8[%add3A_72, %dma_wait3A_112] : memref<5248x16xf32, #tpu.memory_space<vmem_shared>> -> memref<80x16xf32, #tpu.memory_space<vmem_shared>>
      tpu.wait_dma2 semaphore(%run_scoped3A : memref<!tpu.dma_semaphore, #tpu.memory_space<semaphore_mem>>) src(%dma_wait3A_113 : memref<80x16xf32, #tpu.memory_space<vmem_shared>>) dst(%arg15 : memref<80x16xf32, #tpu.memory_space<vmem>>)
      tpu.yield
    }) : () -> ()
    %add3A_73 = arith.addi %mul3A_31, %mul3A_65 : i32
    %add3A_74 = arith.constant 0 : i32
    %add3A_75 = arith.addi %add3A_73, %add3A_74 : i32
    "tpu.region"() ({
      %run_scoped3A = tpu.sem_alloc : memref<!tpu.dma_semaphore, #tpu.memory_space<semaphore_mem>>
      %dma_start3A_106 = arith.constant 0 : i32
      %dma_start3A_107 = tpu.memref_slice %arg6[%add3A_75, %dma_start3A_106] : memref<10240x16xf32, #tpu.memory_space<hbm>> -> memref<80x16xf32, #tpu.memory_space<hbm>>
      %dma_start3A_108 = arith.constant 0 : i32
      %dma_start3A_109 = tpu.memref_slice %arg6[%add3A_75, %dma_start3A_108] : memref<10240x16xf32, #tpu.memory_space<hbm>> -> memref<80x16xf32, #tpu.memory_space<hbm>>
      tpu.enqueue_dma source(%arg15 : memref<80x16xf32, #tpu.memory_space<vmem>>) target(%dma_start3A_109 : memref<80x16xf32, #tpu.memory_space<hbm>>) target_semaphore(%run_scoped3A : memref<!tpu.dma_semaphore, #tpu.memory_space<semaphore_mem>>)
      %dma_wait3A_110 = arith.constant 0 : i32
      %dma_wait3A_111 = tpu.memref_slice %arg6[%add3A_75, %dma_wait3A_110] : memref<10240x16xf32, #tpu.memory_space<hbm>> -> memref<80x16xf32, #tpu.memory_space<hbm>>
      %dma_wait3A_112 = arith.constant 0 : i32
      %dma_wait3A_113 = tpu.memref_slice %arg6[%add3A_75, %dma_wait3A_112] : memref<10240x16xf32, #tpu.memory_space<hbm>> -> memref<80x16xf32, #tpu.memory_space<hbm>>
      tpu.wait_dma2 semaphore(%run_scoped3A : memref<!tpu.dma_semaphore, #tpu.memory_space<semaphore_mem>>) src(%arg15 : memref<80x16xf32, #tpu.memory_space<vmem>>) dst(%dma_wait3A_113 : memref<80x16xf32, #tpu.memory_space<hbm>>)
      tpu.yield
    }) : () -> ()
    %add3A_76 = arith.constant 80 : i32
    %add3A_77 = arith.addi %mul3A_65, %add3A_76 : i32
    "tpu.region"() ({
      %run_scoped3A = tpu.sem_alloc : memref<!tpu.dma_semaphore, #tpu.memory_space<semaphore_mem>>
      %dma_start3A_106 = arith.constant 0 : i32
      %dma_start3A_107 = tpu.memref_slice %arg7[%add3A_77, %dma_start3A_106] : memref<5248x128xf32, #tpu.memory_space<vmem_shared>> -> memref<80x128xf32, #tpu.memory_space<vmem_shared>>
      %dma_start3A_108 = arith.constant 0 : i32
      %dma_start3A_109 = tpu.memref_slice %arg7[%add3A_77, %dma_start3A_108] : memref<5248x128xf32, #tpu.memory_space<vmem_shared>> -> memref<80x128xf32, #tpu.memory_space<vmem_shared>>
      tpu.enqueue_dma source(%dma_start3A_109 : memref<80x128xf32, #tpu.memory_space<vmem_shared>>) target(%arg11 : memref<80x128xf32, #tpu.memory_space<vmem>>) target_semaphore(%run_scoped3A : memref<!tpu.dma_semaphore, #tpu.memory_space<semaphore_mem>>)
      %dma_wait3A_110 = arith.constant 0 : i32
      %dma_wait3A_111 = tpu.memref_slice %arg7[%add3A_77, %dma_wait3A_110] : memref<5248x128xf32, #tpu.memory_space<vmem_shared>> -> memref<80x128xf32, #tpu.memory_space<vmem_shared>>
      %dma_wait3A_112 = arith.constant 0 : i32
      %dma_wait3A_113 = tpu.memref_slice %arg7[%add3A_77, %dma_wait3A_112] : memref<5248x128xf32, #tpu.memory_space<vmem_shared>> -> memref<80x128xf32, #tpu.memory_space<vmem_shared>>
      tpu.wait_dma2 semaphore(%run_scoped3A : memref<!tpu.dma_semaphore, #tpu.memory_space<semaphore_mem>>) src(%dma_wait3A_113 : memref<80x128xf32, #tpu.memory_space<vmem_shared>>) dst(%arg11 : memref<80x128xf32, #tpu.memory_space<vmem>>)
      tpu.yield
    }) : () -> ()
    %add3A_78 = arith.addi %mul3A_31, %mul3A_65 : i32
    %add3A_79 = arith.constant 80 : i32
    %add3A_80 = arith.addi %add3A_78, %add3A_79 : i32
    "tpu.region"() ({
      %run_scoped3A = tpu.sem_alloc : memref<!tpu.dma_semaphore, #tpu.memory_space<semaphore_mem>>
      %dma_start3A_106 = arith.constant 0 : i32
      %dma_start3A_107 = tpu.memref_slice %arg5[%add3A_80, %dma_start3A_106] : memref<10240x128xf32, #tpu.memory_space<hbm>> -> memref<80x128xf32, #tpu.memory_space<hbm>>
      %dma_start3A_108 = arith.constant 0 : i32
      %dma_start3A_109 = tpu.memref_slice %arg5[%add3A_80, %dma_start3A_108] : memref<10240x128xf32, #tpu.memory_space<hbm>> -> memref<80x128xf32, #tpu.memory_space<hbm>>
      tpu.enqueue_dma source(%arg11 : memref<80x128xf32, #tpu.memory_space<vmem>>) target(%dma_start3A_109 : memref<80x128xf32, #tpu.memory_space<hbm>>) target_semaphore(%run_scoped3A : memref<!tpu.dma_semaphore, #tpu.memory_space<semaphore_mem>>)
      %dma_wait3A_110 = arith.constant 0 : i32
      %dma_wait3A_111 = tpu.memref_slice %arg5[%add3A_80, %dma_wait3A_110] : memref<10240x128xf32, #tpu.memory_space<hbm>> -> memref<80x128xf32, #tpu.memory_space<hbm>>
      %dma_wait3A_112 = arith.constant 0 : i32
      %dma_wait3A_113 = tpu.memref_slice %arg5[%add3A_80, %dma_wait3A_112] : memref<10240x128xf32, #tpu.memory_space<hbm>> -> memref<80x128xf32, #tpu.memory_space<hbm>>
      tpu.wait_dma2 semaphore(%run_scoped3A : memref<!tpu.dma_semaphore, #tpu.memory_space<semaphore_mem>>) src(%arg11 : memref<80x128xf32, #tpu.memory_space<vmem>>) dst(%dma_wait3A_113 : memref<80x128xf32, #tpu.memory_space<hbm>>)
      tpu.yield
    }) : () -> ()
    %add3A_81 = arith.constant 80 : i32
    %add3A_82 = arith.addi %mul3A_65, %add3A_81 : i32
    "tpu.region"() ({
      %run_scoped3A = tpu.sem_alloc : memref<!tpu.dma_semaphore, #tpu.memory_space<semaphore_mem>>
      %dma_start3A_106 = arith.constant 0 : i32
      %dma_start3A_107 = tpu.memref_slice %arg8[%add3A_82, %dma_start3A_106] : memref<5248x16xf32, #tpu.memory_space<vmem_shared>> -> memref<80x16xf32, #tpu.memory_space<vmem_shared>>
      %dma_start3A_108 = arith.constant 0 : i32
      %dma_start3A_109 = tpu.memref_slice %arg8[%add3A_82, %dma_start3A_108] : memref<5248x16xf32, #tpu.memory_space<vmem_shared>> -> memref<80x16xf32, #tpu.memory_space<vmem_shared>>
      tpu.enqueue_dma source(%dma_start3A_109 : memref<80x16xf32, #tpu.memory_space<vmem_shared>>) target(%arg15 : memref<80x16xf32, #tpu.memory_space<vmem>>) target_semaphore(%run_scoped3A : memref<!tpu.dma_semaphore, #tpu.memory_space<semaphore_mem>>)
      %dma_wait3A_110 = arith.constant 0 : i32
      %dma_wait3A_111 = tpu.memref_slice %arg8[%add3A_82, %dma_wait3A_110] : memref<5248x16xf32, #tpu.memory_space<vmem_shared>> -> memref<80x16xf32, #tpu.memory_space<vmem_shared>>
      %dma_wait3A_112 = arith.constant 0 : i32
      %dma_wait3A_113 = tpu.memref_slice %arg8[%add3A_82, %dma_wait3A_112] : memref<5248x16xf32, #tpu.memory_space<vmem_shared>> -> memref<80x16xf32, #tpu.memory_space<vmem_shared>>
      tpu.wait_dma2 semaphore(%run_scoped3A : memref<!tpu.dma_semaphore, #tpu.memory_space<semaphore_mem>>) src(%dma_wait3A_113 : memref<80x16xf32, #tpu.memory_space<vmem_shared>>) dst(%arg15 : memref<80x16xf32, #tpu.memory_space<vmem>>)
      tpu.yield
    }) : () -> ()
    %add3A_83 = arith.addi %mul3A_31, %mul3A_65 : i32
    %add3A_84 = arith.constant 80 : i32
    %add3A_85 = arith.addi %add3A_83, %add3A_84 : i32
    "tpu.region"() ({
      %run_scoped3A = tpu.sem_alloc : memref<!tpu.dma_semaphore, #tpu.memory_space<semaphore_mem>>
      %dma_start3A_106 = arith.constant 0 : i32
      %dma_start3A_107 = tpu.memref_slice %arg6[%add3A_85, %dma_start3A_106] : memref<10240x16xf32, #tpu.memory_space<hbm>> -> memref<80x16xf32, #tpu.memory_space<hbm>>
      %dma_start3A_108 = arith.constant 0 : i32
      %dma_start3A_109 = tpu.memref_slice %arg6[%add3A_85, %dma_start3A_108] : memref<10240x16xf32, #tpu.memory_space<hbm>> -> memref<80x16xf32, #tpu.memory_space<hbm>>
      tpu.enqueue_dma source(%arg15 : memref<80x16xf32, #tpu.memory_space<vmem>>) target(%dma_start3A_109 : memref<80x16xf32, #tpu.memory_space<hbm>>) target_semaphore(%run_scoped3A : memref<!tpu.dma_semaphore, #tpu.memory_space<semaphore_mem>>)
      %dma_wait3A_110 = arith.constant 0 : i32
      %dma_wait3A_111 = tpu.memref_slice %arg6[%add3A_85, %dma_wait3A_110] : memref<10240x16xf32, #tpu.memory_space<hbm>> -> memref<80x16xf32, #tpu.memory_space<hbm>>
      %dma_wait3A_112 = arith.constant 0 : i32
      %dma_wait3A_113 = tpu.memref_slice %arg6[%add3A_85, %dma_wait3A_112] : memref<10240x16xf32, #tpu.memory_space<hbm>> -> memref<80x16xf32, #tpu.memory_space<hbm>>
      tpu.wait_dma2 semaphore(%run_scoped3A : memref<!tpu.dma_semaphore, #tpu.memory_space<semaphore_mem>>) src(%arg15 : memref<80x16xf32, #tpu.memory_space<vmem>>) dst(%dma_wait3A_113 : memref<80x16xf32, #tpu.memory_space<hbm>>)
      tpu.yield
    }) : () -> ()
    %add3A_86 = arith.constant 160 : i32
    %add3A_87 = arith.addi %mul3A_65, %add3A_86 : i32
    "tpu.region"() ({
      %run_scoped3A = tpu.sem_alloc : memref<!tpu.dma_semaphore, #tpu.memory_space<semaphore_mem>>
      %dma_start3A_106 = arith.constant 0 : i32
      %dma_start3A_107 = tpu.memref_slice %arg7[%add3A_87, %dma_start3A_106] : memref<5248x128xf32, #tpu.memory_space<vmem_shared>> -> memref<80x128xf32, #tpu.memory_space<vmem_shared>>
      %dma_start3A_108 = arith.constant 0 : i32
      %dma_start3A_109 = tpu.memref_slice %arg7[%add3A_87, %dma_start3A_108] : memref<5248x128xf32, #tpu.memory_space<vmem_shared>> -> memref<80x128xf32, #tpu.memory_space<vmem_shared>>
      tpu.enqueue_dma source(%dma_start3A_109 : memref<80x128xf32, #tpu.memory_space<vmem_shared>>) target(%arg11 : memref<80x128xf32, #tpu.memory_space<vmem>>) target_semaphore(%run_scoped3A : memref<!tpu.dma_semaphore, #tpu.memory_space<semaphore_mem>>)
      %dma_wait3A_110 = arith.constant 0 : i32
      %dma_wait3A_111 = tpu.memref_slice %arg7[%add3A_87, %dma_wait3A_110] : memref<5248x128xf32, #tpu.memory_space<vmem_shared>> -> memref<80x128xf32, #tpu.memory_space<vmem_shared>>
      %dma_wait3A_112 = arith.constant 0 : i32
      %dma_wait3A_113 = tpu.memref_slice %arg7[%add3A_87, %dma_wait3A_112] : memref<5248x128xf32, #tpu.memory_space<vmem_shared>> -> memref<80x128xf32, #tpu.memory_space<vmem_shared>>
      tpu.wait_dma2 semaphore(%run_scoped3A : memref<!tpu.dma_semaphore, #tpu.memory_space<semaphore_mem>>) src(%dma_wait3A_113 : memref<80x128xf32, #tpu.memory_space<vmem_shared>>) dst(%arg11 : memref<80x128xf32, #tpu.memory_space<vmem>>)
      tpu.yield
    }) : () -> ()
    %add3A_88 = arith.addi %mul3A_31, %mul3A_65 : i32
    %add3A_89 = arith.constant 160 : i32
    %add3A_90 = arith.addi %add3A_88, %add3A_89 : i32
    "tpu.region"() ({
      %run_scoped3A = tpu.sem_alloc : memref<!tpu.dma_semaphore, #tpu.memory_space<semaphore_mem>>
      %dma_start3A_106 = arith.constant 0 : i32
      %dma_start3A_107 = tpu.memref_slice %arg5[%add3A_90, %dma_start3A_106] : memref<10240x128xf32, #tpu.memory_space<hbm>> -> memref<80x128xf32, #tpu.memory_space<hbm>>
      %dma_start3A_108 = arith.constant 0 : i32
      %dma_start3A_109 = tpu.memref_slice %arg5[%add3A_90, %dma_start3A_108] : memref<10240x128xf32, #tpu.memory_space<hbm>> -> memref<80x128xf32, #tpu.memory_space<hbm>>
      tpu.enqueue_dma source(%arg11 : memref<80x128xf32, #tpu.memory_space<vmem>>) target(%dma_start3A_109 : memref<80x128xf32, #tpu.memory_space<hbm>>) target_semaphore(%run_scoped3A : memref<!tpu.dma_semaphore, #tpu.memory_space<semaphore_mem>>)
      %dma_wait3A_110 = arith.constant 0 : i32
      %dma_wait3A_111 = tpu.memref_slice %arg5[%add3A_90, %dma_wait3A_110] : memref<10240x128xf32, #tpu.memory_space<hbm>> -> memref<80x128xf32, #tpu.memory_space<hbm>>
      %dma_wait3A_112 = arith.constant 0 : i32
      %dma_wait3A_113 = tpu.memref_slice %arg5[%add3A_90, %dma_wait3A_112] : memref<10240x128xf32, #tpu.memory_space<hbm>> -> memref<80x128xf32, #tpu.memory_space<hbm>>
      tpu.wait_dma2 semaphore(%run_scoped3A : memref<!tpu.dma_semaphore, #tpu.memory_space<semaphore_mem>>) src(%arg11 : memref<80x128xf32, #tpu.memory_space<vmem>>) dst(%dma_wait3A_113 : memref<80x128xf32, #tpu.memory_space<hbm>>)
      tpu.yield
    }) : () -> ()
    %add3A_91 = arith.constant 160 : i32
    %add3A_92 = arith.addi %mul3A_65, %add3A_91 : i32
    "tpu.region"() ({
      %run_scoped3A = tpu.sem_alloc : memref<!tpu.dma_semaphore, #tpu.memory_space<semaphore_mem>>
      %dma_start3A_106 = arith.constant 0 : i32
      %dma_start3A_107 = tpu.memref_slice %arg8[%add3A_92, %dma_start3A_106] : memref<5248x16xf32, #tpu.memory_space<vmem_shared>> -> memref<80x16xf32, #tpu.memory_space<vmem_shared>>
      %dma_start3A_108 = arith.constant 0 : i32
      %dma_start3A_109 = tpu.memref_slice %arg8[%add3A_92, %dma_start3A_108] : memref<5248x16xf32, #tpu.memory_space<vmem_shared>> -> memref<80x16xf32, #tpu.memory_space<vmem_shared>>
      tpu.enqueue_dma source(%dma_start3A_109 : memref<80x16xf32, #tpu.memory_space<vmem_shared>>) target(%arg15 : memref<80x16xf32, #tpu.memory_space<vmem>>) target_semaphore(%run_scoped3A : memref<!tpu.dma_semaphore, #tpu.memory_space<semaphore_mem>>)
      %dma_wait3A_110 = arith.constant 0 : i32
      %dma_wait3A_111 = tpu.memref_slice %arg8[%add3A_92, %dma_wait3A_110] : memref<5248x16xf32, #tpu.memory_space<vmem_shared>> -> memref<80x16xf32, #tpu.memory_space<vmem_shared>>
      %dma_wait3A_112 = arith.constant 0 : i32
      %dma_wait3A_113 = tpu.memref_slice %arg8[%add3A_92, %dma_wait3A_112] : memref<5248x16xf32, #tpu.memory_space<vmem_shared>> -> memref<80x16xf32, #tpu.memory_space<vmem_shared>>
      tpu.wait_dma2 semaphore(%run_scoped3A : memref<!tpu.dma_semaphore, #tpu.memory_space<semaphore_mem>>) src(%dma_wait3A_113 : memref<80x16xf32, #tpu.memory_space<vmem_shared>>) dst(%arg15 : memref<80x16xf32, #tpu.memory_space<vmem>>)
      tpu.yield
    }) : () -> ()
    %add3A_93 = arith.addi %mul3A_31, %mul3A_65 : i32
    %add3A_94 = arith.constant 160 : i32
    %add3A_95 = arith.addi %add3A_93, %add3A_94 : i32
    "tpu.region"() ({
      %run_scoped3A = tpu.sem_alloc : memref<!tpu.dma_semaphore, #tpu.memory_space<semaphore_mem>>
      %dma_start3A_106 = arith.constant 0 : i32
      %dma_start3A_107 = tpu.memref_slice %arg6[%add3A_95, %dma_start3A_106] : memref<10240x16xf32, #tpu.memory_space<hbm>> -> memref<80x16xf32, #tpu.memory_space<hbm>>
      %dma_start3A_108 = arith.constant 0 : i32
      %dma_start3A_109 = tpu.memref_slice %arg6[%add3A_95, %dma_start3A_108] : memref<10240x16xf32, #tpu.memory_space<hbm>> -> memref<80x16xf32, #tpu.memory_space<hbm>>
      tpu.enqueue_dma source(%arg15 : memref<80x16xf32, #tpu.memory_space<vmem>>) target(%dma_start3A_109 : memref<80x16xf32, #tpu.memory_space<hbm>>) target_semaphore(%run_scoped3A : memref<!tpu.dma_semaphore, #tpu.memory_space<semaphore_mem>>)
      %dma_wait3A_110 = arith.constant 0 : i32
      %dma_wait3A_111 = tpu.memref_slice %arg6[%add3A_95, %dma_wait3A_110] : memref<10240x16xf32, #tpu.memory_space<hbm>> -> memref<80x16xf32, #tpu.memory_space<hbm>>
      %dma_wait3A_112 = arith.constant 0 : i32
      %dma_wait3A_113 = tpu.memref_slice %arg6[%add3A_95, %dma_wait3A_112] : memref<10240x16xf32, #tpu.memory_space<hbm>> -> memref<80x16xf32, #tpu.memory_space<hbm>>
      tpu.wait_dma2 semaphore(%run_scoped3A : memref<!tpu.dma_semaphore, #tpu.memory_space<semaphore_mem>>) src(%arg15 : memref<80x16xf32, #tpu.memory_space<vmem>>) dst(%dma_wait3A_113 : memref<80x16xf32, #tpu.memory_space<hbm>>)
      tpu.yield
    }) : () -> ()
    %add3A_96 = arith.constant 240 : i32
    %add3A_97 = arith.addi %mul3A_65, %add3A_96 : i32
    "tpu.region"() ({
      %run_scoped3A = tpu.sem_alloc : memref<!tpu.dma_semaphore, #tpu.memory_space<semaphore_mem>>
      %dma_start3A_106 = arith.constant 0 : i32
      %dma_start3A_107 = tpu.memref_slice %arg7[%add3A_97, %dma_start3A_106] : memref<5248x128xf32, #tpu.memory_space<vmem_shared>> -> memref<80x128xf32, #tpu.memory_space<vmem_shared>>
      %dma_start3A_108 = arith.constant 0 : i32
      %dma_start3A_109 = tpu.memref_slice %arg7[%add3A_97, %dma_start3A_108] : memref<5248x128xf32, #tpu.memory_space<vmem_shared>> -> memref<80x128xf32, #tpu.memory_space<vmem_shared>>
      tpu.enqueue_dma source(%dma_start3A_109 : memref<80x128xf32, #tpu.memory_space<vmem_shared>>) target(%arg11 : memref<80x128xf32, #tpu.memory_space<vmem>>) target_semaphore(%run_scoped3A : memref<!tpu.dma_semaphore, #tpu.memory_space<semaphore_mem>>)
      %dma_wait3A_110 = arith.constant 0 : i32
      %dma_wait3A_111 = tpu.memref_slice %arg7[%add3A_97, %dma_wait3A_110] : memref<5248x128xf32, #tpu.memory_space<vmem_shared>> -> memref<80x128xf32, #tpu.memory_space<vmem_shared>>
      %dma_wait3A_112 = arith.constant 0 : i32
      %dma_wait3A_113 = tpu.memref_slice %arg7[%add3A_97, %dma_wait3A_112] : memref<5248x128xf32, #tpu.memory_space<vmem_shared>> -> memref<80x128xf32, #tpu.memory_space<vmem_shared>>
      tpu.wait_dma2 semaphore(%run_scoped3A : memref<!tpu.dma_semaphore, #tpu.memory_space<semaphore_mem>>) src(%dma_wait3A_113 : memref<80x128xf32, #tpu.memory_space<vmem_shared>>) dst(%arg11 : memref<80x128xf32, #tpu.memory_space<vmem>>)
      tpu.yield
    }) : () -> ()
    %add3A_98 = arith.addi %mul3A_31, %mul3A_65 : i32
    %add3A_99 = arith.constant 240 : i32
    %add3A_100 = arith.addi %add3A_98, %add3A_99 : i32
    "tpu.region"() ({
      %run_scoped3A = tpu.sem_alloc : memref<!tpu.dma_semaphore, #tpu.memory_space<semaphore_mem>>
      %dma_start3A_106 = arith.constant 0 : i32
      %dma_start3A_107 = tpu.memref_slice %arg5[%add3A_100, %dma_start3A_106] : memref<10240x128xf32, #tpu.memory_space<hbm>> -> memref<80x128xf32, #tpu.memory_space<hbm>>
      %dma_start3A_108 = arith.constant 0 : i32
      %dma_start3A_109 = tpu.memref_slice %arg5[%add3A_100, %dma_start3A_108] : memref<10240x128xf32, #tpu.memory_space<hbm>> -> memref<80x128xf32, #tpu.memory_space<hbm>>
      tpu.enqueue_dma source(%arg11 : memref<80x128xf32, #tpu.memory_space<vmem>>) target(%dma_start3A_109 : memref<80x128xf32, #tpu.memory_space<hbm>>) target_semaphore(%run_scoped3A : memref<!tpu.dma_semaphore, #tpu.memory_space<semaphore_mem>>)
      %dma_wait3A_110 = arith.constant 0 : i32
      %dma_wait3A_111 = tpu.memref_slice %arg5[%add3A_100, %dma_wait3A_110] : memref<10240x128xf32, #tpu.memory_space<hbm>> -> memref<80x128xf32, #tpu.memory_space<hbm>>
      %dma_wait3A_112 = arith.constant 0 : i32
      %dma_wait3A_113 = tpu.memref_slice %arg5[%add3A_100, %dma_wait3A_112] : memref<10240x128xf32, #tpu.memory_space<hbm>> -> memref<80x128xf32, #tpu.memory_space<hbm>>
      tpu.wait_dma2 semaphore(%run_scoped3A : memref<!tpu.dma_semaphore, #tpu.memory_space<semaphore_mem>>) src(%arg11 : memref<80x128xf32, #tpu.memory_space<vmem>>) dst(%dma_wait3A_113 : memref<80x128xf32, #tpu.memory_space<hbm>>)
      tpu.yield
    }) : () -> ()
    %add3A_101 = arith.constant 240 : i32
    %add3A_102 = arith.addi %mul3A_65, %add3A_101 : i32
    "tpu.region"() ({
      %run_scoped3A = tpu.sem_alloc : memref<!tpu.dma_semaphore, #tpu.memory_space<semaphore_mem>>
      %dma_start3A_106 = arith.constant 0 : i32
      %dma_start3A_107 = tpu.memref_slice %arg8[%add3A_102, %dma_start3A_106] : memref<5248x16xf32, #tpu.memory_space<vmem_shared>> -> memref<80x16xf32, #tpu.memory_space<vmem_shared>>
      %dma_start3A_108 = arith.constant 0 : i32
      %dma_start3A_109 = tpu.memref_slice %arg8[%add3A_102, %dma_start3A_108] : memref<5248x16xf32, #tpu.memory_space<vmem_shared>> -> memref<80x16xf32, #tpu.memory_space<vmem_shared>>
      tpu.enqueue_dma source(%dma_start3A_109 : memref<80x16xf32, #tpu.memory_space<vmem_shared>>) target(%arg15 : memref<80x16xf32, #tpu.memory_space<vmem>>) target_semaphore(%run_scoped3A : memref<!tpu.dma_semaphore, #tpu.memory_space<semaphore_mem>>)
      %dma_wait3A_110 = arith.constant 0 : i32
      %dma_wait3A_111 = tpu.memref_slice %arg8[%add3A_102, %dma_wait3A_110] : memref<5248x16xf32, #tpu.memory_space<vmem_shared>> -> memref<80x16xf32, #tpu.memory_space<vmem_shared>>
      %dma_wait3A_112 = arith.constant 0 : i32
      %dma_wait3A_113 = tpu.memref_slice %arg8[%add3A_102, %dma_wait3A_112] : memref<5248x16xf32, #tpu.memory_space<vmem_shared>> -> memref<80x16xf32, #tpu.memory_space<vmem_shared>>
      tpu.wait_dma2 semaphore(%run_scoped3A : memref<!tpu.dma_semaphore, #tpu.memory_space<semaphore_mem>>) src(%dma_wait3A_113 : memref<80x16xf32, #tpu.memory_space<vmem_shared>>) dst(%arg15 : memref<80x16xf32, #tpu.memory_space<vmem>>)
      tpu.yield
    }) : () -> ()
    %add3A_103 = arith.addi %mul3A_31, %mul3A_65 : i32
    %add3A_104 = arith.constant 240 : i32
    %add3A_105 = arith.addi %add3A_103, %add3A_104 : i32
    "tpu.region"() ({
      %run_scoped3A = tpu.sem_alloc : memref<!tpu.dma_semaphore, #tpu.memory_space<semaphore_mem>>
      %dma_start3A_106 = arith.constant 0 : i32
      %dma_start3A_107 = tpu.memref_slice %arg6[%add3A_105, %dma_start3A_106] : memref<10240x16xf32, #tpu.memory_space<hbm>> -> memref<80x16xf32, #tpu.memory_space<hbm>>
      %dma_start3A_108 = arith.constant 0 : i32
      %dma_start3A_109 = tpu.memref_slice %arg6[%add3A_105, %dma_start3A_108] : memref<10240x16xf32, #tpu.memory_space<hbm>> -> memref<80x16xf32, #tpu.memory_space<hbm>>
      tpu.enqueue_dma source(%arg15 : memref<80x16xf32, #tpu.memory_space<vmem>>) target(%dma_start3A_109 : memref<80x16xf32, #tpu.memory_space<hbm>>) target_semaphore(%run_scoped3A : memref<!tpu.dma_semaphore, #tpu.memory_space<semaphore_mem>>)
      %dma_wait3A_110 = arith.constant 0 : i32
      %dma_wait3A_111 = tpu.memref_slice %arg6[%add3A_105, %dma_wait3A_110] : memref<10240x16xf32, #tpu.memory_space<hbm>> -> memref<80x16xf32, #tpu.memory_space<hbm>>
      %dma_wait3A_112 = arith.constant 0 : i32
      %dma_wait3A_113 = tpu.memref_slice %arg6[%add3A_105, %dma_wait3A_112] : memref<10240x16xf32, #tpu.memory_space<hbm>> -> memref<80x16xf32, #tpu.memory_space<hbm>>
      tpu.wait_dma2 semaphore(%run_scoped3A : memref<!tpu.dma_semaphore, #tpu.memory_space<semaphore_mem>>) src(%arg15 : memref<80x16xf32, #tpu.memory_space<vmem>>) dst(%dma_wait3A_113 : memref<80x16xf32, #tpu.memory_space<hbm>>)
      tpu.yield
    }) : () -> ()
    return
  }
}

#map = affine_map<(d0, d1) -> (0, 0)>
#map1 = affine_map<(d0, d1) -> (0)>
module attributes {stable_mosaic.version = 14 : i64} {
  func.func @body(%arg0: i32, %arg1: i32, %arg2: memref<10000x128xf32, #tpu.memory_space<hbm>>, %arg3: memref<320000xi32, #tpu.memory_space<hbm>>, %arg4: memref<320000xi32, #tpu.memory_space<hbm>>, %arg5: memref<10240x128xf32, #tpu.memory_space<hbm>>, %arg6: memref<10240x16xf32, #tpu.memory_space<hbm>>, %arg7: memref<5248x128xf32, #tpu.memory_space<vmem_shared>>, %arg8: memref<5248x16xf32, #tpu.memory_space<vmem_shared>>, %arg9: memref<80xi32, #tpu.memory_space<vmem>>, %arg10: memref<80xi32, #tpu.memory_space<vmem>>, %arg11: memref<80x128xf32, #tpu.memory_space<vmem>>, %arg12: memref<80xi32, #tpu.memory_space<vmem>>, %arg13: memref<80xi32, #tpu.memory_space<vmem>>, %arg14: memref<80x128xf32, #tpu.memory_space<vmem>>, %arg15: memref<80x16xf32, #tpu.memory_space<vmem>>, %arg16: memref<!tpu.dma_semaphore, #tpu.memory_space<semaphore_mem>>, %arg17: memref<!tpu.dma_semaphore, #tpu.memory_space<semaphore_mem>>) attributes {dimension_semantics = [#tpu.dimension_semantics<core_parallel>, #tpu.dimension_semantics<subcore_parallel>], iteration_bounds = array<i64: 2, 16>, scalar_prefetch = 0 : i64, scratch_operands = 11 : i64, tpu.core_type = #tpu.core_type<sc_vector_subcore>, window_params = [{transform_indices = #map}, {transform_indices = #map1}, {transform_indices = #map1}, {transform_indices = #map}, {transform_indices = #map}]} {
    %mul3A = arith.constant 328 : i32
    %mul3A_0 = arith.muli %arg1, %mul3A : i32
    %broadcast_in_dim3A = arith.constant 0.000000e+00 : f32
    %broadcast_in_dim3A_1 = vector.broadcast %broadcast_in_dim3A : f32 to vector<16xf32>
    %scan3A = arith.constant 0 : i32
    %scan3A_2 = arith.constant 80 : i32
    %scan3A_3 = arith.addi %scan3A, %scan3A_2 : i32
    %scan3A_4 = arith.constant 1 : i32
    scf.for %scan3A_106 = %scan3A to %scan3A_3 step %scan3A_4  : i32 {
      %mul3A_107 = arith.constant 1 : i32
      %mul3A_108 = arith.muli %scan3A_106, %mul3A_107 : i32
      %add3A_109 = arith.constant 0 : i32
      %add3A_110 = arith.addi %add3A_109, %mul3A_108 : i32
      %scan3A_111 = arith.constant 0 : i32
      %scan3A_112 = arith.constant 8 : i32
      %scan3A_113 = arith.addi %scan3A_111, %scan3A_112 : i32
      %scan3A_114 = arith.constant 1 : i32
      scf.for %scan3A_120 = %scan3A_111 to %scan3A_113 step %scan3A_114  : i32 {
        %mul3A_121 = arith.constant 1 : i32
        %mul3A_122 = arith.muli %scan3A_120, %mul3A_121 : i32
        %add3A_123 = arith.constant 0 : i32
        %add3A_124 = arith.addi %add3A_123, %mul3A_122 : i32
        %mul3A_125 = arith.constant 16 : i32
        %mul3A_126 = arith.muli %add3A_124, %mul3A_125 : i32
        %swap3A_127 = arith.index_cast %add3A_110 : i32 to index
        %swap3A_128 = arith.index_cast %mul3A_126 : i32 to index
        %swap3A_129 = tpu.vector_load %arg11[%swap3A_127, %swap3A_128] {strides = array<i32>} : memref<80x128xf32, #tpu.memory_space<vmem>>, vector<1x16xf32>,
        %swap3A_130 = vector.shape_cast %swap3A_129 : vector<1x16xf32> to vector<16xf32>
        %swap3A_131 = vector.shape_cast %broadcast_in_dim3A_1 : vector<16xf32> to vector<1x16xf32>
        tpu.vector_store %arg11[%swap3A_127, %swap3A_128], %swap3A_131 {strides = array<i32>} : memref<80x128xf32, #tpu.memory_space<vmem>>, vector<1x16xf32>,
      }
      %scan3A_115 = arith.constant 8 : i32
      %swap3A = arith.index_cast %add3A_110 : i32 to index
      %swap3A_116 = arith.constant 0 : index
      %swap3A_117 = tpu.vector_load %arg15[%swap3A, %swap3A_116] {strides = array<i32>} : memref<80x16xf32, #tpu.memory_space<vmem>>, vector<1x16xf32>,
      %swap3A_118 = vector.shape_cast %swap3A_117 : vector<1x16xf32> to vector<16xf32>
      %swap3A_119 = vector.shape_cast %broadcast_in_dim3A_1 : vector<16xf32> to vector<1x16xf32>
      tpu.vector_store %arg15[%swap3A, %swap3A_116], %swap3A_119 {strides = array<i32>} : memref<80x16xf32, #tpu.memory_space<vmem>>, vector<1x16xf32>,
    }
    %scan3A_5 = arith.constant 80 : i32
    %add3A = arith.constant 0 : i32
    %add3A_6 = arith.addi %mul3A_0, %add3A : i32
    "tpu.region"() ({
      %run_scoped3A = tpu.sem_alloc : memref<!tpu.dma_semaphore, #tpu.memory_space<semaphore_mem>>
      %dma_start3A_106 = arith.constant 0 : i32
      %dma_start3A_107 = tpu.memref_slice %arg7[%add3A_6, %dma_start3A_106] : memref<5248x128xf32, #tpu.memory_space<vmem_shared>> -> memref<80x128xf32, #tpu.memory_space<vmem_shared>>
      %dma_start3A_108 = arith.constant 0 : i32
      %dma_start3A_109 = tpu.memref_slice %arg7[%add3A_6, %dma_start3A_108] : memref<5248x128xf32, #tpu.memory_space<vmem_shared>> -> memref<80x128xf32, #tpu.memory_space<vmem_shared>>
      tpu.enqueue_dma source(%arg11 : memref<80x128xf32, #tpu.memory_space<vmem>>) target(%dma_start3A_109 : memref<80x128xf32, #tpu.memory_space<vmem_shared>>) target_semaphore(%run_scoped3A : memref<!tpu.dma_semaphore, #tpu.memory_space<semaphore_mem>>)
      %dma_wait3A_110 = arith.constant 0 : i32
      %dma_wait3A_111 = tpu.memref_slice %arg7[%add3A_6, %dma_wait3A_110] : memref<5248x128xf32, #tpu.memory_space<vmem_shared>> -> memref<80x128xf32, #tpu.memory_space<vmem_shared>>
      %dma_wait3A_112 = arith.constant 0 : i32
      %dma_wait3A_113 = tpu.memref_slice %arg7[%add3A_6, %dma_wait3A_112] : memref<5248x128xf32, #tpu.memory_space<vmem_shared>> -> memref<80x128xf32, #tpu.memory_space<vmem_shared>>
      tpu.wait_dma2 semaphore(%run_scoped3A : memref<!tpu.dma_semaphore, #tpu.memory_space<semaphore_mem>>) src(%arg11 : memref<80x128xf32, #tpu.memory_space<vmem>>) dst(%dma_wait3A_113 : memref<80x128xf32, #tpu.memory_space<vmem_shared>>)
      tpu.yield
    }) : () -> ()
    %add3A_7 = arith.constant 0 : i32
    %add3A_8 = arith.addi %mul3A_0, %add3A_7 : i32
    "tpu.region"() ({
      %run_scoped3A = tpu.sem_alloc : memref<!tpu.dma_semaphore, #tpu.memory_space<semaphore_mem>>
      %dma_start3A_106 = arith.constant 0 : i32
      %dma_start3A_107 = tpu.memref_slice %arg8[%add3A_8, %dma_start3A_106] : memref<5248x16xf32, #tpu.memory_space<vmem_shared>> -> memref<80x16xf32, #tpu.memory_space<vmem_shared>>
      %dma_start3A_108 = arith.constant 0 : i32
      %dma_start3A_109 = tpu.memref_slice %arg8[%add3A_8, %dma_start3A_108] : memref<5248x16xf32, #tpu.memory_space<vmem_shared>> -> memref<80x16xf32, #tpu.memory_space<vmem_shared>>
      tpu.enqueue_dma source(%arg15 : memref<80x16xf32, #tpu.memory_space<vmem>>) target(%dma_start3A_109 : memref<80x16xf32, #tpu.memory_space<vmem_shared>>) target_semaphore(%run_scoped3A : memref<!tpu.dma_semaphore, #tpu.memory_space<semaphore_mem>>)
      %dma_wait3A_110 = arith.constant 0 : i32
      %dma_wait3A_111 = tpu.memref_slice %arg8[%add3A_8, %dma_wait3A_110] : memref<5248x16xf32, #tpu.memory_space<vmem_shared>> -> memref<80x16xf32, #tpu.memory_space<vmem_shared>>
      %dma_wait3A_112 = arith.constant 0 : i32
      %dma_wait3A_113 = tpu.memref_slice %arg8[%add3A_8, %dma_wait3A_112] : memref<5248x16xf32, #tpu.memory_space<vmem_shared>> -> memref<80x16xf32, #tpu.memory_space<vmem_shared>>
      tpu.wait_dma2 semaphore(%run_scoped3A : memref<!tpu.dma_semaphore, #tpu.memory_space<semaphore_mem>>) src(%arg15 : memref<80x16xf32, #tpu.memory_space<vmem>>) dst(%dma_wait3A_113 : memref<80x16xf32, #tpu.memory_space<vmem_shared>>)
      tpu.yield
    }) : () -> ()
    %add3A_9 = arith.constant 80 : i32
    %add3A_10 = arith.addi %mul3A_0, %add3A_9 : i32
    "tpu.region"() ({
      %run_scoped3A = tpu.sem_alloc : memref<!tpu.dma_semaphore, #tpu.memory_space<semaphore_mem>>
      %dma_start3A_106 = arith.constant 0 : i32
      %dma_start3A_107 = tpu.memref_slice %arg7[%add3A_10, %dma_start3A_106] : memref<5248x128xf32, #tpu.memory_space<vmem_shared>> -> memref<80x128xf32, #tpu.memory_space<vmem_shared>>
      %dma_start3A_108 = arith.constant 0 : i32
      %dma_start3A_109 = tpu.memref_slice %arg7[%add3A_10, %dma_start3A_108] : memref<5248x128xf32, #tpu.memory_space<vmem_shared>> -> memref<80x128xf32, #tpu.memory_space<vmem_shared>>
      tpu.enqueue_dma source(%arg11 : memref<80x128xf32, #tpu.memory_space<vmem>>) target(%dma_start3A_109 : memref<80x128xf32, #tpu.memory_space<vmem_shared>>) target_semaphore(%run_scoped3A : memref<!tpu.dma_semaphore, #tpu.memory_space<semaphore_mem>>)
      %dma_wait3A_110 = arith.constant 0 : i32
      %dma_wait3A_111 = tpu.memref_slice %arg7[%add3A_10, %dma_wait3A_110] : memref<5248x128xf32, #tpu.memory_space<vmem_shared>> -> memref<80x128xf32, #tpu.memory_space<vmem_shared>>
      %dma_wait3A_112 = arith.constant 0 : i32
      %dma_wait3A_113 = tpu.memref_slice %arg7[%add3A_10, %dma_wait3A_112] : memref<5248x128xf32, #tpu.memory_space<vmem_shared>> -> memref<80x128xf32, #tpu.memory_space<vmem_shared>>
      tpu.wait_dma2 semaphore(%run_scoped3A : memref<!tpu.dma_semaphore, #tpu.memory_space<semaphore_mem>>) src(%arg11 : memref<80x128xf32, #tpu.memory_space<vmem>>) dst(%dma_wait3A_113 : memref<80x128xf32, #tpu.memory_space<vmem_shared>>)
      tpu.yield
    }) : () -> ()
    %add3A_11 = arith.constant 80 : i32
    %add3A_12 = arith.addi %mul3A_0, %add3A_11 : i32
    "tpu.region"() ({
      %run_scoped3A = tpu.sem_alloc : memref<!tpu.dma_semaphore, #tpu.memory_space<semaphore_mem>>
      %dma_start3A_106 = arith.constant 0 : i32
      %dma_start3A_107 = tpu.memref_slice %arg8[%add3A_12, %dma_start3A_106] : memref<5248x16xf32, #tpu.memory_space<vmem_shared>> -> memref<80x16xf32, #tpu.memory_space<vmem_shared>>
      %dma_start3A_108 = arith.constant 0 : i32
      %dma_start3A_109 = tpu.memref_slice %arg8[%add3A_12, %dma_start3A_108] : memref<5248x16xf32, #tpu.memory_space<vmem_shared>> -> memref<80x16xf32, #tpu.memory_space<vmem_shared>>
      tpu.enqueue_dma source(%arg15 : memref<80x16xf32, #tpu.memory_space<vmem>>) target(%dma_start3A_109 : memref<80x16xf32, #tpu.memory_space<vmem_shared>>) target_semaphore(%run_scoped3A : memref<!tpu.dma_semaphore, #tpu.memory_space<semaphore_mem>>)
      %dma_wait3A_110 = arith.constant 0 : i32
      %dma_wait3A_111 = tpu.memref_slice %arg8[%add3A_12, %dma_wait3A_110] : memref<5248x16xf32, #tpu.memory_space<vmem_shared>> -> memref<80x16xf32, #tpu.memory_space<vmem_shared>>
      %dma_wait3A_112 = arith.constant 0 : i32
      %dma_wait3A_113 = tpu.memref_slice %arg8[%add3A_12, %dma_wait3A_112] : memref<5248x16xf32, #tpu.memory_space<vmem_shared>> -> memref<80x16xf32, #tpu.memory_space<vmem_shared>>
      tpu.wait_dma2 semaphore(%run_scoped3A : memref<!tpu.dma_semaphore, #tpu.memory_space<semaphore_mem>>) src(%arg15 : memref<80x16xf32, #tpu.memory_space<vmem>>) dst(%dma_wait3A_113 : memref<80x16xf32, #tpu.memory_space<vmem_shared>>)
      tpu.yield
    }) : () -> ()
    %add3A_13 = arith.constant 160 : i32
    %add3A_14 = arith.addi %mul3A_0, %add3A_13 : i32
    "tpu.region"() ({
      %run_scoped3A = tpu.sem_alloc : memref<!tpu.dma_semaphore, #tpu.memory_space<semaphore_mem>>
      %dma_start3A_106 = arith.constant 0 : i32
      %dma_start3A_107 = tpu.memref_slice %arg7[%add3A_14, %dma_start3A_106] : memref<5248x128xf32, #tpu.memory_space<vmem_shared>> -> memref<80x128xf32, #tpu.memory_space<vmem_shared>>
      %dma_start3A_108 = arith.constant 0 : i32
      %dma_start3A_109 = tpu.memref_slice %arg7[%add3A_14, %dma_start3A_108] : memref<5248x128xf32, #tpu.memory_space<vmem_shared>> -> memref<80x128xf32, #tpu.memory_space<vmem_shared>>
      tpu.enqueue_dma source(%arg11 : memref<80x128xf32, #tpu.memory_space<vmem>>) target(%dma_start3A_109 : memref<80x128xf32, #tpu.memory_space<vmem_shared>>) target_semaphore(%run_scoped3A : memref<!tpu.dma_semaphore, #tpu.memory_space<semaphore_mem>>)
      %dma_wait3A_110 = arith.constant 0 : i32
      %dma_wait3A_111 = tpu.memref_slice %arg7[%add3A_14, %dma_wait3A_110] : memref<5248x128xf32, #tpu.memory_space<vmem_shared>> -> memref<80x128xf32, #tpu.memory_space<vmem_shared>>
      %dma_wait3A_112 = arith.constant 0 : i32
      %dma_wait3A_113 = tpu.memref_slice %arg7[%add3A_14, %dma_wait3A_112] : memref<5248x128xf32, #tpu.memory_space<vmem_shared>> -> memref<80x128xf32, #tpu.memory_space<vmem_shared>>
      tpu.wait_dma2 semaphore(%run_scoped3A : memref<!tpu.dma_semaphore, #tpu.memory_space<semaphore_mem>>) src(%arg11 : memref<80x128xf32, #tpu.memory_space<vmem>>) dst(%dma_wait3A_113 : memref<80x128xf32, #tpu.memory_space<vmem_shared>>)
      tpu.yield
    }) : () -> ()
    %add3A_15 = arith.constant 160 : i32
    %add3A_16 = arith.addi %mul3A_0, %add3A_15 : i32
    "tpu.region"() ({
      %run_scoped3A = tpu.sem_alloc : memref<!tpu.dma_semaphore, #tpu.memory_space<semaphore_mem>>
      %dma_start3A_106 = arith.constant 0 : i32
      %dma_start3A_107 = tpu.memref_slice %arg8[%add3A_16, %dma_start3A_106] : memref<5248x16xf32, #tpu.memory_space<vmem_shared>> -> memref<80x16xf32, #tpu.memory_space<vmem_shared>>
      %dma_start3A_108 = arith.constant 0 : i32
      %dma_start3A_109 = tpu.memref_slice %arg8[%add3A_16, %dma_start3A_108] : memref<5248x16xf32, #tpu.memory_space<vmem_shared>> -> memref<80x16xf32, #tpu.memory_space<vmem_shared>>
      tpu.enqueue_dma source(%arg15 : memref<80x16xf32, #tpu.memory_space<vmem>>) target(%dma_start3A_109 : memref<80x16xf32, #tpu.memory_space<vmem_shared>>) target_semaphore(%run_scoped3A : memref<!tpu.dma_semaphore, #tpu.memory_space<semaphore_mem>>)
      %dma_wait3A_110 = arith.constant 0 : i32
      %dma_wait3A_111 = tpu.memref_slice %arg8[%add3A_16, %dma_wait3A_110] : memref<5248x16xf32, #tpu.memory_space<vmem_shared>> -> memref<80x16xf32, #tpu.memory_space<vmem_shared>>
      %dma_wait3A_112 = arith.constant 0 : i32
      %dma_wait3A_113 = tpu.memref_slice %arg8[%add3A_16, %dma_wait3A_112] : memref<5248x16xf32, #tpu.memory_space<vmem_shared>> -> memref<80x16xf32, #tpu.memory_space<vmem_shared>>
      tpu.wait_dma2 semaphore(%run_scoped3A : memref<!tpu.dma_semaphore, #tpu.memory_space<semaphore_mem>>) src(%arg15 : memref<80x16xf32, #tpu.memory_space<vmem>>) dst(%dma_wait3A_113 : memref<80x16xf32, #tpu.memory_space<vmem_shared>>)
      tpu.yield
    }) : () -> ()
    %add3A_17 = arith.constant 240 : i32
    %add3A_18 = arith.addi %mul3A_0, %add3A_17 : i32
    "tpu.region"() ({
      %run_scoped3A = tpu.sem_alloc : memref<!tpu.dma_semaphore, #tpu.memory_space<semaphore_mem>>
      %dma_start3A_106 = arith.constant 0 : i32
      %dma_start3A_107 = tpu.memref_slice %arg7[%add3A_18, %dma_start3A_106] : memref<5248x128xf32, #tpu.memory_space<vmem_shared>> -> memref<80x128xf32, #tpu.memory_space<vmem_shared>>
      %dma_start3A_108 = arith.constant 0 : i32
      %dma_start3A_109 = tpu.memref_slice %arg7[%add3A_18, %dma_start3A_108] : memref<5248x128xf32, #tpu.memory_space<vmem_shared>> -> memref<80x128xf32, #tpu.memory_space<vmem_shared>>
      tpu.enqueue_dma source(%arg11 : memref<80x128xf32, #tpu.memory_space<vmem>>) target(%dma_start3A_109 : memref<80x128xf32, #tpu.memory_space<vmem_shared>>) target_semaphore(%run_scoped3A : memref<!tpu.dma_semaphore, #tpu.memory_space<semaphore_mem>>)
      %dma_wait3A_110 = arith.constant 0 : i32
      %dma_wait3A_111 = tpu.memref_slice %arg7[%add3A_18, %dma_wait3A_110] : memref<5248x128xf32, #tpu.memory_space<vmem_shared>> -> memref<80x128xf32, #tpu.memory_space<vmem_shared>>
      %dma_wait3A_112 = arith.constant 0 : i32
      %dma_wait3A_113 = tpu.memref_slice %arg7[%add3A_18, %dma_wait3A_112] : memref<5248x128xf32, #tpu.memory_space<vmem_shared>> -> memref<80x128xf32, #tpu.memory_space<vmem_shared>>
      tpu.wait_dma2 semaphore(%run_scoped3A : memref<!tpu.dma_semaphore, #tpu.memory_space<semaphore_mem>>) src(%arg11 : memref<80x128xf32, #tpu.memory_space<vmem>>) dst(%dma_wait3A_113 : memref<80x128xf32, #tpu.memory_space<vmem_shared>>)
      tpu.yield
    }) : () -> ()
    %add3A_19 = arith.constant 240 : i32
    %add3A_20 = arith.addi %mul3A_0, %add3A_19 : i32
    "tpu.region"() ({
      %run_scoped3A = tpu.sem_alloc : memref<!tpu.dma_semaphore, #tpu.memory_space<semaphore_mem>>
      %dma_start3A_106 = arith.constant 0 : i32
      %dma_start3A_107 = tpu.memref_slice %arg8[%add3A_20, %dma_start3A_106] : memref<5248x16xf32, #tpu.memory_space<vmem_shared>> -> memref<80x16xf32, #tpu.memory_space<vmem_shared>>
      %dma_start3A_108 = arith.constant 0 : i32
      %dma_start3A_109 = tpu.memref_slice %arg8[%add3A_20, %dma_start3A_108] : memref<5248x16xf32, #tpu.memory_space<vmem_shared>> -> memref<80x16xf32, #tpu.memory_space<vmem_shared>>
      tpu.enqueue_dma source(%arg15 : memref<80x16xf32, #tpu.memory_space<vmem>>) target(%dma_start3A_109 : memref<80x16xf32, #tpu.memory_space<vmem_shared>>) target_semaphore(%run_scoped3A : memref<!tpu.dma_semaphore, #tpu.memory_space<semaphore_mem>>)
      %dma_wait3A_110 = arith.constant 0 : i32
      %dma_wait3A_111 = tpu.memref_slice %arg8[%add3A_20, %dma_wait3A_110] : memref<5248x16xf32, #tpu.memory_space<vmem_shared>> -> memref<80x16xf32, #tpu.memory_space<vmem_shared>>
      %dma_wait3A_112 = arith.constant 0 : i32
      %dma_wait3A_113 = tpu.memref_slice %arg8[%add3A_20, %dma_wait3A_112] : memref<5248x16xf32, #tpu.memory_space<vmem_shared>> -> memref<80x16xf32, #tpu.memory_space<vmem_shared>>
      tpu.wait_dma2 semaphore(%run_scoped3A : memref<!tpu.dma_semaphore, #tpu.memory_space<semaphore_mem>>) src(%arg15 : memref<80x16xf32, #tpu.memory_space<vmem>>) dst(%dma_wait3A_113 : memref<80x16xf32, #tpu.memory_space<vmem_shared>>)
      tpu.yield
    }) : () -> ()
    %add3A_21 = arith.constant 320 : i32
    %add3A_22 = arith.addi %mul3A_0, %add3A_21 : i32
    "tpu.region"() ({
      %run_scoped3A = tpu.sem_alloc : memref<!tpu.dma_semaphore, #tpu.memory_space<semaphore_mem>>
      %dma_start3A_106 = arith.constant 0 : i32
      %dma_start3A_107 = arith.constant 0 : i32
      %dma_start3A_108 = tpu.memref_slice %arg11[%dma_start3A_106, %dma_start3A_107] : memref<80x128xf32, #tpu.memory_space<vmem>> -> memref<8x128xf32, #tpu.memory_space<vmem>>
      %dma_start3A_109 = arith.constant 0 : i32
      %dma_start3A_110 = tpu.memref_slice %arg7[%add3A_22, %dma_start3A_109] : memref<5248x128xf32, #tpu.memory_space<vmem_shared>> -> memref<8x128xf32, #tpu.memory_space<vmem_shared>>
      %dma_start3A_111 = arith.constant 0 : i32
      %dma_start3A_112 = tpu.memref_slice %arg7[%add3A_22, %dma_start3A_111] : memref<5248x128xf32, #tpu.memory_space<vmem_shared>> -> memref<8x128xf32, #tpu.memory_space<vmem_shared>>
      %dma_start3A_113 = arith.constant 0 : i32
      %dma_start3A_114 = arith.constant 0 : i32
      %dma_start3A_115 = tpu.memref_slice %arg11[%dma_start3A_113, %dma_start3A_114] : memref<80x128xf32, #tpu.memory_space<vmem>> -> memref<8x128xf32, #tpu.memory_space<vmem>>
      tpu.enqueue_dma source(%dma_start3A_115 : memref<8x128xf32, #tpu.memory_space<vmem>>) target(%dma_start3A_112 : memref<8x128xf32, #tpu.memory_space<vmem_shared>>) target_semaphore(%run_scoped3A : memref<!tpu.dma_semaphore, #tpu.memory_space<semaphore_mem>>)
      %dma_wait3A_116 = arith.constant 0 : i32
      %dma_wait3A_117 = arith.constant 0 : i32
      %dma_wait3A_118 = tpu.memref_slice %arg11[%dma_wait3A_116, %dma_wait3A_117] : memref<80x128xf32, #tpu.memory_space<vmem>> -> memref<8x128xf32, #tpu.memory_space<vmem>>
      %dma_wait3A_119 = arith.constant 0 : i32
      %dma_wait3A_120 = tpu.memref_slice %arg7[%add3A_22, %dma_wait3A_119] : memref<5248x128xf32, #tpu.memory_space<vmem_shared>> -> memref<8x128xf32, #tpu.memory_space<vmem_shared>>
      %dma_wait3A_121 = arith.constant 0 : i32
      %dma_wait3A_122 = tpu.memref_slice %arg7[%add3A_22, %dma_wait3A_121] : memref<5248x128xf32, #tpu.memory_space<vmem_shared>> -> memref<8x128xf32, #tpu.memory_space<vmem_shared>>
      %dma_wait3A_123 = arith.constant 0 : i32
      %dma_wait3A_124 = arith.constant 0 : i32
      %dma_wait3A_125 = tpu.memref_slice %arg11[%dma_wait3A_123, %dma_wait3A_124] : memref<80x128xf32, #tpu.memory_space<vmem>> -> memref<8x128xf32, #tpu.memory_space<vmem>>
      tpu.wait_dma2 semaphore(%run_scoped3A : memref<!tpu.dma_semaphore, #tpu.memory_space<semaphore_mem>>) src(%dma_wait3A_125 : memref<8x128xf32, #tpu.memory_space<vmem>>) dst(%dma_wait3A_122 : memref<8x128xf32, #tpu.memory_space<vmem_shared>>)
      tpu.yield
    }) : () -> ()
    "tpu.region"() ({
      %run_scoped3A = tpu.sem_alloc : memref<!tpu.dma_semaphore, #tpu.memory_space<semaphore_mem>>
      %dma_start3A_106 = arith.constant 0 : i32
      %dma_start3A_107 = arith.constant 0 : i32
      %dma_start3A_108 = tpu.memref_slice %arg15[%dma_start3A_106, %dma_start3A_107] : memref<80x16xf32, #tpu.memory_space<vmem>> -> memref<8x16xf32, #tpu.memory_space<vmem>>
      %dma_start3A_109 = arith.constant 0 : i32
      %dma_start3A_110 = tpu.memref_slice %arg8[%add3A_22, %dma_start3A_109] : memref<5248x16xf32, #tpu.memory_space<vmem_shared>> -> memref<8x16xf32, #tpu.memory_space<vmem_shared>>
      %dma_start3A_111 = arith.constant 0 : i32
      %dma_start3A_112 = tpu.memref_slice %arg8[%add3A_22, %dma_start3A_111] : memref<5248x16xf32, #tpu.memory_space<vmem_shared>> -> memref<8x16xf32, #tpu.memory_space<vmem_shared>>
      %dma_start3A_113 = arith.constant 0 : i32
      %dma_start3A_114 = arith.constant 0 : i32
      %dma_start3A_115 = tpu.memref_slice %arg15[%dma_start3A_113, %dma_start3A_114] : memref<80x16xf32, #tpu.memory_space<vmem>> -> memref<8x16xf32, #tpu.memory_space<vmem>>
      tpu.enqueue_dma source(%dma_start3A_115 : memref<8x16xf32, #tpu.memory_space<vmem>>) target(%dma_start3A_112 : memref<8x16xf32, #tpu.memory_space<vmem_shared>>) target_semaphore(%run_scoped3A : memref<!tpu.dma_semaphore, #tpu.memory_space<semaphore_mem>>)
      %dma_wait3A_116 = arith.constant 0 : i32
      %dma_wait3A_117 = arith.constant 0 : i32
      %dma_wait3A_118 = tpu.memref_slice %arg15[%dma_wait3A_116, %dma_wait3A_117] : memref<80x16xf32, #tpu.memory_space<vmem>> -> memref<8x16xf32, #tpu.memory_space<vmem>>
      %dma_wait3A_119 = arith.constant 0 : i32
      %dma_wait3A_120 = tpu.memref_slice %arg8[%add3A_22, %dma_wait3A_119] : memref<5248x16xf32, #tpu.memory_space<vmem_shared>> -> memref<8x16xf32, #tpu.memory_space<vmem_shared>>
      %dma_wait3A_121 = arith.constant 0 : i32
      %dma_wait3A_122 = tpu.memref_slice %arg8[%add3A_22, %dma_wait3A_121] : memref<5248x16xf32, #tpu.memory_space<vmem_shared>> -> memref<8x16xf32, #tpu.memory_space<vmem_shared>>
      %dma_wait3A_123 = arith.constant 0 : i32
      %dma_wait3A_124 = arith.constant 0 : i32
      %dma_wait3A_125 = tpu.memref_slice %arg15[%dma_wait3A_123, %dma_wait3A_124] : memref<80x16xf32, #tpu.memory_space<vmem>> -> memref<8x16xf32, #tpu.memory_space<vmem>>
      tpu.wait_dma2 semaphore(%run_scoped3A : memref<!tpu.dma_semaphore, #tpu.memory_space<semaphore_mem>>) src(%dma_wait3A_125 : memref<8x16xf32, #tpu.memory_space<vmem>>) dst(%dma_wait3A_122 : memref<8x16xf32, #tpu.memory_space<vmem_shared>>)
      tpu.yield
    }) : () -> ()
    %broadcast_in_dim3A_23 = arith.constant 1.000000e+00 : f32
    %broadcast_in_dim3A_24 = vector.broadcast %broadcast_in_dim3A_23 : f32 to vector<16xf32>
    %scan3A_25 = arith.constant 0 : i32
    %scan3A_26 = arith.constant 80 : i32
    %scan3A_27 = arith.addi %scan3A_25, %scan3A_26 : i32
    %scan3A_28 = arith.constant 1 : i32
    scf.for %scan3A_106 = %scan3A_25 to %scan3A_27 step %scan3A_28  : i32 {
      %mul3A_107 = arith.constant 1 : i32
      %mul3A_108 = arith.muli %scan3A_106, %mul3A_107 : i32
      %add3A_109 = arith.constant 0 : i32
      %add3A_110 = arith.addi %add3A_109, %mul3A_108 : i32
      %swap3A = arith.index_cast %add3A_110 : i32 to index
      %swap3A_111 = arith.constant 0 : index
      %swap3A_112 = tpu.vector_load %arg15[%swap3A, %swap3A_111] {strides = array<i32>} : memref<80x16xf32, #tpu.memory_space<vmem>>, vector<1x16xf32>,
      %swap3A_113 = vector.shape_cast %swap3A_112 : vector<1x16xf32> to vector<16xf32>
      %swap3A_114 = vector.shape_cast %broadcast_in_dim3A_24 : vector<16xf32> to vector<1x16xf32>
      tpu.vector_store %arg15[%swap3A, %swap3A_111], %swap3A_114 {strides = array<i32>} : memref<80x16xf32, #tpu.memory_space<vmem>>, vector<1x16xf32>,
    }
    %scan3A_29 = arith.constant 80 : i32
    %barrier3A = arith.constant 0 : index
    tpu.barrier barrier_id(%barrier3A)
    %mul3A_30 = arith.constant 5120 : i32
    %mul3A_31 = arith.muli %arg0, %mul3A_30 : i32
    %mul3A_32 = arith.constant 20000 : i32
    %mul3A_33 = arith.muli %arg1, %mul3A_32 : i32
    %add3A_34 = arith.constant 0 : i32
    %add3A_35 = arith.addi %mul3A_33, %add3A_34 : i32
    "tpu.region"() ({
      %run_scoped3A = tpu.sem_alloc : memref<!tpu.dma_semaphore, #tpu.memory_space<semaphore_mem>>
      %dma_start3A_106 = tpu.memref_slice %arg3[%add3A_35] : memref<320000xi32, #tpu.memory_space<hbm>> -> memref<80xi32, #tpu.memory_space<hbm>>
      %dma_start3A_107 = tpu.memref_slice %arg3[%add3A_35] : memref<320000xi32, #tpu.memory_space<hbm>> -> memref<80xi32, #tpu.memory_space<hbm>>
      tpu.enqueue_dma source(%dma_start3A_107 : memref<80xi32, #tpu.memory_space<hbm>>) target(%arg9 : memref<80xi32, #tpu.memory_space<vmem>>) target_semaphore(%run_scoped3A : memref<!tpu.dma_semaphore, #tpu.memory_space<semaphore_mem>>)
      %dma_wait3A_108 = tpu.memref_slice %arg3[%add3A_35] : memref<320000xi32, #tpu.memory_space<hbm>> -> memref<80xi32, #tpu.memory_space<hbm>>
      %dma_wait3A_109 = tpu.memref_slice %arg3[%add3A_35] : memref<320000xi32, #tpu.memory_space<hbm>> -> memref<80xi32, #tpu.memory_space<hbm>>
      tpu.wait_dma2 semaphore(%run_scoped3A : memref<!tpu.dma_semaphore, #tpu.memory_space<semaphore_mem>>) src(%dma_wait3A_109 : memref<80xi32, #tpu.memory_space<hbm>>) dst(%arg9 : memref<80xi32, #tpu.memory_space<vmem>>)
      tpu.yield
    }) : () -> ()
    "tpu.region"() ({
      %run_scoped3A = tpu.sem_alloc : memref<!tpu.dma_semaphore, #tpu.memory_space<semaphore_mem>>
      %dma_start3A_106 = tpu.memref_slice %arg4[%add3A_35] : memref<320000xi32, #tpu.memory_space<hbm>> -> memref<80xi32, #tpu.memory_space<hbm>>
      %dma_start3A_107 = tpu.memref_slice %arg4[%add3A_35] : memref<320000xi32, #tpu.memory_space<hbm>> -> memref<80xi32, #tpu.memory_space<hbm>>
      tpu.enqueue_dma source(%dma_start3A_107 : memref<80xi32, #tpu.memory_space<hbm>>) target(%arg10 : memref<80xi32, #tpu.memory_space<vmem>>) target_semaphore(%run_scoped3A : memref<!tpu.dma_semaphore, #tpu.memory_space<semaphore_mem>>)
      %dma_wait3A_108 = tpu.memref_slice %arg4[%add3A_35] : memref<320000xi32, #tpu.memory_space<hbm>> -> memref<80xi32, #tpu.memory_space<hbm>>
      %dma_wait3A_109 = tpu.memref_slice %arg4[%add3A_35] : memref<320000xi32, #tpu.memory_space<hbm>> -> memref<80xi32, #tpu.memory_space<hbm>>
      tpu.wait_dma2 semaphore(%run_scoped3A : memref<!tpu.dma_semaphore, #tpu.memory_space<semaphore_mem>>) src(%dma_wait3A_109 : memref<80xi32, #tpu.memory_space<hbm>>) dst(%arg10 : memref<80xi32, #tpu.memory_space<vmem>>)
      tpu.yield
    }) : () -> ()
    %dma_start3A = arith.constant 0 : i32
    %dma_start3A_36 = arith.constant 0 : i32
    %dma_start3A_37 = tpu.memref_slice %arg2[%dma_start3A, %dma_start3A_36] : memref<10000x128xf32, #tpu.memory_space<hbm>> -> memref<10000x128xf32, #tpu.memory_space<hbm>>
    tpu.enqueue_indirect_dma source(%dma_start3A_37 : memref<10000x128xf32, #tpu.memory_space<hbm>>) target(%arg11 : memref<80x128xf32, #tpu.memory_space<vmem>>) offsets(%arg9 : memref<80xi32, #tpu.memory_space<vmem>>) semaphore(%arg16 : memref<!tpu.dma_semaphore, #tpu.memory_space<semaphore_mem>>)
    %scan3A_38 = arith.constant 0 : i32
    %scan3A_39 = arith.constant 124 : i32
    %scan3A_40 = arith.addi %scan3A_38, %scan3A_39 : i32
    %scan3A_41 = arith.constant 1 : i32
    scf.for %scan3A_106 = %scan3A_38 to %scan3A_40 step %scan3A_41  : i32 {
      %mul3A_107 = arith.constant 1 : i32
      %mul3A_108 = arith.muli %scan3A_106, %mul3A_107 : i32
      %add3A_109 = arith.constant 0 : i32
      %add3A_110 = arith.addi %add3A_109, %mul3A_108 : i32
      %mul3A_111 = arith.constant 2 : i32
      %mul3A_112 = arith.muli %mul3A_111, %add3A_110 : i32
      %add3A_113 = arith.constant 1 : i32
      %add3A_114 = arith.addi %mul3A_112, %add3A_113 : i32
      %mul3A_115 = arith.constant 80 : i32
      %mul3A_116 = arith.muli %add3A_114, %mul3A_115 : i32
      %add3A_117 = arith.addi %mul3A_33, %mul3A_116 : i32
      "tpu.region"() ({
        %run_scoped3A = tpu.sem_alloc : memref<!tpu.dma_semaphore, #tpu.memory_space<semaphore_mem>>
        %dma_start3A_145 = tpu.memref_slice %arg3[%add3A_117] : memref<320000xi32, #tpu.memory_space<hbm>> -> memref<80xi32, #tpu.memory_space<hbm>>
        %dma_start3A_146 = tpu.memref_slice %arg3[%add3A_117] : memref<320000xi32, #tpu.memory_space<hbm>> -> memref<80xi32, #tpu.memory_space<hbm>>
        tpu.enqueue_dma source(%dma_start3A_146 : memref<80xi32, #tpu.memory_space<hbm>>) target(%arg12 : memref<80xi32, #tpu.memory_space<vmem>>) target_semaphore(%run_scoped3A : memref<!tpu.dma_semaphore, #tpu.memory_space<semaphore_mem>>)
        %dma_wait3A_147 = tpu.memref_slice %arg3[%add3A_117] : memref<320000xi32, #tpu.memory_space<hbm>> -> memref<80xi32, #tpu.memory_space<hbm>>
        %dma_wait3A_148 = tpu.memref_slice %arg3[%add3A_117] : memref<320000xi32, #tpu.memory_space<hbm>> -> memref<80xi32, #tpu.memory_space<hbm>>
        tpu.wait_dma2 semaphore(%run_scoped3A : memref<!tpu.dma_semaphore, #tpu.memory_space<semaphore_mem>>) src(%dma_wait3A_148 : memref<80xi32, #tpu.memory_space<hbm>>) dst(%arg12 : memref<80xi32, #tpu.memory_space<vmem>>)
        tpu.yield
      }) : () -> ()
      "tpu.region"() ({
        %run_scoped3A = tpu.sem_alloc : memref<!tpu.dma_semaphore, #tpu.memory_space<semaphore_mem>>
        %dma_start3A_145 = tpu.memref_slice %arg4[%add3A_117] : memref<320000xi32, #tpu.memory_space<hbm>> -> memref<80xi32, #tpu.memory_space<hbm>>
        %dma_start3A_146 = tpu.memref_slice %arg4[%add3A_117] : memref<320000xi32, #tpu.memory_space<hbm>> -> memref<80xi32, #tpu.memory_space<hbm>>
        tpu.enqueue_dma source(%dma_start3A_146 : memref<80xi32, #tpu.memory_space<hbm>>) target(%arg13 : memref<80xi32, #tpu.memory_space<vmem>>) target_semaphore(%run_scoped3A : memref<!tpu.dma_semaphore, #tpu.memory_space<semaphore_mem>>)
        %dma_wait3A_147 = tpu.memref_slice %arg4[%add3A_117] : memref<320000xi32, #tpu.memory_space<hbm>> -> memref<80xi32, #tpu.memory_space<hbm>>
        %dma_wait3A_148 = tpu.memref_slice %arg4[%add3A_117] : memref<320000xi32, #tpu.memory_space<hbm>> -> memref<80xi32, #tpu.memory_space<hbm>>
        tpu.wait_dma2 semaphore(%run_scoped3A : memref<!tpu.dma_semaphore, #tpu.memory_space<semaphore_mem>>) src(%dma_wait3A_148 : memref<80xi32, #tpu.memory_space<hbm>>) dst(%arg13 : memref<80xi32, #tpu.memory_space<vmem>>)
        tpu.yield
      }) : () -> ()
      %scan3A_118 = arith.constant 0 : i32
      %scan3A_119 = arith.constant 5 : i32
      %scan3A_120 = arith.addi %scan3A_118, %scan3A_119 : i32
      %scan3A_121 = arith.constant 1 : i32
      scf.for %scan3A_145 = %scan3A_118 to %scan3A_120 step %scan3A_121  : i32 {
        %mul3A_146 = arith.constant 1 : i32
        %mul3A_147 = arith.muli %scan3A_145, %mul3A_146 : i32
        %add3A_148 = arith.constant 0 : i32
        %add3A_149 = arith.addi %add3A_148, %mul3A_147 : i32
        %mul3A_150 = arith.constant 16 : i32
        %mul3A_151 = arith.muli %add3A_149, %mul3A_150 : i32
        %get3A = arith.index_cast %mul3A_151 : i32 to index
        %get3A_152 = tpu.vector_load %arg10[%get3A] {strides = array<i32>} : memref<80xi32, #tpu.memory_space<vmem>>, vector<16xi32>,
        %get3A_153 = vector.shape_cast %get3A_152 : vector<16xi32> to vector<16xi32>
        %sub3A = vector.broadcast %mul3A_31 : i32 to vector<16xi32>
        %sub3A_154 = arith.subi %get3A_153, %sub3A : vector<16xi32>
        %ge3A = arith.constant 0 : i32
        %ge3A_155 = vector.broadcast %ge3A : i32 to vector<16xi32>
        %ge3A_156 = arith.cmpi sge, %sub3A_154, %ge3A_155 : vector<16xi32>
        %lt3A = arith.constant 5120 : i32
        %lt3A_157 = vector.broadcast %lt3A : i32 to vector<16xi32>
        %lt3A_158 = arith.cmpi slt, %sub3A_154, %lt3A_157 : vector<16xi32>
        %and3A = arith.andi %ge3A_156, %lt3A_158 : vector<16xi1>
        %jit3A = arith.constant 5127 : i32
        %broadcast_in_dim3A_159 = vector.broadcast %jit3A : i32 to vector<16xi32>
        %select_n3A = arith.select %and3A, %sub3A_154, %broadcast_in_dim3A_159 : vector<16xi1>, vector<16xi32>
        %mul3A_160 = arith.constant 16 : i32
        %mul3A_161 = arith.muli %add3A_149, %mul3A_160 : i32
        %swap3A = arith.index_cast %mul3A_161 : i32 to index
        %swap3A_162 = tpu.vector_load %arg10[%swap3A] {strides = array<i32>} : memref<80xi32, #tpu.memory_space<vmem>>, vector<16xi32>,
        %swap3A_163 = vector.shape_cast %swap3A_162 : vector<16xi32> to vector<16xi32>
        %swap3A_164 = vector.shape_cast %select_n3A : vector<16xi32> to vector<16xi32>
        tpu.vector_store %arg10[%swap3A], %swap3A_164 {strides = array<i32>} : memref<80xi32, #tpu.memory_space<vmem>>, vector<16xi32>,
      }
      %scan3A_122 = arith.constant 5 : i32
      %dma_wait3A_123 = arith.constant 0 : i32
      %dma_wait3A_124 = arith.constant 0 : i32
      %dma_wait3A_125 = tpu.memref_slice %arg2[%dma_wait3A_123, %dma_wait3A_124] : memref<10000x128xf32, #tpu.memory_space<hbm>> -> memref<10000x128xf32, #tpu.memory_space<hbm>>
      tpu.wait_indirect_dma semaphore(%arg16 : memref<!tpu.dma_semaphore, #tpu.memory_space<semaphore_mem>>) src(%dma_wait3A_125 : memref<10000x128xf32, #tpu.memory_space<hbm>>) dst(%arg11 : memref<80x128xf32, #tpu.memory_space<vmem>>)
      %dma_start3A_126 = arith.constant 0 : i32
      %dma_start3A_127 = arith.constant 0 : i32
      %dma_start3A_128 = tpu.memref_slice %arg2[%dma_start3A_126, %dma_start3A_127] : memref<10000x128xf32, #tpu.memory_space<hbm>> -> memref<10000x128xf32, #tpu.memory_space<hbm>>
      tpu.enqueue_indirect_dma source(%dma_start3A_128 : memref<10000x128xf32, #tpu.memory_space<hbm>>) target(%arg14 : memref<80x128xf32, #tpu.memory_space<vmem>>) offsets(%arg12 : memref<80xi32, #tpu.memory_space<vmem>>) semaphore(%arg17 : memref<!tpu.dma_semaphore, #tpu.memory_space<semaphore_mem>>)
      "tpu.region"() ({
        %run_scoped3A = tpu.sem_alloc : memref<!tpu.dma_semaphore, #tpu.memory_space<semaphore_mem>>
        %dma_start3A_145 = arith.constant 0 : i32
        %dma_start3A_146 = arith.constant 0 : i32
        %dma_start3A_147 = tpu.memref_slice %arg7[%dma_start3A_145, %dma_start3A_146] : memref<5248x128xf32, #tpu.memory_space<vmem_shared>> -> memref<5248x128xf32, #tpu.memory_space<vmem_shared>>
        tpu.enqueue_indirect_dma source(%arg11 : memref<80x128xf32, #tpu.memory_space<vmem>>) target(%dma_start3A_147 : memref<5248x128xf32, #tpu.memory_space<vmem_shared>>) offsets(%arg10 : memref<80xi32, #tpu.memory_space<vmem>>) semaphore(%run_scoped3A : memref<!tpu.dma_semaphore, #tpu.memory_space<semaphore_mem>>) {add = true}
        %dma_wait3A_148 = arith.constant 0 : i32
        %dma_wait3A_149 = arith.constant 0 : i32
        %dma_wait3A_150 = tpu.memref_slice %arg7[%dma_wait3A_148, %dma_wait3A_149] : memref<5248x128xf32, #tpu.memory_space<vmem_shared>> -> memref<5248x128xf32, #tpu.memory_space<vmem_shared>>
        tpu.wait_indirect_dma semaphore(%run_scoped3A : memref<!tpu.dma_semaphore, #tpu.memory_space<semaphore_mem>>) src(%arg11 : memref<80x128xf32, #tpu.memory_space<vmem>>) dst(%dma_wait3A_150 : memref<5248x128xf32, #tpu.memory_space<vmem_shared>>)
        tpu.yield
      }) : () -> ()
      "tpu.region"() ({
        %run_scoped3A = tpu.sem_alloc : memref<!tpu.dma_semaphore, #tpu.memory_space<semaphore_mem>>
        %dma_start3A_145 = arith.constant 0 : i32
        %dma_start3A_146 = arith.constant 0 : i32
        %dma_start3A_147 = tpu.memref_slice %arg8[%dma_start3A_145, %dma_start3A_146] : memref<5248x16xf32, #tpu.memory_space<vmem_shared>> -> memref<5248x16xf32, #tpu.memory_space<vmem_shared>>
        tpu.enqueue_indirect_dma source(%arg15 : memref<80x16xf32, #tpu.memory_space<vmem>>) target(%dma_start3A_147 : memref<5248x16xf32, #tpu.memory_space<vmem_shared>>) offsets(%arg10 : memref<80xi32, #tpu.memory_space<vmem>>) semaphore(%run_scoped3A : memref<!tpu.dma_semaphore, #tpu.memory_space<semaphore_mem>>) {add = true}
        %dma_wait3A_148 = arith.constant 0 : i32
        %dma_wait3A_149 = arith.constant 0 : i32
        %dma_wait3A_150 = tpu.memref_slice %arg8[%dma_wait3A_148, %dma_wait3A_149] : memref<5248x16xf32, #tpu.memory_space<vmem_shared>> -> memref<5248x16xf32, #tpu.memory_space<vmem_shared>>
        tpu.wait_indirect_dma semaphore(%run_scoped3A : memref<!tpu.dma_semaphore, #tpu.memory_space<semaphore_mem>>) src(%arg15 : memref<80x16xf32, #tpu.memory_space<vmem>>) dst(%dma_wait3A_150 : memref<5248x16xf32, #tpu.memory_space<vmem_shared>>)
        tpu.yield
      }) : () -> ()
      %add3A_129 = arith.constant 2 : i32
      %add3A_130 = arith.addi %mul3A_112, %add3A_129 : i32
      %mul3A_131 = arith.constant 80 : i32
      %mul3A_132 = arith.muli %add3A_130, %mul3A_131 : i32
      %add3A_133 = arith.addi %mul3A_33, %mul3A_132 : i32
      "tpu.region"() ({
        %run_scoped3A = tpu.sem_alloc : memref<!tpu.dma_semaphore, #tpu.memory_space<semaphore_mem>>
        %dma_start3A_145 = tpu.memref_slice %arg3[%add3A_133] : memref<320000xi32, #tpu.memory_space<hbm>> -> memref<80xi32, #tpu.memory_space<hbm>>
        %dma_start3A_146 = tpu.memref_slice %arg3[%add3A_133] : memref<320000xi32, #tpu.memory_space<hbm>> -> memref<80xi32, #tpu.memory_space<hbm>>
        tpu.enqueue_dma source(%dma_start3A_146 : memref<80xi32, #tpu.memory_space<hbm>>) target(%arg9 : memref<80xi32, #tpu.memory_space<vmem>>) target_semaphore(%run_scoped3A : memref<!tpu.dma_semaphore, #tpu.memory_space<semaphore_mem>>)
        %dma_wait3A_147 = tpu.memref_slice %arg3[%add3A_133] : memref<320000xi32, #tpu.memory_space<hbm>> -> memref<80xi32, #tpu.memory_space<hbm>>
        %dma_wait3A_148 = tpu.memref_slice %arg3[%add3A_133] : memref<320000xi32, #tpu.memory_space<hbm>> -> memref<80xi32, #tpu.memory_space<hbm>>
        tpu.wait_dma2 semaphore(%run_scoped3A : memref<!tpu.dma_semaphore, #tpu.memory_space<semaphore_mem>>) src(%dma_wait3A_148 : memref<80xi32, #tpu.memory_space<hbm>>) dst(%arg9 : memref<80xi32, #tpu.memory_space<vmem>>)
        tpu.yield
      }) : () -> ()
      "tpu.region"() ({
        %run_scoped3A = tpu.sem_alloc : memref<!tpu.dma_semaphore, #tpu.memory_space<semaphore_mem>>
        %dma_start3A_145 = tpu.memref_slice %arg4[%add3A_133] : memref<320000xi32, #tpu.memory_space<hbm>> -> memref<80xi32, #tpu.memory_space<hbm>>
        %dma_start3A_146 = tpu.memref_slice %arg4[%add3A_133] : memref<320000xi32, #tpu.memory_space<hbm>> -> memref<80xi32, #tpu.memory_space<hbm>>
        tpu.enqueue_dma source(%dma_start3A_146 : memref<80xi32, #tpu.memory_space<hbm>>) target(%arg10 : memref<80xi32, #tpu.memory_space<vmem>>) target_semaphore(%run_scoped3A : memref<!tpu.dma_semaphore, #tpu.memory_space<semaphore_mem>>)
        %dma_wait3A_147 = tpu.memref_slice %arg4[%add3A_133] : memref<320000xi32, #tpu.memory_space<hbm>> -> memref<80xi32, #tpu.memory_space<hbm>>
        %dma_wait3A_148 = tpu.memref_slice %arg4[%add3A_133] : memref<320000xi32, #tpu.memory_space<hbm>> -> memref<80xi32, #tpu.memory_space<hbm>>
        tpu.wait_dma2 semaphore(%run_scoped3A : memref<!tpu.dma_semaphore, #tpu.memory_space<semaphore_mem>>) src(%dma_wait3A_148 : memref<80xi32, #tpu.memory_space<hbm>>) dst(%arg10 : memref<80xi32, #tpu.memory_space<vmem>>)
        tpu.yield
      }) : () -> ()
      %scan3A_134 = arith.constant 0 : i32
      %scan3A_135 = arith.constant 5 : i32
      %scan3A_136 = arith.addi %scan3A_134, %scan3A_135 : i32
      %scan3A_137 = arith.constant 1 : i32
      scf.for %scan3A_145 = %scan3A_134 to %scan3A_136 step %scan3A_137  : i32 {
        %mul3A_146 = arith.constant 1 : i32
        %mul3A_147 = arith.muli %scan3A_145, %mul3A_146 : i32
        %add3A_148 = arith.constant 0 : i32
        %add3A_149 = arith.addi %add3A_148, %mul3A_147 : i32
        %mul3A_150 = arith.constant 16 : i32
        %mul3A_151 = arith.muli %add3A_149, %mul3A_150 : i32
        %get3A = arith.index_cast %mul3A_151 : i32 to index
        %get3A_152 = tpu.vector_load %arg13[%get3A] {strides = array<i32>} : memref<80xi32, #tpu.memory_space<vmem>>, vector<16xi32>,
        %get3A_153 = vector.shape_cast %get3A_152 : vector<16xi32> to vector<16xi32>
        %sub3A = vector.broadcast %mul3A_31 : i32 to vector<16xi32>
        %sub3A_154 = arith.subi %get3A_153, %sub3A : vector<16xi32>
        %ge3A = arith.constant 0 : i32
        %ge3A_155 = vector.broadcast %ge3A : i32 to vector<16xi32>
        %ge3A_156 = arith.cmpi sge, %sub3A_154, %ge3A_155 : vector<16xi32>
        %lt3A = arith.constant 5120 : i32
        %lt3A_157 = vector.broadcast %lt3A : i32 to vector<16xi32>
        %lt3A_158 = arith.cmpi slt, %sub3A_154, %lt3A_157 : vector<16xi32>
        %and3A = arith.andi %ge3A_156, %lt3A_158 : vector<16xi1>
        %jit3A = arith.constant 5127 : i32
        %broadcast_in_dim3A_159 = vector.broadcast %jit3A : i32 to vector<16xi32>
        %select_n3A = arith.select %and3A, %sub3A_154, %broadcast_in_dim3A_159 : vector<16xi1>, vector<16xi32>
        %mul3A_160 = arith.constant 16 : i32
        %mul3A_161 = arith.muli %add3A_149, %mul3A_160 : i32
        %swap3A = arith.index_cast %mul3A_161 : i32 to index
        %swap3A_162 = tpu.vector_load %arg13[%swap3A] {strides = array<i32>} : memref<80xi32, #tpu.memory_space<vmem>>, vector<16xi32>,
        %swap3A_163 = vector.shape_cast %swap3A_162 : vector<16xi32> to vector<16xi32>
        %swap3A_164 = vector.shape_cast %select_n3A : vector<16xi32> to vector<16xi32>
        tpu.vector_store %arg13[%swap3A], %swap3A_164 {strides = array<i32>} : memref<80xi32, #tpu.memory_space<vmem>>, vector<16xi32>,
      }
      %scan3A_138 = arith.constant 5 : i32
      %dma_wait3A_139 = arith.constant 0 : i32
      %dma_wait3A_140 = arith.constant 0 : i32
      %dma_wait3A_141 = tpu.memref_slice %arg2[%dma_wait3A_139, %dma_wait3A_140] : memref<10000x128xf32, #tpu.memory_space<hbm>> -> memref<10000x128xf32, #tpu.memory_space<hbm>>
      tpu.wait_indirect_dma semaphore(%arg17 : memref<!tpu.dma_semaphore, #tpu.memory_space<semaphore_mem>>) src(%dma_wait3A_141 : memref<10000x128xf32, #tpu.memory_space<hbm>>) dst(%arg14 : memref<80x128xf32, #tpu.memory_space<vmem>>)
      %dma_start3A_142 = arith.constant 0 : i32
      %dma_start3A_143 = arith.constant 0 : i32
      %dma_start3A_144 = tpu.memref_slice %arg2[%dma_start3A_142, %dma_start3A_143] : memref<10000x128xf32, #tpu.memory_space<hbm>> -> memref<10000x128xf32, #tpu.memory_space<hbm>>
      tpu.enqueue_indirect_dma source(%dma_start3A_144 : memref<10000x128xf32, #tpu.memory_space<hbm>>) target(%arg11 : memref<80x128xf32, #tpu.memory_space<vmem>>) offsets(%arg9 : memref<80xi32, #tpu.memory_space<vmem>>) semaphore(%arg16 : memref<!tpu.dma_semaphore, #tpu.memory_space<semaphore_mem>>)
      "tpu.region"() ({
        %run_scoped3A = tpu.sem_alloc : memref<!tpu.dma_semaphore, #tpu.memory_space<semaphore_mem>>
        %dma_start3A_145 = arith.constant 0 : i32
        %dma_start3A_146 = arith.constant 0 : i32
        %dma_start3A_147 = tpu.memref_slice %arg7[%dma_start3A_145, %dma_start3A_146] : memref<5248x128xf32, #tpu.memory_space<vmem_shared>> -> memref<5248x128xf32, #tpu.memory_space<vmem_shared>>
        tpu.enqueue_indirect_dma source(%arg14 : memref<80x128xf32, #tpu.memory_space<vmem>>) target(%dma_start3A_147 : memref<5248x128xf32, #tpu.memory_space<vmem_shared>>) offsets(%arg13 : memref<80xi32, #tpu.memory_space<vmem>>) semaphore(%run_scoped3A : memref<!tpu.dma_semaphore, #tpu.memory_space<semaphore_mem>>) {add = true}
        %dma_wait3A_148 = arith.constant 0 : i32
        %dma_wait3A_149 = arith.constant 0 : i32
        %dma_wait3A_150 = tpu.memref_slice %arg7[%dma_wait3A_148, %dma_wait3A_149] : memref<5248x128xf32, #tpu.memory_space<vmem_shared>> -> memref<5248x128xf32, #tpu.memory_space<vmem_shared>>
        tpu.wait_indirect_dma semaphore(%run_scoped3A : memref<!tpu.dma_semaphore, #tpu.memory_space<semaphore_mem>>) src(%arg14 : memref<80x128xf32, #tpu.memory_space<vmem>>) dst(%dma_wait3A_150 : memref<5248x128xf32, #tpu.memory_space<vmem_shared>>)
        tpu.yield
      }) : () -> ()
      "tpu.region"() ({
        %run_scoped3A = tpu.sem_alloc : memref<!tpu.dma_semaphore, #tpu.memory_space<semaphore_mem>>
        %dma_start3A_145 = arith.constant 0 : i32
        %dma_start3A_146 = arith.constant 0 : i32
        %dma_start3A_147 = tpu.memref_slice %arg8[%dma_start3A_145, %dma_start3A_146] : memref<5248x16xf32, #tpu.memory_space<vmem_shared>> -> memref<5248x16xf32, #tpu.memory_space<vmem_shared>>
        tpu.enqueue_indirect_dma source(%arg15 : memref<80x16xf32, #tpu.memory_space<vmem>>) target(%dma_start3A_147 : memref<5248x16xf32, #tpu.memory_space<vmem_shared>>) offsets(%arg13 : memref<80xi32, #tpu.memory_space<vmem>>) semaphore(%run_scoped3A : memref<!tpu.dma_semaphore, #tpu.memory_space<semaphore_mem>>) {add = true}
        %dma_wait3A_148 = arith.constant 0 : i32
        %dma_wait3A_149 = arith.constant 0 : i32
        %dma_wait3A_150 = tpu.memref_slice %arg8[%dma_wait3A_148, %dma_wait3A_149] : memref<5248x16xf32, #tpu.memory_space<vmem_shared>> -> memref<5248x16xf32, #tpu.memory_space<vmem_shared>>
        tpu.wait_indirect_dma semaphore(%run_scoped3A : memref<!tpu.dma_semaphore, #tpu.memory_space<semaphore_mem>>) src(%arg15 : memref<80x16xf32, #tpu.memory_space<vmem>>) dst(%dma_wait3A_150 : memref<5248x16xf32, #tpu.memory_space<vmem_shared>>)
        tpu.yield
      }) : () -> ()
    }
    %scan3A_42 = arith.constant 124 : i32
    %add3A_43 = arith.constant 19920 : i32
    %add3A_44 = arith.addi %mul3A_33, %add3A_43 : i32
    "tpu.region"() ({
      %run_scoped3A = tpu.sem_alloc : memref<!tpu.dma_semaphore, #tpu.memory_space<semaphore_mem>>
      %dma_start3A_106 = tpu.memref_slice %arg3[%add3A_44] : memref<320000xi32, #tpu.memory_space<hbm>> -> memref<80xi32, #tpu.memory_space<hbm>>
      %dma_start3A_107 = tpu.memref_slice %arg3[%add3A_44] : memref<320000xi32, #tpu.memory_space<hbm>> -> memref<80xi32, #tpu.memory_space<hbm>>
      tpu.enqueue_dma source(%dma_start3A_107 : memref<80xi32, #tpu.memory_space<hbm>>) target(%arg12 : memref<80xi32, #tpu.memory_space<vmem>>) target_semaphore(%run_scoped3A : memref<!tpu.dma_semaphore, #tpu.memory_space<semaphore_mem>>)
      %dma_wait3A_108 = tpu.memref_slice %arg3[%add3A_44] : memref<320000xi32, #tpu.memory_space<hbm>> -> memref<80xi32, #tpu.memory_space<hbm>>
      %dma_wait3A_109 = tpu.memref_slice %arg3[%add3A_44] : memref<320000xi32, #tpu.memory_space<hbm>> -> memref<80xi32, #tpu.memory_space<hbm>>
      tpu.wait_dma2 semaphore(%run_scoped3A : memref<!tpu.dma_semaphore, #tpu.memory_space<semaphore_mem>>) src(%dma_wait3A_109 : memref<80xi32, #tpu.memory_space<hbm>>) dst(%arg12 : memref<80xi32, #tpu.memory_space<vmem>>)
      tpu.yield
    }) : () -> ()
    "tpu.region"() ({
      %run_scoped3A = tpu.sem_alloc : memref<!tpu.dma_semaphore, #tpu.memory_space<semaphore_mem>>
      %dma_start3A_106 = tpu.memref_slice %arg4[%add3A_44] : memref<320000xi32, #tpu.memory_space<hbm>> -> memref<80xi32, #tpu.memory_space<hbm>>
      %dma_start3A_107 = tpu.memref_slice %arg4[%add3A_44] : memref<320000xi32, #tpu.memory_space<hbm>> -> memref<80xi32, #tpu.memory_space<hbm>>
      tpu.enqueue_dma source(%dma_start3A_107 : memref<80xi32, #tpu.memory_space<hbm>>) target(%arg13 : memref<80xi32, #tpu.memory_space<vmem>>) target_semaphore(%run_scoped3A : memref<!tpu.dma_semaphore, #tpu.memory_space<semaphore_mem>>)
      %dma_wait3A_108 = tpu.memref_slice %arg4[%add3A_44] : memref<320000xi32, #tpu.memory_space<hbm>> -> memref<80xi32, #tpu.memory_space<hbm>>
      %dma_wait3A_109 = tpu.memref_slice %arg4[%add3A_44] : memref<320000xi32, #tpu.memory_space<hbm>> -> memref<80xi32, #tpu.memory_space<hbm>>
      tpu.wait_dma2 semaphore(%run_scoped3A : memref<!tpu.dma_semaphore, #tpu.memory_space<semaphore_mem>>) src(%dma_wait3A_109 : memref<80xi32, #tpu.memory_space<hbm>>) dst(%arg13 : memref<80xi32, #tpu.memory_space<vmem>>)
      tpu.yield
    }) : () -> ()
    %scan3A_45 = arith.constant 0 : i32
    %scan3A_46 = arith.constant 5 : i32
    %scan3A_47 = arith.addi %scan3A_45, %scan3A_46 : i32
    %scan3A_48 = arith.constant 1 : i32
    scf.for %scan3A_106 = %scan3A_45 to %scan3A_47 step %scan3A_48  : i32 {
      %mul3A_107 = arith.constant 1 : i32
      %mul3A_108 = arith.muli %scan3A_106, %mul3A_107 : i32
      %add3A_109 = arith.constant 0 : i32
      %add3A_110 = arith.addi %add3A_109, %mul3A_108 : i32
      %mul3A_111 = arith.constant 16 : i32
      %mul3A_112 = arith.muli %add3A_110, %mul3A_111 : i32
      %get3A = arith.index_cast %mul3A_112 : i32 to index
      %get3A_113 = tpu.vector_load %arg10[%get3A] {strides = array<i32>} : memref<80xi32, #tpu.memory_space<vmem>>, vector<16xi32>,
      %get3A_114 = vector.shape_cast %get3A_113 : vector<16xi32> to vector<16xi32>
      %sub3A = vector.broadcast %mul3A_31 : i32 to vector<16xi32>
      %sub3A_115 = arith.subi %get3A_114, %sub3A : vector<16xi32>
      %ge3A = arith.constant 0 : i32
      %ge3A_116 = vector.broadcast %ge3A : i32 to vector<16xi32>
      %ge3A_117 = arith.cmpi sge, %sub3A_115, %ge3A_116 : vector<16xi32>
      %lt3A = arith.constant 5120 : i32
      %lt3A_118 = vector.broadcast %lt3A : i32 to vector<16xi32>
      %lt3A_119 = arith.cmpi slt, %sub3A_115, %lt3A_118 : vector<16xi32>
      %and3A = arith.andi %ge3A_117, %lt3A_119 : vector<16xi1>
      %jit3A = arith.constant 5127 : i32
      %broadcast_in_dim3A_120 = vector.broadcast %jit3A : i32 to vector<16xi32>
      %select_n3A = arith.select %and3A, %sub3A_115, %broadcast_in_dim3A_120 : vector<16xi1>, vector<16xi32>
      %mul3A_121 = arith.constant 16 : i32
      %mul3A_122 = arith.muli %add3A_110, %mul3A_121 : i32
      %swap3A = arith.index_cast %mul3A_122 : i32 to index
      %swap3A_123 = tpu.vector_load %arg10[%swap3A] {strides = array<i32>} : memref<80xi32, #tpu.memory_space<vmem>>, vector<16xi32>,
      %swap3A_124 = vector.shape_cast %swap3A_123 : vector<16xi32> to vector<16xi32>
      %swap3A_125 = vector.shape_cast %select_n3A : vector<16xi32> to vector<16xi32>
      tpu.vector_store %arg10[%swap3A], %swap3A_125 {strides = array<i32>} : memref<80xi32, #tpu.memory_space<vmem>>, vector<16xi32>,
    }
    %scan3A_49 = arith.constant 5 : i32
    %dma_wait3A = arith.constant 0 : i32
    %dma_wait3A_50 = arith.constant 0 : i32
    %dma_wait3A_51 = tpu.memref_slice %arg2[%dma_wait3A, %dma_wait3A_50] : memref<10000x128xf32, #tpu.memory_space<hbm>> -> memref<10000x128xf32, #tpu.memory_space<hbm>>
    tpu.wait_indirect_dma semaphore(%arg16 : memref<!tpu.dma_semaphore, #tpu.memory_space<semaphore_mem>>) src(%dma_wait3A_51 : memref<10000x128xf32, #tpu.memory_space<hbm>>) dst(%arg11 : memref<80x128xf32, #tpu.memory_space<vmem>>)
    %dma_start3A_52 = arith.constant 0 : i32
    %dma_start3A_53 = arith.constant 0 : i32
    %dma_start3A_54 = tpu.memref_slice %arg2[%dma_start3A_52, %dma_start3A_53] : memref<10000x128xf32, #tpu.memory_space<hbm>> -> memref<10000x128xf32, #tpu.memory_space<hbm>>
    tpu.enqueue_indirect_dma source(%dma_start3A_54 : memref<10000x128xf32, #tpu.memory_space<hbm>>) target(%arg14 : memref<80x128xf32, #tpu.memory_space<vmem>>) offsets(%arg12 : memref<80xi32, #tpu.memory_space<vmem>>) semaphore(%arg17 : memref<!tpu.dma_semaphore, #tpu.memory_space<semaphore_mem>>)
    "tpu.region"() ({
      %run_scoped3A = tpu.sem_alloc : memref<!tpu.dma_semaphore, #tpu.memory_space<semaphore_mem>>
      %dma_start3A_106 = arith.constant 0 : i32
      %dma_start3A_107 = arith.constant 0 : i32
      %dma_start3A_108 = tpu.memref_slice %arg7[%dma_start3A_106, %dma_start3A_107] : memref<5248x128xf32, #tpu.memory_space<vmem_shared>> -> memref<5248x128xf32, #tpu.memory_space<vmem_shared>>
      tpu.enqueue_indirect_dma source(%arg11 : memref<80x128xf32, #tpu.memory_space<vmem>>) target(%dma_start3A_108 : memref<5248x128xf32, #tpu.memory_space<vmem_shared>>) offsets(%arg10 : memref<80xi32, #tpu.memory_space<vmem>>) semaphore(%run_scoped3A : memref<!tpu.dma_semaphore, #tpu.memory_space<semaphore_mem>>) {add = true}
      %dma_wait3A_109 = arith.constant 0 : i32
      %dma_wait3A_110 = arith.constant 0 : i32
      %dma_wait3A_111 = tpu.memref_slice %arg7[%dma_wait3A_109, %dma_wait3A_110] : memref<5248x128xf32, #tpu.memory_space<vmem_shared>> -> memref<5248x128xf32, #tpu.memory_space<vmem_shared>>
      tpu.wait_indirect_dma semaphore(%run_scoped3A : memref<!tpu.dma_semaphore, #tpu.memory_space<semaphore_mem>>) src(%arg11 : memref<80x128xf32, #tpu.memory_space<vmem>>) dst(%dma_wait3A_111 : memref<5248x128xf32, #tpu.memory_space<vmem_shared>>)
      tpu.yield
    }) : () -> ()
    "tpu.region"() ({
      %run_scoped3A = tpu.sem_alloc : memref<!tpu.dma_semaphore, #tpu.memory_space<semaphore_mem>>
      %dma_start3A_106 = arith.constant 0 : i32
      %dma_start3A_107 = arith.constant 0 : i32
      %dma_start3A_108 = tpu.memref_slice %arg8[%dma_start3A_106, %dma_start3A_107] : memref<5248x16xf32, #tpu.memory_space<vmem_shared>> -> memref<5248x16xf32, #tpu.memory_space<vmem_shared>>
      tpu.enqueue_indirect_dma source(%arg15 : memref<80x16xf32, #tpu.memory_space<vmem>>) target(%dma_start3A_108 : memref<5248x16xf32, #tpu.memory_space<vmem_shared>>) offsets(%arg10 : memref<80xi32, #tpu.memory_space<vmem>>) semaphore(%run_scoped3A : memref<!tpu.dma_semaphore, #tpu.memory_space<semaphore_mem>>) {add = true}
      %dma_wait3A_109 = arith.constant 0 : i32
      %dma_wait3A_110 = arith.constant 0 : i32
      %dma_wait3A_111 = tpu.memref_slice %arg8[%dma_wait3A_109, %dma_wait3A_110] : memref<5248x16xf32, #tpu.memory_space<vmem_shared>> -> memref<5248x16xf32, #tpu.memory_space<vmem_shared>>
      tpu.wait_indirect_dma semaphore(%run_scoped3A : memref<!tpu.dma_semaphore, #tpu.memory_space<semaphore_mem>>) src(%arg15 : memref<80x16xf32, #tpu.memory_space<vmem>>) dst(%dma_wait3A_111 : memref<5248x16xf32, #tpu.memory_space<vmem_shared>>)
      tpu.yield
    }) : () -> ()
    %scan3A_55 = arith.constant 0 : i32
    %scan3A_56 = arith.constant 5 : i32
    %scan3A_57 = arith.addi %scan3A_55, %scan3A_56 : i32
    %scan3A_58 = arith.constant 1 : i32
    scf.for %scan3A_106 = %scan3A_55 to %scan3A_57 step %scan3A_58  : i32 {
      %mul3A_107 = arith.constant 1 : i32
      %mul3A_108 = arith.muli %scan3A_106, %mul3A_107 : i32
      %add3A_109 = arith.constant 0 : i32
      %add3A_110 = arith.addi %add3A_109, %mul3A_108 : i32
      %mul3A_111 = arith.constant 16 : i32
      %mul3A_112 = arith.muli %add3A_110, %mul3A_111 : i32
      %get3A = arith.index_cast %mul3A_112 : i32 to index
      %get3A_113 = tpu.vector_load %arg13[%get3A] {strides = array<i32>} : memref<80xi32, #tpu.memory_space<vmem>>, vector<16xi32>,
      %get3A_114 = vector.shape_cast %get3A_113 : vector<16xi32> to vector<16xi32>
      %sub3A = vector.broadcast %mul3A_31 : i32 to vector<16xi32>
      %sub3A_115 = arith.subi %get3A_114, %sub3A : vector<16xi32>
      %ge3A = arith.constant 0 : i32
      %ge3A_116 = vector.broadcast %ge3A : i32 to vector<16xi32>
      %ge3A_117 = arith.cmpi sge, %sub3A_115, %ge3A_116 : vector<16xi32>
      %lt3A = arith.constant 5120 : i32
      %lt3A_118 = vector.broadcast %lt3A : i32 to vector<16xi32>
      %lt3A_119 = arith.cmpi slt, %sub3A_115, %lt3A_118 : vector<16xi32>
      %and3A = arith.andi %ge3A_117, %lt3A_119 : vector<16xi1>
      %jit3A = arith.constant 5127 : i32
      %broadcast_in_dim3A_120 = vector.broadcast %jit3A : i32 to vector<16xi32>
      %select_n3A = arith.select %and3A, %sub3A_115, %broadcast_in_dim3A_120 : vector<16xi1>, vector<16xi32>
      %mul3A_121 = arith.constant 16 : i32
      %mul3A_122 = arith.muli %add3A_110, %mul3A_121 : i32
      %swap3A = arith.index_cast %mul3A_122 : i32 to index
      %swap3A_123 = tpu.vector_load %arg13[%swap3A] {strides = array<i32>} : memref<80xi32, #tpu.memory_space<vmem>>, vector<16xi32>,
      %swap3A_124 = vector.shape_cast %swap3A_123 : vector<16xi32> to vector<16xi32>
      %swap3A_125 = vector.shape_cast %select_n3A : vector<16xi32> to vector<16xi32>
      tpu.vector_store %arg13[%swap3A], %swap3A_125 {strides = array<i32>} : memref<80xi32, #tpu.memory_space<vmem>>, vector<16xi32>,
    }
    %scan3A_59 = arith.constant 5 : i32
    %dma_wait3A_60 = arith.constant 0 : i32
    %dma_wait3A_61 = arith.constant 0 : i32
    %dma_wait3A_62 = tpu.memref_slice %arg2[%dma_wait3A_60, %dma_wait3A_61] : memref<10000x128xf32, #tpu.memory_space<hbm>> -> memref<10000x128xf32, #tpu.memory_space<hbm>>
    tpu.wait_indirect_dma semaphore(%arg17 : memref<!tpu.dma_semaphore, #tpu.memory_space<semaphore_mem>>) src(%dma_wait3A_62 : memref<10000x128xf32, #tpu.memory_space<hbm>>) dst(%arg14 : memref<80x128xf32, #tpu.memory_space<vmem>>)
    "tpu.region"() ({
      %run_scoped3A = tpu.sem_alloc : memref<!tpu.dma_semaphore, #tpu.memory_space<semaphore_mem>>
      %dma_start3A_106 = arith.constant 0 : i32
      %dma_start3A_107 = arith.constant 0 : i32
      %dma_start3A_108 = tpu.memref_slice %arg7[%dma_start3A_106, %dma_start3A_107] : memref<5248x128xf32, #tpu.memory_space<vmem_shared>> -> memref<5248x128xf32, #tpu.memory_space<vmem_shared>>
      tpu.enqueue_indirect_dma source(%arg14 : memref<80x128xf32, #tpu.memory_space<vmem>>) target(%dma_start3A_108 : memref<5248x128xf32, #tpu.memory_space<vmem_shared>>) offsets(%arg13 : memref<80xi32, #tpu.memory_space<vmem>>) semaphore(%run_scoped3A : memref<!tpu.dma_semaphore, #tpu.memory_space<semaphore_mem>>) {add = true}
      %dma_wait3A_109 = arith.constant 0 : i32
      %dma_wait3A_110 = arith.constant 0 : i32
      %dma_wait3A_111 = tpu.memref_slice %arg7[%dma_wait3A_109, %dma_wait3A_110] : memref<5248x128xf32, #tpu.memory_space<vmem_shared>> -> memref<5248x128xf32, #tpu.memory_space<vmem_shared>>
      tpu.wait_indirect_dma semaphore(%run_scoped3A : memref<!tpu.dma_semaphore, #tpu.memory_space<semaphore_mem>>) src(%arg14 : memref<80x128xf32, #tpu.memory_space<vmem>>) dst(%dma_wait3A_111 : memref<5248x128xf32, #tpu.memory_space<vmem_shared>>)
      tpu.yield
    }) : () -> ()
    "tpu.region"() ({
      %run_scoped3A = tpu.sem_alloc : memref<!tpu.dma_semaphore, #tpu.memory_space<semaphore_mem>>
      %dma_start3A_106 = arith.constant 0 : i32
      %dma_start3A_107 = arith.constant 0 : i32
      %dma_start3A_108 = tpu.memref_slice %arg8[%dma_start3A_106, %dma_start3A_107] : memref<5248x16xf32, #tpu.memory_space<vmem_shared>> -> memref<5248x16xf32, #tpu.memory_space<vmem_shared>>
      tpu.enqueue_indirect_dma source(%arg15 : memref<80x16xf32, #tpu.memory_space<vmem>>) target(%dma_start3A_108 : memref<5248x16xf32, #tpu.memory_space<vmem_shared>>) offsets(%arg13 : memref<80xi32, #tpu.memory_space<vmem>>) semaphore(%run_scoped3A : memref<!tpu.dma_semaphore, #tpu.memory_space<semaphore_mem>>) {add = true}
      %dma_wait3A_109 = arith.constant 0 : i32
      %dma_wait3A_110 = arith.constant 0 : i32
      %dma_wait3A_111 = tpu.memref_slice %arg8[%dma_wait3A_109, %dma_wait3A_110] : memref<5248x16xf32, #tpu.memory_space<vmem_shared>> -> memref<5248x16xf32, #tpu.memory_space<vmem_shared>>
      tpu.wait_indirect_dma semaphore(%run_scoped3A : memref<!tpu.dma_semaphore, #tpu.memory_space<semaphore_mem>>) src(%arg15 : memref<80x16xf32, #tpu.memory_space<vmem>>) dst(%dma_wait3A_111 : memref<5248x16xf32, #tpu.memory_space<vmem_shared>>)
      tpu.yield
    }) : () -> ()
    %barrier3A_63 = arith.constant 0 : index
    tpu.barrier barrier_id(%barrier3A_63)
    %mul3A_64 = arith.constant 320 : i32
    %mul3A_65 = arith.muli %arg1, %mul3A_64 : i32
    %add3A_66 = arith.constant 0 : i32
    %add3A_67 = arith.addi %mul3A_65, %add3A_66 : i32
    "tpu.region"() ({
      %run_scoped3A = tpu.sem_alloc : memref<!tpu.dma_semaphore, #tpu.memory_space<semaphore_mem>>
      %dma_start3A_106 = arith.constant 0 : i32
      %dma_start3A_107 = tpu.memref_slice %arg7[%add3A_67, %dma_start3A_106] : memref<5248x128xf32, #tpu.memory_space<vmem_shared>> -> memref<80x128xf32, #tpu.memory_space<vmem_shared>>
      %dma_start3A_108 = arith.constant 0 : i32
      %dma_start3A_109 = tpu.memref_slice %arg7[%add3A_67, %dma_start3A_108] : memref<5248x128xf32, #tpu.memory_space<vmem_shared>> -> memref<80x128xf32, #tpu.memory_space<vmem_shared>>
      tpu.enqueue_dma source(%dma_start3A_109 : memref<80x128xf32, #tpu.memory_space<vmem_shared>>) target(%arg11 : memref<80x128xf32, #tpu.memory_space<vmem>>) target_semaphore(%run_scoped3A : memref<!tpu.dma_semaphore, #tpu.memory_space<semaphore_mem>>)
      %dma_wait3A_110 = arith.constant 0 : i32
      %dma_wait3A_111 = tpu.memref_slice %arg7[%add3A_67, %dma_wait3A_110] : memref<5248x128xf32, #tpu.memory_space<vmem_shared>> -> memref<80x128xf32, #tpu.memory_space<vmem_shared>>
      %dma_wait3A_112 = arith.constant 0 : i32
      %dma_wait3A_113 = tpu.memref_slice %arg7[%add3A_67, %dma_wait3A_112] : memref<5248x128xf32, #tpu.memory_space<vmem_shared>> -> memref<80x128xf32, #tpu.memory_space<vmem_shared>>
      tpu.wait_dma2 semaphore(%run_scoped3A : memref<!tpu.dma_semaphore, #tpu.memory_space<semaphore_mem>>) src(%dma_wait3A_113 : memref<80x128xf32, #tpu.memory_space<vmem_shared>>) dst(%arg11 : memref<80x128xf32, #tpu.memory_space<vmem>>)
      tpu.yield
    }) : () -> ()
    %add3A_68 = arith.addi %mul3A_31, %mul3A_65 : i32
    %add3A_69 = arith.constant 0 : i32
    %add3A_70 = arith.addi %add3A_68, %add3A_69 : i32
    "tpu.region"() ({
      %run_scoped3A = tpu.sem_alloc : memref<!tpu.dma_semaphore, #tpu.memory_space<semaphore_mem>>
      %dma_start3A_106 = arith.constant 0 : i32
      %dma_start3A_107 = tpu.memref_slice %arg5[%add3A_70, %dma_start3A_106] : memref<10240x128xf32, #tpu.memory_space<hbm>> -> memref<80x128xf32, #tpu.memory_space<hbm>>
      %dma_start3A_108 = arith.constant 0 : i32
      %dma_start3A_109 = tpu.memref_slice %arg5[%add3A_70, %dma_start3A_108] : memref<10240x128xf32, #tpu.memory_space<hbm>> -> memref<80x128xf32, #tpu.memory_space<hbm>>
      tpu.enqueue_dma source(%arg11 : memref<80x128xf32, #tpu.memory_space<vmem>>) target(%dma_start3A_109 : memref<80x128xf32, #tpu.memory_space<hbm>>) target_semaphore(%run_scoped3A : memref<!tpu.dma_semaphore, #tpu.memory_space<semaphore_mem>>)
      %dma_wait3A_110 = arith.constant 0 : i32
      %dma_wait3A_111 = tpu.memref_slice %arg5[%add3A_70, %dma_wait3A_110] : memref<10240x128xf32, #tpu.memory_space<hbm>> -> memref<80x128xf32, #tpu.memory_space<hbm>>
      %dma_wait3A_112 = arith.constant 0 : i32
      %dma_wait3A_113 = tpu.memref_slice %arg5[%add3A_70, %dma_wait3A_112] : memref<10240x128xf32, #tpu.memory_space<hbm>> -> memref<80x128xf32, #tpu.memory_space<hbm>>
      tpu.wait_dma2 semaphore(%run_scoped3A : memref<!tpu.dma_semaphore, #tpu.memory_space<semaphore_mem>>) src(%arg11 : memref<80x128xf32, #tpu.memory_space<vmem>>) dst(%dma_wait3A_113 : memref<80x128xf32, #tpu.memory_space<hbm>>)
      tpu.yield
    }) : () -> ()
    %add3A_71 = arith.constant 0 : i32
    %add3A_72 = arith.addi %mul3A_65, %add3A_71 : i32
    "tpu.region"() ({
      %run_scoped3A = tpu.sem_alloc : memref<!tpu.dma_semaphore, #tpu.memory_space<semaphore_mem>>
      %dma_start3A_106 = arith.constant 0 : i32
      %dma_start3A_107 = tpu.memref_slice %arg8[%add3A_72, %dma_start3A_106] : memref<5248x16xf32, #tpu.memory_space<vmem_shared>> -> memref<80x16xf32, #tpu.memory_space<vmem_shared>>
      %dma_start3A_108 = arith.constant 0 : i32
      %dma_start3A_109 = tpu.memref_slice %arg8[%add3A_72, %dma_start3A_108] : memref<5248x16xf32, #tpu.memory_space<vmem_shared>> -> memref<80x16xf32, #tpu.memory_space<vmem_shared>>
      tpu.enqueue_dma source(%dma_start3A_109 : memref<80x16xf32, #tpu.memory_space<vmem_shared>>) target(%arg15 : memref<80x16xf32, #tpu.memory_space<vmem>>) target_semaphore(%run_scoped3A : memref<!tpu.dma_semaphore, #tpu.memory_space<semaphore_mem>>)
      %dma_wait3A_110 = arith.constant 0 : i32
      %dma_wait3A_111 = tpu.memref_slice %arg8[%add3A_72, %dma_wait3A_110] : memref<5248x16xf32, #tpu.memory_space<vmem_shared>> -> memref<80x16xf32, #tpu.memory_space<vmem_shared>>
      %dma_wait3A_112 = arith.constant 0 : i32
      %dma_wait3A_113 = tpu.memref_slice %arg8[%add3A_72, %dma_wait3A_112] : memref<5248x16xf32, #tpu.memory_space<vmem_shared>> -> memref<80x16xf32, #tpu.memory_space<vmem_shared>>
      tpu.wait_dma2 semaphore(%run_scoped3A : memref<!tpu.dma_semaphore, #tpu.memory_space<semaphore_mem>>) src(%dma_wait3A_113 : memref<80x16xf32, #tpu.memory_space<vmem_shared>>) dst(%arg15 : memref<80x16xf32, #tpu.memory_space<vmem>>)
      tpu.yield
    }) : () -> ()
    %add3A_73 = arith.addi %mul3A_31, %mul3A_65 : i32
    %add3A_74 = arith.constant 0 : i32
    %add3A_75 = arith.addi %add3A_73, %add3A_74 : i32
    "tpu.region"() ({
      %run_scoped3A = tpu.sem_alloc : memref<!tpu.dma_semaphore, #tpu.memory_space<semaphore_mem>>
      %dma_start3A_106 = arith.constant 0 : i32
      %dma_start3A_107 = tpu.memref_slice %arg6[%add3A_75, %dma_start3A_106] : memref<10240x16xf32, #tpu.memory_space<hbm>> -> memref<80x16xf32, #tpu.memory_space<hbm>>
      %dma_start3A_108 = arith.constant 0 : i32
      %dma_start3A_109 = tpu.memref_slice %arg6[%add3A_75, %dma_start3A_108] : memref<10240x16xf32, #tpu.memory_space<hbm>> -> memref<80x16xf32, #tpu.memory_space<hbm>>
      tpu.enqueue_dma source(%arg15 : memref<80x16xf32, #tpu.memory_space<vmem>>) target(%dma_start3A_109 : memref<80x16xf32, #tpu.memory_space<hbm>>) target_semaphore(%run_scoped3A : memref<!tpu.dma_semaphore, #tpu.memory_space<semaphore_mem>>)
      %dma_wait3A_110 = arith.constant 0 : i32
      %dma_wait3A_111 = tpu.memref_slice %arg6[%add3A_75, %dma_wait3A_110] : memref<10240x16xf32, #tpu.memory_space<hbm>> -> memref<80x16xf32, #tpu.memory_space<hbm>>
      %dma_wait3A_112 = arith.constant 0 : i32
      %dma_wait3A_113 = tpu.memref_slice %arg6[%add3A_75, %dma_wait3A_112] : memref<10240x16xf32, #tpu.memory_space<hbm>> -> memref<80x16xf32, #tpu.memory_space<hbm>>
      tpu.wait_dma2 semaphore(%run_scoped3A : memref<!tpu.dma_semaphore, #tpu.memory_space<semaphore_mem>>) src(%arg15 : memref<80x16xf32, #tpu.memory_space<vmem>>) dst(%dma_wait3A_113 : memref<80x16xf32, #tpu.memory_space<hbm>>)
      tpu.yield
    }) : () -> ()
    %add3A_76 = arith.constant 80 : i32
    %add3A_77 = arith.addi %mul3A_65, %add3A_76 : i32
    "tpu.region"() ({
      %run_scoped3A = tpu.sem_alloc : memref<!tpu.dma_semaphore, #tpu.memory_space<semaphore_mem>>
      %dma_start3A_106 = arith.constant 0 : i32
      %dma_start3A_107 = tpu.memref_slice %arg7[%add3A_77, %dma_start3A_106] : memref<5248x128xf32, #tpu.memory_space<vmem_shared>> -> memref<80x128xf32, #tpu.memory_space<vmem_shared>>
      %dma_start3A_108 = arith.constant 0 : i32
      %dma_start3A_109 = tpu.memref_slice %arg7[%add3A_77, %dma_start3A_108] : memref<5248x128xf32, #tpu.memory_space<vmem_shared>> -> memref<80x128xf32, #tpu.memory_space<vmem_shared>>
      tpu.enqueue_dma source(%dma_start3A_109 : memref<80x128xf32, #tpu.memory_space<vmem_shared>>) target(%arg11 : memref<80x128xf32, #tpu.memory_space<vmem>>) target_semaphore(%run_scoped3A : memref<!tpu.dma_semaphore, #tpu.memory_space<semaphore_mem>>)
      %dma_wait3A_110 = arith.constant 0 : i32
      %dma_wait3A_111 = tpu.memref_slice %arg7[%add3A_77, %dma_wait3A_110] : memref<5248x128xf32, #tpu.memory_space<vmem_shared>> -> memref<80x128xf32, #tpu.memory_space<vmem_shared>>
      %dma_wait3A_112 = arith.constant 0 : i32
      %dma_wait3A_113 = tpu.memref_slice %arg7[%add3A_77, %dma_wait3A_112] : memref<5248x128xf32, #tpu.memory_space<vmem_shared>> -> memref<80x128xf32, #tpu.memory_space<vmem_shared>>
      tpu.wait_dma2 semaphore(%run_scoped3A : memref<!tpu.dma_semaphore, #tpu.memory_space<semaphore_mem>>) src(%dma_wait3A_113 : memref<80x128xf32, #tpu.memory_space<vmem_shared>>) dst(%arg11 : memref<80x128xf32, #tpu.memory_space<vmem>>)
      tpu.yield
    }) : () -> ()
    %add3A_78 = arith.addi %mul3A_31, %mul3A_65 : i32
    %add3A_79 = arith.constant 80 : i32
    %add3A_80 = arith.addi %add3A_78, %add3A_79 : i32
    "tpu.region"() ({
      %run_scoped3A = tpu.sem_alloc : memref<!tpu.dma_semaphore, #tpu.memory_space<semaphore_mem>>
      %dma_start3A_106 = arith.constant 0 : i32
      %dma_start3A_107 = tpu.memref_slice %arg5[%add3A_80, %dma_start3A_106] : memref<10240x128xf32, #tpu.memory_space<hbm>> -> memref<80x128xf32, #tpu.memory_space<hbm>>
      %dma_start3A_108 = arith.constant 0 : i32
      %dma_start3A_109 = tpu.memref_slice %arg5[%add3A_80, %dma_start3A_108] : memref<10240x128xf32, #tpu.memory_space<hbm>> -> memref<80x128xf32, #tpu.memory_space<hbm>>
      tpu.enqueue_dma source(%arg11 : memref<80x128xf32, #tpu.memory_space<vmem>>) target(%dma_start3A_109 : memref<80x128xf32, #tpu.memory_space<hbm>>) target_semaphore(%run_scoped3A : memref<!tpu.dma_semaphore, #tpu.memory_space<semaphore_mem>>)
      %dma_wait3A_110 = arith.constant 0 : i32
      %dma_wait3A_111 = tpu.memref_slice %arg5[%add3A_80, %dma_wait3A_110] : memref<10240x128xf32, #tpu.memory_space<hbm>> -> memref<80x128xf32, #tpu.memory_space<hbm>>
      %dma_wait3A_112 = arith.constant 0 : i32
      %dma_wait3A_113 = tpu.memref_slice %arg5[%add3A_80, %dma_wait3A_112] : memref<10240x128xf32, #tpu.memory_space<hbm>> -> memref<80x128xf32, #tpu.memory_space<hbm>>
      tpu.wait_dma2 semaphore(%run_scoped3A : memref<!tpu.dma_semaphore, #tpu.memory_space<semaphore_mem>>) src(%arg11 : memref<80x128xf32, #tpu.memory_space<vmem>>) dst(%dma_wait3A_113 : memref<80x128xf32, #tpu.memory_space<hbm>>)
      tpu.yield
    }) : () -> ()
    %add3A_81 = arith.constant 80 : i32
    %add3A_82 = arith.addi %mul3A_65, %add3A_81 : i32
    "tpu.region"() ({
      %run_scoped3A = tpu.sem_alloc : memref<!tpu.dma_semaphore, #tpu.memory_space<semaphore_mem>>
      %dma_start3A_106 = arith.constant 0 : i32
      %dma_start3A_107 = tpu.memref_slice %arg8[%add3A_82, %dma_start3A_106] : memref<5248x16xf32, #tpu.memory_space<vmem_shared>> -> memref<80x16xf32, #tpu.memory_space<vmem_shared>>
      %dma_start3A_108 = arith.constant 0 : i32
      %dma_start3A_109 = tpu.memref_slice %arg8[%add3A_82, %dma_start3A_108] : memref<5248x16xf32, #tpu.memory_space<vmem_shared>> -> memref<80x16xf32, #tpu.memory_space<vmem_shared>>
      tpu.enqueue_dma source(%dma_start3A_109 : memref<80x16xf32, #tpu.memory_space<vmem_shared>>) target(%arg15 : memref<80x16xf32, #tpu.memory_space<vmem>>) target_semaphore(%run_scoped3A : memref<!tpu.dma_semaphore, #tpu.memory_space<semaphore_mem>>)
      %dma_wait3A_110 = arith.constant 0 : i32
      %dma_wait3A_111 = tpu.memref_slice %arg8[%add3A_82, %dma_wait3A_110] : memref<5248x16xf32, #tpu.memory_space<vmem_shared>> -> memref<80x16xf32, #tpu.memory_space<vmem_shared>>
      %dma_wait3A_112 = arith.constant 0 : i32
      %dma_wait3A_113 = tpu.memref_slice %arg8[%add3A_82, %dma_wait3A_112] : memref<5248x16xf32, #tpu.memory_space<vmem_shared>> -> memref<80x16xf32, #tpu.memory_space<vmem_shared>>
      tpu.wait_dma2 semaphore(%run_scoped3A : memref<!tpu.dma_semaphore, #tpu.memory_space<semaphore_mem>>) src(%dma_wait3A_113 : memref<80x16xf32, #tpu.memory_space<vmem_shared>>) dst(%arg15 : memref<80x16xf32, #tpu.memory_space<vmem>>)
      tpu.yield
    }) : () -> ()
    %add3A_83 = arith.addi %mul3A_31, %mul3A_65 : i32
    %add3A_84 = arith.constant 80 : i32
    %add3A_85 = arith.addi %add3A_83, %add3A_84 : i32
    "tpu.region"() ({
      %run_scoped3A = tpu.sem_alloc : memref<!tpu.dma_semaphore, #tpu.memory_space<semaphore_mem>>
      %dma_start3A_106 = arith.constant 0 : i32
      %dma_start3A_107 = tpu.memref_slice %arg6[%add3A_85, %dma_start3A_106] : memref<10240x16xf32, #tpu.memory_space<hbm>> -> memref<80x16xf32, #tpu.memory_space<hbm>>
      %dma_start3A_108 = arith.constant 0 : i32
      %dma_start3A_109 = tpu.memref_slice %arg6[%add3A_85, %dma_start3A_108] : memref<10240x16xf32, #tpu.memory_space<hbm>> -> memref<80x16xf32, #tpu.memory_space<hbm>>
      tpu.enqueue_dma source(%arg15 : memref<80x16xf32, #tpu.memory_space<vmem>>) target(%dma_start3A_109 : memref<80x16xf32, #tpu.memory_space<hbm>>) target_semaphore(%run_scoped3A : memref<!tpu.dma_semaphore, #tpu.memory_space<semaphore_mem>>)
      %dma_wait3A_110 = arith.constant 0 : i32
      %dma_wait3A_111 = tpu.memref_slice %arg6[%add3A_85, %dma_wait3A_110] : memref<10240x16xf32, #tpu.memory_space<hbm>> -> memref<80x16xf32, #tpu.memory_space<hbm>>
      %dma_wait3A_112 = arith.constant 0 : i32
      %dma_wait3A_113 = tpu.memref_slice %arg6[%add3A_85, %dma_wait3A_112] : memref<10240x16xf32, #tpu.memory_space<hbm>> -> memref<80x16xf32, #tpu.memory_space<hbm>>
      tpu.wait_dma2 semaphore(%run_scoped3A : memref<!tpu.dma_semaphore, #tpu.memory_space<semaphore_mem>>) src(%arg15 : memref<80x16xf32, #tpu.memory_space<vmem>>) dst(%dma_wait3A_113 : memref<80x16xf32, #tpu.memory_space<hbm>>)
      tpu.yield
    }) : () -> ()
    %add3A_86 = arith.constant 160 : i32
    %add3A_87 = arith.addi %mul3A_65, %add3A_86 : i32
    "tpu.region"() ({
      %run_scoped3A = tpu.sem_alloc : memref<!tpu.dma_semaphore, #tpu.memory_space<semaphore_mem>>
      %dma_start3A_106 = arith.constant 0 : i32
      %dma_start3A_107 = tpu.memref_slice %arg7[%add3A_87, %dma_start3A_106] : memref<5248x128xf32, #tpu.memory_space<vmem_shared>> -> memref<80x128xf32, #tpu.memory_space<vmem_shared>>
      %dma_start3A_108 = arith.constant 0 : i32
      %dma_start3A_109 = tpu.memref_slice %arg7[%add3A_87, %dma_start3A_108] : memref<5248x128xf32, #tpu.memory_space<vmem_shared>> -> memref<80x128xf32, #tpu.memory_space<vmem_shared>>
      tpu.enqueue_dma source(%dma_start3A_109 : memref<80x128xf32, #tpu.memory_space<vmem_shared>>) target(%arg11 : memref<80x128xf32, #tpu.memory_space<vmem>>) target_semaphore(%run_scoped3A : memref<!tpu.dma_semaphore, #tpu.memory_space<semaphore_mem>>)
      %dma_wait3A_110 = arith.constant 0 : i32
      %dma_wait3A_111 = tpu.memref_slice %arg7[%add3A_87, %dma_wait3A_110] : memref<5248x128xf32, #tpu.memory_space<vmem_shared>> -> memref<80x128xf32, #tpu.memory_space<vmem_shared>>
      %dma_wait3A_112 = arith.constant 0 : i32
      %dma_wait3A_113 = tpu.memref_slice %arg7[%add3A_87, %dma_wait3A_112] : memref<5248x128xf32, #tpu.memory_space<vmem_shared>> -> memref<80x128xf32, #tpu.memory_space<vmem_shared>>
      tpu.wait_dma2 semaphore(%run_scoped3A : memref<!tpu.dma_semaphore, #tpu.memory_space<semaphore_mem>>) src(%dma_wait3A_113 : memref<80x128xf32, #tpu.memory_space<vmem_shared>>) dst(%arg11 : memref<80x128xf32, #tpu.memory_space<vmem>>)
      tpu.yield
    }) : () -> ()
    %add3A_88 = arith.addi %mul3A_31, %mul3A_65 : i32
    %add3A_89 = arith.constant 160 : i32
    %add3A_90 = arith.addi %add3A_88, %add3A_89 : i32
    "tpu.region"() ({
      %run_scoped3A = tpu.sem_alloc : memref<!tpu.dma_semaphore, #tpu.memory_space<semaphore_mem>>
      %dma_start3A_106 = arith.constant 0 : i32
      %dma_start3A_107 = tpu.memref_slice %arg5[%add3A_90, %dma_start3A_106] : memref<10240x128xf32, #tpu.memory_space<hbm>> -> memref<80x128xf32, #tpu.memory_space<hbm>>
      %dma_start3A_108 = arith.constant 0 : i32
      %dma_start3A_109 = tpu.memref_slice %arg5[%add3A_90, %dma_start3A_108] : memref<10240x128xf32, #tpu.memory_space<hbm>> -> memref<80x128xf32, #tpu.memory_space<hbm>>
      tpu.enqueue_dma source(%arg11 : memref<80x128xf32, #tpu.memory_space<vmem>>) target(%dma_start3A_109 : memref<80x128xf32, #tpu.memory_space<hbm>>) target_semaphore(%run_scoped3A : memref<!tpu.dma_semaphore, #tpu.memory_space<semaphore_mem>>)
      %dma_wait3A_110 = arith.constant 0 : i32
      %dma_wait3A_111 = tpu.memref_slice %arg5[%add3A_90, %dma_wait3A_110] : memref<10240x128xf32, #tpu.memory_space<hbm>> -> memref<80x128xf32, #tpu.memory_space<hbm>>
      %dma_wait3A_112 = arith.constant 0 : i32
      %dma_wait3A_113 = tpu.memref_slice %arg5[%add3A_90, %dma_wait3A_112] : memref<10240x128xf32, #tpu.memory_space<hbm>> -> memref<80x128xf32, #tpu.memory_space<hbm>>
      tpu.wait_dma2 semaphore(%run_scoped3A : memref<!tpu.dma_semaphore, #tpu.memory_space<semaphore_mem>>) src(%arg11 : memref<80x128xf32, #tpu.memory_space<vmem>>) dst(%dma_wait3A_113 : memref<80x128xf32, #tpu.memory_space<hbm>>)
      tpu.yield
    }) : () -> ()
    %add3A_91 = arith.constant 160 : i32
    %add3A_92 = arith.addi %mul3A_65, %add3A_91 : i32
    "tpu.region"() ({
      %run_scoped3A = tpu.sem_alloc : memref<!tpu.dma_semaphore, #tpu.memory_space<semaphore_mem>>
      %dma_start3A_106 = arith.constant 0 : i32
      %dma_start3A_107 = tpu.memref_slice %arg8[%add3A_92, %dma_start3A_106] : memref<5248x16xf32, #tpu.memory_space<vmem_shared>> -> memref<80x16xf32, #tpu.memory_space<vmem_shared>>
      %dma_start3A_108 = arith.constant 0 : i32
      %dma_start3A_109 = tpu.memref_slice %arg8[%add3A_92, %dma_start3A_108] : memref<5248x16xf32, #tpu.memory_space<vmem_shared>> -> memref<80x16xf32, #tpu.memory_space<vmem_shared>>
      tpu.enqueue_dma source(%dma_start3A_109 : memref<80x16xf32, #tpu.memory_space<vmem_shared>>) target(%arg15 : memref<80x16xf32, #tpu.memory_space<vmem>>) target_semaphore(%run_scoped3A : memref<!tpu.dma_semaphore, #tpu.memory_space<semaphore_mem>>)
      %dma_wait3A_110 = arith.constant 0 : i32
      %dma_wait3A_111 = tpu.memref_slice %arg8[%add3A_92, %dma_wait3A_110] : memref<5248x16xf32, #tpu.memory_space<vmem_shared>> -> memref<80x16xf32, #tpu.memory_space<vmem_shared>>
      %dma_wait3A_112 = arith.constant 0 : i32
      %dma_wait3A_113 = tpu.memref_slice %arg8[%add3A_92, %dma_wait3A_112] : memref<5248x16xf32, #tpu.memory_space<vmem_shared>> -> memref<80x16xf32, #tpu.memory_space<vmem_shared>>
      tpu.wait_dma2 semaphore(%run_scoped3A : memref<!tpu.dma_semaphore, #tpu.memory_space<semaphore_mem>>) src(%dma_wait3A_113 : memref<80x16xf32, #tpu.memory_space<vmem_shared>>) dst(%arg15 : memref<80x16xf32, #tpu.memory_space<vmem>>)
      tpu.yield
    }) : () -> ()
    %add3A_93 = arith.addi %mul3A_31, %mul3A_65 : i32
    %add3A_94 = arith.constant 160 : i32
    %add3A_95 = arith.addi %add3A_93, %add3A_94 : i32
    "tpu.region"() ({
      %run_scoped3A = tpu.sem_alloc : memref<!tpu.dma_semaphore, #tpu.memory_space<semaphore_mem>>
      %dma_start3A_106 = arith.constant 0 : i32
      %dma_start3A_107 = tpu.memref_slice %arg6[%add3A_95, %dma_start3A_106] : memref<10240x16xf32, #tpu.memory_space<hbm>> -> memref<80x16xf32, #tpu.memory_space<hbm>>
      %dma_start3A_108 = arith.constant 0 : i32
      %dma_start3A_109 = tpu.memref_slice %arg6[%add3A_95, %dma_start3A_108] : memref<10240x16xf32, #tpu.memory_space<hbm>> -> memref<80x16xf32, #tpu.memory_space<hbm>>
      tpu.enqueue_dma source(%arg15 : memref<80x16xf32, #tpu.memory_space<vmem>>) target(%dma_start3A_109 : memref<80x16xf32, #tpu.memory_space<hbm>>) target_semaphore(%run_scoped3A : memref<!tpu.dma_semaphore, #tpu.memory_space<semaphore_mem>>)
      %dma_wait3A_110 = arith.constant 0 : i32
      %dma_wait3A_111 = tpu.memref_slice %arg6[%add3A_95, %dma_wait3A_110] : memref<10240x16xf32, #tpu.memory_space<hbm>> -> memref<80x16xf32, #tpu.memory_space<hbm>>
      %dma_wait3A_112 = arith.constant 0 : i32
      %dma_wait3A_113 = tpu.memref_slice %arg6[%add3A_95, %dma_wait3A_112] : memref<10240x16xf32, #tpu.memory_space<hbm>> -> memref<80x16xf32, #tpu.memory_space<hbm>>
      tpu.wait_dma2 semaphore(%run_scoped3A : memref<!tpu.dma_semaphore, #tpu.memory_space<semaphore_mem>>) src(%arg15 : memref<80x16xf32, #tpu.memory_space<vmem>>) dst(%dma_wait3A_113 : memref<80x16xf32, #tpu.memory_space<hbm>>)
      tpu.yield
    }) : () -> ()
    %add3A_96 = arith.constant 240 : i32
    %add3A_97 = arith.addi %mul3A_65, %add3A_96 : i32
    "tpu.region"() ({
      %run_scoped3A = tpu.sem_alloc : memref<!tpu.dma_semaphore, #tpu.memory_space<semaphore_mem>>
      %dma_start3A_106 = arith.constant 0 : i32
      %dma_start3A_107 = tpu.memref_slice %arg7[%add3A_97, %dma_start3A_106] : memref<5248x128xf32, #tpu.memory_space<vmem_shared>> -> memref<80x128xf32, #tpu.memory_space<vmem_shared>>
      %dma_start3A_108 = arith.constant 0 : i32
      %dma_start3A_109 = tpu.memref_slice %arg7[%add3A_97, %dma_start3A_108] : memref<5248x128xf32, #tpu.memory_space<vmem_shared>> -> memref<80x128xf32, #tpu.memory_space<vmem_shared>>
      tpu.enqueue_dma source(%dma_start3A_109 : memref<80x128xf32, #tpu.memory_space<vmem_shared>>) target(%arg11 : memref<80x128xf32, #tpu.memory_space<vmem>>) target_semaphore(%run_scoped3A : memref<!tpu.dma_semaphore, #tpu.memory_space<semaphore_mem>>)
      %dma_wait3A_110 = arith.constant 0 : i32
      %dma_wait3A_111 = tpu.memref_slice %arg7[%add3A_97, %dma_wait3A_110] : memref<5248x128xf32, #tpu.memory_space<vmem_shared>> -> memref<80x128xf32, #tpu.memory_space<vmem_shared>>
      %dma_wait3A_112 = arith.constant 0 : i32
      %dma_wait3A_113 = tpu.memref_slice %arg7[%add3A_97, %dma_wait3A_112] : memref<5248x128xf32, #tpu.memory_space<vmem_shared>> -> memref<80x128xf32, #tpu.memory_space<vmem_shared>>
      tpu.wait_dma2 semaphore(%run_scoped3A : memref<!tpu.dma_semaphore, #tpu.memory_space<semaphore_mem>>) src(%dma_wait3A_113 : memref<80x128xf32, #tpu.memory_space<vmem_shared>>) dst(%arg11 : memref<80x128xf32, #tpu.memory_space<vmem>>)
      tpu.yield
    }) : () -> ()
    %add3A_98 = arith.addi %mul3A_31, %mul3A_65 : i32
    %add3A_99 = arith.constant 240 : i32
    %add3A_100 = arith.addi %add3A_98, %add3A_99 : i32
    "tpu.region"() ({
      %run_scoped3A = tpu.sem_alloc : memref<!tpu.dma_semaphore, #tpu.memory_space<semaphore_mem>>
      %dma_start3A_106 = arith.constant 0 : i32
      %dma_start3A_107 = tpu.memref_slice %arg5[%add3A_100, %dma_start3A_106] : memref<10240x128xf32, #tpu.memory_space<hbm>> -> memref<80x128xf32, #tpu.memory_space<hbm>>
      %dma_start3A_108 = arith.constant 0 : i32
      %dma_start3A_109 = tpu.memref_slice %arg5[%add3A_100, %dma_start3A_108] : memref<10240x128xf32, #tpu.memory_space<hbm>> -> memref<80x128xf32, #tpu.memory_space<hbm>>
      tpu.enqueue_dma source(%arg11 : memref<80x128xf32, #tpu.memory_space<vmem>>) target(%dma_start3A_109 : memref<80x128xf32, #tpu.memory_space<hbm>>) target_semaphore(%run_scoped3A : memref<!tpu.dma_semaphore, #tpu.memory_space<semaphore_mem>>)
      %dma_wait3A_110 = arith.constant 0 : i32
      %dma_wait3A_111 = tpu.memref_slice %arg5[%add3A_100, %dma_wait3A_110] : memref<10240x128xf32, #tpu.memory_space<hbm>> -> memref<80x128xf32, #tpu.memory_space<hbm>>
      %dma_wait3A_112 = arith.constant 0 : i32
      %dma_wait3A_113 = tpu.memref_slice %arg5[%add3A_100, %dma_wait3A_112] : memref<10240x128xf32, #tpu.memory_space<hbm>> -> memref<80x128xf32, #tpu.memory_space<hbm>>
      tpu.wait_dma2 semaphore(%run_scoped3A : memref<!tpu.dma_semaphore, #tpu.memory_space<semaphore_mem>>) src(%arg11 : memref<80x128xf32, #tpu.memory_space<vmem>>) dst(%dma_wait3A_113 : memref<80x128xf32, #tpu.memory_space<hbm>>)
      tpu.yield
    }) : () -> ()
    %add3A_101 = arith.constant 240 : i32
    %add3A_102 = arith.addi %mul3A_65, %add3A_101 : i32
    "tpu.region"() ({
      %run_scoped3A = tpu.sem_alloc : memref<!tpu.dma_semaphore, #tpu.memory_space<semaphore_mem>>
      %dma_start3A_106 = arith.constant 0 : i32
      %dma_start3A_107 = tpu.memref_slice %arg8[%add3A_102, %dma_start3A_106] : memref<5248x16xf32, #tpu.memory_space<vmem_shared>> -> memref<80x16xf32, #tpu.memory_space<vmem_shared>>
      %dma_start3A_108 = arith.constant 0 : i32
      %dma_start3A_109 = tpu.memref_slice %arg8[%add3A_102, %dma_start3A_108] : memref<5248x16xf32, #tpu.memory_space<vmem_shared>> -> memref<80x16xf32, #tpu.memory_space<vmem_shared>>
      tpu.enqueue_dma source(%dma_start3A_109 : memref<80x16xf32, #tpu.memory_space<vmem_shared>>) target(%arg15 : memref<80x16xf32, #tpu.memory_space<vmem>>) target_semaphore(%run_scoped3A : memref<!tpu.dma_semaphore, #tpu.memory_space<semaphore_mem>>)
      %dma_wait3A_110 = arith.constant 0 : i32
      %dma_wait3A_111 = tpu.memref_slice %arg8[%add3A_102, %dma_wait3A_110] : memref<5248x16xf32, #tpu.memory_space<vmem_shared>> -> memref<80x16xf32, #tpu.memory_space<vmem_shared>>
      %dma_wait3A_112 = arith.constant 0 : i32
      %dma_wait3A_113 = tpu.memref_slice %arg8[%add3A_102, %dma_wait3A_112] : memref<5248x16xf32, #tpu.memory_space<vmem_shared>> -> memref<80x16xf32, #tpu.memory_space<vmem_shared>>
      tpu.wait_dma2 semaphore(%run_scoped3A : memref<!tpu.dma_semaphore, #tpu.memory_space<semaphore_mem>>) src(%dma_wait3A_113 : memref<80x16xf32, #tpu.memory_space<vmem_shared>>) dst(%arg15 : memref<80x16xf32, #tpu.memory_space<vmem>>)
      tpu.yield
    }) : () -> ()
    %add3A_103 = arith.addi %mul3A_31, %mul3A_65 : i32
    %add3A_104 = arith.constant 240 : i32
    %add3A_105 = arith.addi %add3A_103, %add3A_104 : i32
    "tpu.region"() ({
      %run_scoped3A = tpu.sem_alloc : memref<!tpu.dma_semaphore, #tpu.memory_space<semaphore_mem>>
      %dma_start3A_106 = arith.constant 0 : i32
      %dma_start3A_107 = tpu.memref_slice %arg6[%add3A_105, %dma_start3A_106] : memref<10240x16xf32, #tpu.memory_space<hbm>> -> memref<80x16xf32, #tpu.memory_space<hbm>>
      %dma_start3A_108 = arith.constant 0 : i32
      %dma_start3A_109 = tpu.memref_slice %arg6[%add3A_105, %dma_start3A_108] : memref<10240x16xf32, #tpu.memory_space<hbm>> -> memref<80x16xf32, #tpu.memory_space<hbm>>
      tpu.enqueue_dma source(%arg15 : memref<80x16xf32, #tpu.memory_space<vmem>>) target(%dma_start3A_109 : memref<80x16xf32, #tpu.memory_space<hbm>>) target_semaphore(%run_scoped3A : memref<!tpu.dma_semaphore, #tpu.memory_space<semaphore_mem>>)
      %dma_wait3A_110 = arith.constant 0 : i32
      %dma_wait3A_111 = tpu.memref_slice %arg6[%add3A_105, %dma_wait3A_110] : memref<10240x16xf32, #tpu.memory_space<hbm>> -> memref<80x16xf32, #tpu.memory_space<hbm>>
      %dma_wait3A_112 = arith.constant 0 : i32
      %dma_wait3A_113 = tpu.memref_slice %arg6[%add3A_105, %dma_wait3A_112] : memref<10240x16xf32, #tpu.memory_space<hbm>> -> memref<80x16xf32, #tpu.memory_space<hbm>>
      tpu.wait_dma2 semaphore(%run_scoped3A : memref<!tpu.dma_semaphore, #tpu.memory_space<semaphore_mem>>) src(%arg15 : memref<80x16xf32, #tpu.memory_space<vmem>>) dst(%dma_wait3A_113 : memref<80x16xf32, #tpu.memory_space<hbm>>)
      tpu.yield
    }) : () -> ()
    return
  }
}

module attributes {stable_mosaic.version = 14 : i64} {
  func.func @_mlp_body(%arg0: i32, %arg1: memref<2000x128xf32, #tpu.memory_space<vmem>>, %arg2: memref<128x128xf32, #tpu.memory_space<vmem>>, %arg3: memref<1x128xf32, #tpu.memory_space<vmem>>, %arg4: memref<128x128xf32, #tpu.memory_space<vmem>>, %arg5: memref<1x128xf32, #tpu.memory_space<vmem>>, %arg6: memref<2000x128xf32, #tpu.memory_space<vmem>>) attributes {dimension_semantics = [#tpu.dimension_semantics<arbitrary>], iteration_bounds = array<i64: 5>, scalar_prefetch = 0 : i64, scratch_operands = 0 : i64, tpu.core_type = #tpu.core_type<tc>, window_params = [{transform_indices = @transform_0, window_bounds = array<i64: 2000, 128>}, {pipeline_mode = #tpu.pipeline_mode<synchronous>, transform_indices = @transform_1, window_bounds = array<i64: 128, 128>}, {pipeline_mode = #tpu.pipeline_mode<synchronous>, transform_indices = @transform_2, window_bounds = array<i64: 1, 128>}, {pipeline_mode = #tpu.pipeline_mode<synchronous>, transform_indices = @transform_3, window_bounds = array<i64: 128, 128>}, {pipeline_mode = #tpu.pipeline_mode<synchronous>, transform_indices = @transform_4, window_bounds = array<i64: 1, 128>}, {transform_indices = @transform_5, window_bounds = array<i64: 2000, 128>}]} {
    %get3A = arith.constant 0 : index
    %get3A_0 = arith.constant 0 : index
    %get3A_1 = vector.load %arg1[%get3A, %get3A_0] : memref<2000x128xf32, #tpu.memory_space<vmem>>, vector<2000x128xf32>
    %get3A_2 = arith.constant 0 : index
    %get3A_3 = arith.constant 0 : index
    %get3A_4 = vector.load %arg2[%get3A_2, %get3A_3] : memref<128x128xf32, #tpu.memory_space<vmem>>, vector<128x128xf32>
    %dot_general3A = arith.constant dense<0.000000e+00> : vector<2000x128xf32>
    %dot_general3A_5 = tpu.matmul %get3A_1, %get3A_4, %dot_general3A {dimension_numbers = #tpu.dot_dimension_numbers<[1], [0], [0], [1], [0, 0, 1, 1], [], []>, transpose_lhs_hint = false} : vector<2000x128xf32>, vector<128x128xf32>, vector<2000x128xf32> -> vector<2000x128xf32>
    %get3A_6 = arith.constant 0 : index
    %get3A_7 = arith.constant 0 : index
    %get3A_8 = vector.load %arg3[%get3A_6, %get3A_7] : memref<1x128xf32, #tpu.memory_space<vmem>>, vector<1x128xf32>
    %add3A = vector.broadcast %get3A_8 : vector<1x128xf32> to vector<2000x128xf32>
    %add3A_9 = arith.addf %dot_general3A_5, %add3A : vector<2000x128xf32>
    %max3A = arith.constant 0.000000e+00 : f32
    %max3A_10 = vector.broadcast %max3A : f32 to vector<2000x128xf32>
    %max3A_11 = arith.maximumf %add3A_9, %max3A_10 : vector<2000x128xf32>
    %get3A_12 = arith.constant 0 : index
    %get3A_13 = arith.constant 0 : index
    %get3A_14 = vector.load %arg4[%get3A_12, %get3A_13] : memref<128x128xf32, #tpu.memory_space<vmem>>, vector<128x128xf32>
    %dot_general3A_15 = arith.constant dense<0.000000e+00> : vector<2000x128xf32>
    %dot_general3A_16 = tpu.matmul %max3A_11, %get3A_14, %dot_general3A_15 {dimension_numbers = #tpu.dot_dimension_numbers<[1], [0], [0], [1], [0, 0, 1, 1], [], []>, transpose_lhs_hint = false} : vector<2000x128xf32>, vector<128x128xf32>, vector<2000x128xf32> -> vector<2000x128xf32>
    %get3A_17 = arith.constant 0 : index
    %get3A_18 = arith.constant 0 : index
    %get3A_19 = vector.load %arg5[%get3A_17, %get3A_18] : memref<1x128xf32, #tpu.memory_space<vmem>>, vector<1x128xf32>
    %add3A_20 = vector.broadcast %get3A_19 : vector<1x128xf32> to vector<2000x128xf32>
    %add3A_21 = arith.addf %dot_general3A_16, %add3A_20 : vector<2000x128xf32>
    %swap3A = arith.constant 0 : index
    %swap3A_22 = arith.constant 0 : index
    %swap3A_23 = vector.load %arg6[%swap3A, %swap3A_22] : memref<2000x128xf32, #tpu.memory_space<vmem>>, vector<2000x128xf32>
    tpu.vector_store %arg6[%swap3A, %swap3A_22], %add3A_21 {strides = array<i32>} : memref<2000x128xf32, #tpu.memory_space<vmem>>, vector<2000x128xf32>,
    return
  }
  func.func @transform_0(%arg0: i32) -> (i32, i32) {
    %c0_i32 = arith.constant 0 : i32
    %c0_i32_0 = arith.constant 0 : i32
    return %arg0, %c0_i32 : i32, i32
  }
  func.func @transform_1(%arg0: i32) -> (i32, i32) {
    %c0_i32 = arith.constant 0 : i32
    %c0_i32_0 = arith.constant 0 : i32
    %c0_i32_1 = arith.constant 0 : i32
    return %c0_i32, %c0_i32_0 : i32, i32
  }
  func.func @transform_2(%arg0: i32) -> (i32, i32) {
    %c0_i32 = arith.constant 0 : i32
    %c0_i32_0 = arith.constant 0 : i32
    %c0_i32_1 = arith.constant 0 : i32
    return %c0_i32, %c0_i32_0 : i32, i32
  }
  func.func @transform_3(%arg0: i32) -> (i32, i32) {
    %c0_i32 = arith.constant 0 : i32
    %c0_i32_0 = arith.constant 0 : i32
    %c0_i32_1 = arith.constant 0 : i32
    return %c0_i32, %c0_i32_0 : i32, i32
  }
  func.func @transform_4(%arg0: i32) -> (i32, i32) {
    %c0_i32 = arith.constant 0 : i32
    %c0_i32_0 = arith.constant 0 : i32
    %c0_i32_1 = arith.constant 0 : i32
    return %c0_i32, %c0_i32_0 : i32, i32
  }
  func.func @transform_5(%arg0: i32) -> (i32, i32) {
    %c0_i32 = arith.constant 0 : i32
    %c0_i32_0 = arith.constant 0 : i32
    return %arg0, %c0_i32 : i32, i32
  }
}

module attributes {stable_mosaic.version = 14 : i64} {
  func.func @_conv_body(%arg0: i32, %arg1: memref<2000x128xf32, #tpu.memory_space<vmem>>, %arg2: memref<2000x128xf32, #tpu.memory_space<vmem>>, %arg3: memref<2000x16xf32, #tpu.memory_space<vmem>>, %arg4: memref<128x128xf32, #tpu.memory_space<vmem>>, %arg5: memref<128x128xf32, #tpu.memory_space<vmem>>, %arg6: memref<1x128xf32, #tpu.memory_space<vmem>>, %arg7: memref<128x128xf32, #tpu.memory_space<vmem>>, %arg8: memref<1x128xf32, #tpu.memory_space<vmem>>, %arg9: memref<128x128xf32, #tpu.memory_space<vmem>>, %arg10: memref<1x128xf32, #tpu.memory_space<vmem>>, %arg11: memref<2000x128xf32, #tpu.memory_space<vmem>>) attributes {dimension_semantics = [#tpu.dimension_semantics<arbitrary>], iteration_bounds = array<i64: 5>, scalar_prefetch = 0 : i64, scratch_operands = 0 : i64, tpu.core_type = #tpu.core_type<tc>, window_params = [{transform_indices = @transform_0, window_bounds = array<i64: 2000, 128>}, {transform_indices = @transform_1, window_bounds = array<i64: 2000, 128>}, {transform_indices = @transform_2, window_bounds = array<i64: 2000, 16>}, {pipeline_mode = #tpu.pipeline_mode<synchronous>, transform_indices = @transform_3, window_bounds = array<i64: 128, 128>}, {pipeline_mode = #tpu.pipeline_mode<synchronous>, transform_indices = @transform_4, window_bounds = array<i64: 128, 128>}, {pipeline_mode = #tpu.pipeline_mode<synchronous>, transform_indices = @transform_5, window_bounds = array<i64: 1, 128>}, {pipeline_mode = #tpu.pipeline_mode<synchronous>, transform_indices = @transform_6, window_bounds = array<i64: 128, 128>}, {pipeline_mode = #tpu.pipeline_mode<synchronous>, transform_indices = @transform_7, window_bounds = array<i64: 1, 128>}, {pipeline_mode = #tpu.pipeline_mode<synchronous>, transform_indices = @transform_8, window_bounds = array<i64: 128, 128>}, {pipeline_mode = #tpu.pipeline_mode<synchronous>, transform_indices = @transform_9, window_bounds = array<i64: 1, 128>}, {transform_indices = @transform_10, window_bounds = array<i64: 2000, 128>}]} {
    %get3A = arith.constant 0 : index
    %get3A_0 = arith.constant 0 : index
    %get3A_1 = vector.load %arg2[%get3A, %get3A_0] : memref<2000x128xf32, #tpu.memory_space<vmem>>, vector<2000x128xf32>
    %get3A_2 = arith.constant 0 : index
    %get3A_3 = arith.constant 0 : index
    %get3A_4 = vector.load %arg3[%get3A_2, %get3A_3] : memref<2000x16xf32, #tpu.memory_space<vmem>>, vector<2000x1xf32>
    %get3A_5 = vector.shape_cast %get3A_4 : vector<2000x1xf32> to vector<2000xf32>
    %max3A = arith.constant 1.000000e+00 : f32
    %max3A_6 = vector.broadcast %max3A : f32 to vector<2000xf32>
    %max3A_7 = arith.maximumf %get3A_5, %max3A_6 : vector<2000xf32>
    %div3A = arith.constant 1.000000e+00 : f32
    %div3A_8 = vector.broadcast %div3A : f32 to vector<2000xf32>
    %div3A_9 = arith.divf %div3A_8, %max3A_7 : vector<2000xf32>
    %broadcast_in_dim3A = vector.shape_cast %div3A_9 : vector<2000xf32> to vector<2000x1xf32>
    %mul3A = vector.broadcast %broadcast_in_dim3A : vector<2000x1xf32> to vector<2000x128xf32>
    %mul3A_10 = arith.mulf %get3A_1, %mul3A : vector<2000x128xf32>
    %get3A_11 = arith.constant 0 : index
    %get3A_12 = arith.constant 0 : index
    %get3A_13 = vector.load %arg1[%get3A_11, %get3A_12] : memref<2000x128xf32, #tpu.memory_space<vmem>>, vector<2000x128xf32>
    %get3A_14 = arith.constant 0 : index
    %get3A_15 = arith.constant 0 : index
    %get3A_16 = vector.load %arg4[%get3A_14, %get3A_15] : memref<128x128xf32, #tpu.memory_space<vmem>>, vector<128x128xf32>
    %dot_general3A = arith.constant dense<0.000000e+00> : vector<2000x128xf32>
    %dot_general3A_17 = tpu.matmul %get3A_13, %get3A_16, %dot_general3A {dimension_numbers = #tpu.dot_dimension_numbers<[1], [0], [0], [1], [0, 0, 1, 1], [], []>, transpose_lhs_hint = false} : vector<2000x128xf32>, vector<128x128xf32>, vector<2000x128xf32> -> vector<2000x128xf32>
    %get3A_18 = arith.constant 0 : index
    %get3A_19 = arith.constant 0 : index
    %get3A_20 = vector.load %arg5[%get3A_18, %get3A_19] : memref<128x128xf32, #tpu.memory_space<vmem>>, vector<128x128xf32>
    %dot_general3A_21 = arith.constant dense<0.000000e+00> : vector<2000x128xf32>
    %dot_general3A_22 = tpu.matmul %mul3A_10, %get3A_20, %dot_general3A_21 {dimension_numbers = #tpu.dot_dimension_numbers<[1], [0], [0], [1], [0, 0, 1, 1], [], []>, transpose_lhs_hint = false} : vector<2000x128xf32>, vector<128x128xf32>, vector<2000x128xf32> -> vector<2000x128xf32>
    %add3A = arith.addf %dot_general3A_17, %dot_general3A_22 : vector<2000x128xf32>
    %get3A_23 = arith.constant 0 : index
    %get3A_24 = arith.constant 0 : index
    %get3A_25 = vector.load %arg6[%get3A_23, %get3A_24] : memref<1x128xf32, #tpu.memory_space<vmem>>, vector<1x128xf32>
    %add3A_26 = vector.broadcast %get3A_25 : vector<1x128xf32> to vector<2000x128xf32>
    %add3A_27 = arith.addf %add3A, %add3A_26 : vector<2000x128xf32>
    %get3A_28 = arith.constant 0 : index
    %get3A_29 = arith.constant 0 : index
    %get3A_30 = vector.load %arg7[%get3A_28, %get3A_29] : memref<128x128xf32, #tpu.memory_space<vmem>>, vector<128x128xf32>
    %dot_general3A_31 = arith.constant dense<0.000000e+00> : vector<2000x128xf32>
    %dot_general3A_32 = tpu.matmul %add3A_27, %get3A_30, %dot_general3A_31 {dimension_numbers = #tpu.dot_dimension_numbers<[1], [0], [0], [1], [0, 0, 1, 1], [], []>, transpose_lhs_hint = false} : vector<2000x128xf32>, vector<128x128xf32>, vector<2000x128xf32> -> vector<2000x128xf32>
    %get3A_33 = arith.constant 0 : index
    %get3A_34 = arith.constant 0 : index
    %get3A_35 = vector.load %arg8[%get3A_33, %get3A_34] : memref<1x128xf32, #tpu.memory_space<vmem>>, vector<1x128xf32>
    %add3A_36 = vector.broadcast %get3A_35 : vector<1x128xf32> to vector<2000x128xf32>
    %add3A_37 = arith.addf %dot_general3A_32, %add3A_36 : vector<2000x128xf32>
    %max3A_38 = arith.constant 0.000000e+00 : f32
    %max3A_39 = vector.broadcast %max3A_38 : f32 to vector<2000x128xf32>
    %max3A_40 = arith.maximumf %add3A_37, %max3A_39 : vector<2000x128xf32>
    %get3A_41 = arith.constant 0 : index
    %get3A_42 = arith.constant 0 : index
    %get3A_43 = vector.load %arg9[%get3A_41, %get3A_42] : memref<128x128xf32, #tpu.memory_space<vmem>>, vector<128x128xf32>
    %dot_general3A_44 = arith.constant dense<0.000000e+00> : vector<2000x128xf32>
    %dot_general3A_45 = tpu.matmul %max3A_40, %get3A_43, %dot_general3A_44 {dimension_numbers = #tpu.dot_dimension_numbers<[1], [0], [0], [1], [0, 0, 1, 1], [], []>, transpose_lhs_hint = false} : vector<2000x128xf32>, vector<128x128xf32>, vector<2000x128xf32> -> vector<2000x128xf32>
    %get3A_46 = arith.constant 0 : index
    %get3A_47 = arith.constant 0 : index
    %get3A_48 = vector.load %arg10[%get3A_46, %get3A_47] : memref<1x128xf32, #tpu.memory_space<vmem>>, vector<1x128xf32>
    %add3A_49 = vector.broadcast %get3A_48 : vector<1x128xf32> to vector<2000x128xf32>
    %add3A_50 = arith.addf %dot_general3A_45, %add3A_49 : vector<2000x128xf32>
    %max3A_51 = arith.constant 0.000000e+00 : f32
    %max3A_52 = vector.broadcast %max3A_51 : f32 to vector<2000x128xf32>
    %max3A_53 = arith.maximumf %add3A_50, %max3A_52 : vector<2000x128xf32>
    %swap3A = arith.constant 0 : index
    %swap3A_54 = arith.constant 0 : index
    %swap3A_55 = vector.load %arg11[%swap3A, %swap3A_54] : memref<2000x128xf32, #tpu.memory_space<vmem>>, vector<2000x128xf32>
    tpu.vector_store %arg11[%swap3A, %swap3A_54], %max3A_53 {strides = array<i32>} : memref<2000x128xf32, #tpu.memory_space<vmem>>, vector<2000x128xf32>,
    return
  }
  func.func @transform_0(%arg0: i32) -> (i32, i32) {
    %c0_i32 = arith.constant 0 : i32
    %c0_i32_0 = arith.constant 0 : i32
    return %arg0, %c0_i32 : i32, i32
  }
  func.func @transform_1(%arg0: i32) -> (i32, i32) {
    %c0_i32 = arith.constant 0 : i32
    %c0_i32_0 = arith.constant 0 : i32
    return %arg0, %c0_i32 : i32, i32
  }
  func.func @transform_2(%arg0: i32) -> (i32, i32) {
    %c0_i32 = arith.constant 0 : i32
    %c0_i32_0 = arith.constant 0 : i32
    return %arg0, %c0_i32 : i32, i32
  }
  func.func @transform_3(%arg0: i32) -> (i32, i32) {
    %c0_i32 = arith.constant 0 : i32
    %c0_i32_0 = arith.constant 0 : i32
    %c0_i32_1 = arith.constant 0 : i32
    return %c0_i32, %c0_i32_0 : i32, i32
  }
  func.func @transform_4(%arg0: i32) -> (i32, i32) {
    %c0_i32 = arith.constant 0 : i32
    %c0_i32_0 = arith.constant 0 : i32
    %c0_i32_1 = arith.constant 0 : i32
    return %c0_i32, %c0_i32_0 : i32, i32
  }
  func.func @transform_5(%arg0: i32) -> (i32, i32) {
    %c0_i32 = arith.constant 0 : i32
    %c0_i32_0 = arith.constant 0 : i32
    %c0_i32_1 = arith.constant 0 : i32
    return %c0_i32, %c0_i32_0 : i32, i32
  }
  func.func @transform_6(%arg0: i32) -> (i32, i32) {
    %c0_i32 = arith.constant 0 : i32
    %c0_i32_0 = arith.constant 0 : i32
    %c0_i32_1 = arith.constant 0 : i32
    return %c0_i32, %c0_i32_0 : i32, i32
  }
  func.func @transform_7(%arg0: i32) -> (i32, i32) {
    %c0_i32 = arith.constant 0 : i32
    %c0_i32_0 = arith.constant 0 : i32
    %c0_i32_1 = arith.constant 0 : i32
    return %c0_i32, %c0_i32_0 : i32, i32
  }
  func.func @transform_8(%arg0: i32) -> (i32, i32) {
    %c0_i32 = arith.constant 0 : i32
    %c0_i32_0 = arith.constant 0 : i32
    %c0_i32_1 = arith.constant 0 : i32
    return %c0_i32, %c0_i32_0 : i32, i32
  }
  func.func @transform_9(%arg0: i32) -> (i32, i32) {
    %c0_i32 = arith.constant 0 : i32
    %c0_i32_0 = arith.constant 0 : i32
    %c0_i32_1 = arith.constant 0 : i32
    return %c0_i32, %c0_i32_0 : i32, i32
  }
  func.func @transform_10(%arg0: i32) -> (i32, i32) {
    %c0_i32 = arith.constant 0 : i32
    %c0_i32_0 = arith.constant 0 : i32
    return %arg0, %c0_i32 : i32, i32
  }
}

module attributes {stable_mosaic.version = 14 : i64} {
  func.func @_conv_pool_body(%arg0: i32, %arg1: memref<2000x128xf32, #tpu.memory_space<vmem>>, %arg2: memref<2000x128xf32, #tpu.memory_space<vmem>>, %arg3: memref<2000x16xf32, #tpu.memory_space<vmem>>, %arg4: memref<128x128xf32, #tpu.memory_space<vmem>>, %arg5: memref<128x128xf32, #tpu.memory_space<vmem>>, %arg6: memref<1x128xf32, #tpu.memory_space<vmem>>, %arg7: memref<128x128xf32, #tpu.memory_space<vmem>>, %arg8: memref<1x128xf32, #tpu.memory_space<vmem>>, %arg9: memref<128x128xf32, #tpu.memory_space<vmem>>, %arg10: memref<1x128xf32, #tpu.memory_space<vmem>>, %arg11: memref<2000x1xi32, #tpu.memory_space<vmem>>, %arg12: memref<128x10xf32, #tpu.memory_space<vmem>>, %arg13: memref<1x10xf32, #tpu.memory_space<vmem>>, %arg14: memref<64x10xf32, #tpu.memory_space<vmem>>, %arg15: memref<64x128xf32, #tpu.memory_space<vmem>>, %arg16: memref<64x128xf32, #tpu.memory_space<vmem>>) attributes {dimension_semantics = [#tpu.dimension_semantics<arbitrary>], iteration_bounds = array<i64: 5>, scalar_prefetch = 0 : i64, scratch_operands = 2 : i64, tpu.core_type = #tpu.core_type<tc>, window_params = [{transform_indices = @transform_0, window_bounds = array<i64: 2000, 128>}, {transform_indices = @transform_1, window_bounds = array<i64: 2000, 128>}, {transform_indices = @transform_2, window_bounds = array<i64: 2000, 16>}, {pipeline_mode = #tpu.pipeline_mode<synchronous>, transform_indices = @transform_3, window_bounds = array<i64: 128, 128>}, {pipeline_mode = #tpu.pipeline_mode<synchronous>, transform_indices = @transform_4, window_bounds = array<i64: 128, 128>}, {pipeline_mode = #tpu.pipeline_mode<synchronous>, transform_indices = @transform_5, window_bounds = array<i64: 1, 128>}, {pipeline_mode = #tpu.pipeline_mode<synchronous>, transform_indices = @transform_6, window_bounds = array<i64: 128, 128>}, {pipeline_mode = #tpu.pipeline_mode<synchronous>, transform_indices = @transform_7, window_bounds = array<i64: 1, 128>}, {pipeline_mode = #tpu.pipeline_mode<synchronous>, transform_indices = @transform_8, window_bounds = array<i64: 128, 128>}, {pipeline_mode = #tpu.pipeline_mode<synchronous>, transform_indices = @transform_9, window_bounds = array<i64: 1, 128>}, {transform_indices = @transform_10, window_bounds = array<i64: 2000, 1>}, {pipeline_mode = #tpu.pipeline_mode<synchronous>, transform_indices = @transform_11, window_bounds = array<i64: 128, 10>}, {pipeline_mode = #tpu.pipeline_mode<synchronous>, transform_indices = @transform_12, window_bounds = array<i64: 1, 10>}, {pipeline_mode = #tpu.pipeline_mode<synchronous>, transform_indices = @transform_13, window_bounds = array<i64: 64, 10>}]} {
    %eq3A = arith.constant 0 : i32
    %eq3A_0 = arith.cmpi eq, %arg0, %eq3A : i32
    %convert_element_type3A = arith.extui %eq3A_0 : i1 to i32
    %cond3A = arith.constant 0 : i32
    %cond3A_1 = arith.cmpi ne, %convert_element_type3A, %cond3A : i32
    scf.if %cond3A_1 {
      %broadcast_in_dim3A_88 = arith.constant 0.000000e+00 : f32
      %broadcast_in_dim3A_89 = vector.broadcast %broadcast_in_dim3A_88 : f32 to vector<64x128xf32>
      %swap3A_90 = arith.constant 0 : index
      %swap3A_91 = arith.constant 0 : index
      %swap3A_92 = vector.load %arg15[%swap3A_90, %swap3A_91] : memref<64x128xf32, #tpu.memory_space<vmem>>, vector<64x128xf32>
      tpu.vector_store %arg15[%swap3A_90, %swap3A_91], %broadcast_in_dim3A_89 {strides = array<i32>} : memref<64x128xf32, #tpu.memory_space<vmem>>, vector<64x128xf32>,
      %broadcast_in_dim3A_93 = arith.constant 0.000000e+00 : f32
      %broadcast_in_dim3A_94 = vector.broadcast %broadcast_in_dim3A_93 : f32 to vector<64x128xf32>
      %swap3A_95 = arith.constant 0 : index
      %swap3A_96 = arith.constant 0 : index
      %swap3A_97 = vector.load %arg16[%swap3A_95, %swap3A_96] : memref<64x128xf32, #tpu.memory_space<vmem>>, vector<64x128xf32>
      tpu.vector_store %arg16[%swap3A_95, %swap3A_96], %broadcast_in_dim3A_94 {strides = array<i32>} : memref<64x128xf32, #tpu.memory_space<vmem>>, vector<64x128xf32>,
    } else {
    }
    %get3A = arith.constant 0 : index
    %get3A_2 = arith.constant 0 : index
    %get3A_3 = vector.load %arg2[%get3A, %get3A_2] : memref<2000x128xf32, #tpu.memory_space<vmem>>, vector<2000x128xf32>
    %get3A_4 = arith.constant 0 : index
    %get3A_5 = arith.constant 0 : index
    %get3A_6 = vector.load %arg3[%get3A_4, %get3A_5] : memref<2000x16xf32, #tpu.memory_space<vmem>>, vector<2000x1xf32>
    %get3A_7 = vector.shape_cast %get3A_6 : vector<2000x1xf32> to vector<2000xf32>
    %max3A = arith.constant 1.000000e+00 : f32
    %max3A_8 = vector.broadcast %max3A : f32 to vector<2000xf32>
    %max3A_9 = arith.maximumf %get3A_7, %max3A_8 : vector<2000xf32>
    %div3A = arith.constant 1.000000e+00 : f32
    %div3A_10 = vector.broadcast %div3A : f32 to vector<2000xf32>
    %div3A_11 = arith.divf %div3A_10, %max3A_9 : vector<2000xf32>
    %broadcast_in_dim3A = vector.shape_cast %div3A_11 : vector<2000xf32> to vector<2000x1xf32>
    %mul3A = vector.broadcast %broadcast_in_dim3A : vector<2000x1xf32> to vector<2000x128xf32>
    %mul3A_12 = arith.mulf %get3A_3, %mul3A : vector<2000x128xf32>
    %get3A_13 = arith.constant 0 : index
    %get3A_14 = arith.constant 0 : index
    %get3A_15 = vector.load %arg1[%get3A_13, %get3A_14] : memref<2000x128xf32, #tpu.memory_space<vmem>>, vector<2000x128xf32>
    %get3A_16 = arith.constant 0 : index
    %get3A_17 = arith.constant 0 : index
    %get3A_18 = vector.load %arg4[%get3A_16, %get3A_17] : memref<128x128xf32, #tpu.memory_space<vmem>>, vector<128x128xf32>
    %dot_general3A = arith.constant dense<0.000000e+00> : vector<2000x128xf32>
    %dot_general3A_19 = tpu.matmul %get3A_15, %get3A_18, %dot_general3A {dimension_numbers = #tpu.dot_dimension_numbers<[1], [0], [0], [1], [0, 0, 1, 1], [], []>, transpose_lhs_hint = false} : vector<2000x128xf32>, vector<128x128xf32>, vector<2000x128xf32> -> vector<2000x128xf32>
    %get3A_20 = arith.constant 0 : index
    %get3A_21 = arith.constant 0 : index
    %get3A_22 = vector.load %arg5[%get3A_20, %get3A_21] : memref<128x128xf32, #tpu.memory_space<vmem>>, vector<128x128xf32>
    %dot_general3A_23 = arith.constant dense<0.000000e+00> : vector<2000x128xf32>
    %dot_general3A_24 = tpu.matmul %mul3A_12, %get3A_22, %dot_general3A_23 {dimension_numbers = #tpu.dot_dimension_numbers<[1], [0], [0], [1], [0, 0, 1, 1], [], []>, transpose_lhs_hint = false} : vector<2000x128xf32>, vector<128x128xf32>, vector<2000x128xf32> -> vector<2000x128xf32>
    %add3A = arith.addf %dot_general3A_19, %dot_general3A_24 : vector<2000x128xf32>
    %get3A_25 = arith.constant 0 : index
    %get3A_26 = arith.constant 0 : index
    %get3A_27 = vector.load %arg6[%get3A_25, %get3A_26] : memref<1x128xf32, #tpu.memory_space<vmem>>, vector<1x128xf32>
    %add3A_28 = vector.broadcast %get3A_27 : vector<1x128xf32> to vector<2000x128xf32>
    %add3A_29 = arith.addf %add3A, %add3A_28 : vector<2000x128xf32>
    %get3A_30 = arith.constant 0 : index
    %get3A_31 = arith.constant 0 : index
    %get3A_32 = vector.load %arg7[%get3A_30, %get3A_31] : memref<128x128xf32, #tpu.memory_space<vmem>>, vector<128x128xf32>
    %dot_general3A_33 = arith.constant dense<0.000000e+00> : vector<2000x128xf32>
    %dot_general3A_34 = tpu.matmul %add3A_29, %get3A_32, %dot_general3A_33 {dimension_numbers = #tpu.dot_dimension_numbers<[1], [0], [0], [1], [0, 0, 1, 1], [], []>, transpose_lhs_hint = false} : vector<2000x128xf32>, vector<128x128xf32>, vector<2000x128xf32> -> vector<2000x128xf32>
    %get3A_35 = arith.constant 0 : index
    %get3A_36 = arith.constant 0 : index
    %get3A_37 = vector.load %arg8[%get3A_35, %get3A_36] : memref<1x128xf32, #tpu.memory_space<vmem>>, vector<1x128xf32>
    %add3A_38 = vector.broadcast %get3A_37 : vector<1x128xf32> to vector<2000x128xf32>
    %add3A_39 = arith.addf %dot_general3A_34, %add3A_38 : vector<2000x128xf32>
    %max3A_40 = arith.constant 0.000000e+00 : f32
    %max3A_41 = vector.broadcast %max3A_40 : f32 to vector<2000x128xf32>
    %max3A_42 = arith.maximumf %add3A_39, %max3A_41 : vector<2000x128xf32>
    %get3A_43 = arith.constant 0 : index
    %get3A_44 = arith.constant 0 : index
    %get3A_45 = vector.load %arg9[%get3A_43, %get3A_44] : memref<128x128xf32, #tpu.memory_space<vmem>>, vector<128x128xf32>
    %dot_general3A_46 = arith.constant dense<0.000000e+00> : vector<2000x128xf32>
    %dot_general3A_47 = tpu.matmul %max3A_42, %get3A_45, %dot_general3A_46 {dimension_numbers = #tpu.dot_dimension_numbers<[1], [0], [0], [1], [0, 0, 1, 1], [], []>, transpose_lhs_hint = false} : vector<2000x128xf32>, vector<128x128xf32>, vector<2000x128xf32> -> vector<2000x128xf32>
    %get3A_48 = arith.constant 0 : index
    %get3A_49 = arith.constant 0 : index
    %get3A_50 = vector.load %arg10[%get3A_48, %get3A_49] : memref<1x128xf32, #tpu.memory_space<vmem>>, vector<1x128xf32>
    %add3A_51 = vector.broadcast %get3A_50 : vector<1x128xf32> to vector<2000x128xf32>
    %add3A_52 = arith.addf %dot_general3A_47, %add3A_51 : vector<2000x128xf32>
    %max3A_53 = arith.constant 0.000000e+00 : f32
    %max3A_54 = vector.broadcast %max3A_53 : f32 to vector<2000x128xf32>
    %max3A_55 = arith.maximumf %add3A_52, %max3A_54 : vector<2000x128xf32>
    %get3A_56 = arith.constant 0 : index
    %get3A_57 = arith.constant 0 : index
    %get3A_58 = vector.load %arg11[%get3A_56, %get3A_57] : memref<2000x1xi32, #tpu.memory_space<vmem>>, vector<2000x1xi32>
    %get3A_59 = vector.shape_cast %get3A_58 : vector<2000x1xi32> to vector<2000xi32>
    %iota3A = tpu.iota {dimensions = array<i32: 0>} : vector<64x2000xi32>
    %broadcast_in_dim3A_60 = vector.shape_cast %get3A_59 : vector<2000xi32> to vector<1x2000xi32>
    %eq3A_61 = vector.broadcast %broadcast_in_dim3A_60 : vector<1x2000xi32> to vector<64x2000xi32>
    %eq3A_62 = arith.cmpi eq, %iota3A, %eq3A_61 : vector<64x2000xi32>
    %convert_element_type3A_63 = arith.extui %eq3A_62 : vector<64x2000xi1> to vector<64x2000xi32>
    %convert_element_type3A_64 = arith.sitofp %convert_element_type3A_63 : vector<64x2000xi32> to vector<64x2000xf32>
    %get3A_65 = arith.constant 0 : index
    %get3A_66 = arith.constant 0 : index
    %get3A_67 = vector.load %arg15[%get3A_65, %get3A_66] : memref<64x128xf32, #tpu.memory_space<vmem>>, vector<64x128xf32>
    %dot_general3A_68 = arith.constant dense<0.000000e+00> : vector<64x128xf32>
    %dot_general3A_69 = tpu.matmul %convert_element_type3A_64, %max3A_55, %dot_general3A_68 {dimension_numbers = #tpu.dot_dimension_numbers<[1], [0], [0], [1], [0, 0, 1, 1], [], []>, transpose_lhs_hint = false} : vector<64x2000xf32>, vector<2000x128xf32>, vector<64x128xf32> -> vector<64x128xf32>
    %add3A_70 = arith.addf %get3A_67, %dot_general3A_69 : vector<64x128xf32>
    %swap3A = arith.constant 0 : index
    %swap3A_71 = arith.constant 0 : index
    %swap3A_72 = vector.load %arg15[%swap3A, %swap3A_71] : memref<64x128xf32, #tpu.memory_space<vmem>>, vector<64x128xf32>
    tpu.vector_store %arg15[%swap3A, %swap3A_71], %add3A_70 {strides = array<i32>} : memref<64x128xf32, #tpu.memory_space<vmem>>, vector<64x128xf32>,
    %get3A_73 = arith.constant 0 : index
    %get3A_74 = arith.constant 0 : index
    %get3A_75 = vector.load %arg16[%get3A_73, %get3A_74] : memref<64x128xf32, #tpu.memory_space<vmem>>, vector<64x128xf32>
    %reduce_sum3A = arith.constant dense<0.000000e+00> : vector<64xf32>
    %reduce_sum3A_76 = vector.multi_reduction <add>, %convert_element_type3A_64, %reduce_sum3A [1] : vector<64x2000xf32> to vector<64xf32>
    %broadcast_in_dim3A_77 = vector.shape_cast %reduce_sum3A_76 : vector<64xf32> to vector<64x1xf32>
    %add3A_78 = vector.broadcast %broadcast_in_dim3A_77 : vector<64x1xf32> to vector<64x128xf32>
    %add3A_79 = arith.addf %get3A_75, %add3A_78 : vector<64x128xf32>
    %swap3A_80 = arith.constant 0 : index
    %swap3A_81 = arith.constant 0 : index
    %swap3A_82 = vector.load %arg16[%swap3A_80, %swap3A_81] : memref<64x128xf32, #tpu.memory_space<vmem>>, vector<64x128xf32>
    tpu.vector_store %arg16[%swap3A_80, %swap3A_81], %add3A_79 {strides = array<i32>} : memref<64x128xf32, #tpu.memory_space<vmem>>, vector<64x128xf32>,
    %eq3A_83 = arith.constant 4 : i32
    %eq3A_84 = arith.cmpi eq, %arg0, %eq3A_83 : i32
    %convert_element_type3A_85 = arith.extui %eq3A_84 : i1 to i32
    %cond3A_86 = arith.constant 0 : i32
    %cond3A_87 = arith.cmpi ne, %convert_element_type3A_85, %cond3A_86 : i32
    scf.if %cond3A_87 {
      %get3A_88 = arith.constant 0 : index
      %get3A_89 = arith.constant 0 : index
      %get3A_90 = vector.load %arg15[%get3A_88, %get3A_89] : memref<64x128xf32, #tpu.memory_space<vmem>>, vector<64x128xf32>
      %get3A_91 = arith.constant 0 : index
      %get3A_92 = arith.constant 0 : index
      %get3A_93 = vector.load %arg16[%get3A_91, %get3A_92] : memref<64x128xf32, #tpu.memory_space<vmem>>, vector<64x128xf32>
      %max3A_94 = arith.constant 1.000000e+00 : f32
      %max3A_95 = vector.broadcast %max3A_94 : f32 to vector<64x128xf32>
      %max3A_96 = arith.maximumf %get3A_93, %max3A_95 : vector<64x128xf32>
      %div3A_97 = arith.constant 1.000000e+00 : f32
      %div3A_98 = vector.broadcast %div3A_97 : f32 to vector<64x128xf32>
      %div3A_99 = arith.divf %div3A_98, %max3A_96 : vector<64x128xf32>
      %mul3A_100 = arith.mulf %get3A_90, %div3A_99 : vector<64x128xf32>
      %get3A_101 = arith.constant 0 : index
      %get3A_102 = arith.constant 0 : index
      %get3A_103 = vector.load %arg12[%get3A_101, %get3A_102] : memref<128x10xf32, #tpu.memory_space<vmem>>, vector<128x10xf32>
      %dot_general3A_104 = arith.constant dense<0.000000e+00> : vector<64x10xf32>
      %dot_general3A_105 = tpu.matmul %mul3A_100, %get3A_103, %dot_general3A_104 {dimension_numbers = #tpu.dot_dimension_numbers<[1], [0], [0], [1], [0, 0, 1, 1], [], []>, transpose_lhs_hint = false} : vector<64x128xf32>, vector<128x10xf32>, vector<64x10xf32> -> vector<64x10xf32>
      %get3A_106 = arith.constant 0 : index
      %get3A_107 = arith.constant 0 : index
      %get3A_108 = vector.load %arg13[%get3A_106, %get3A_107] : memref<1x10xf32, #tpu.memory_space<vmem>>, vector<1x10xf32>
      %add3A_109 = vector.broadcast %get3A_108 : vector<1x10xf32> to vector<64x10xf32>
      %add3A_110 = arith.addf %dot_general3A_105, %add3A_109 : vector<64x10xf32>
      %swap3A_111 = arith.constant 0 : index
      %swap3A_112 = arith.constant 0 : index
      %swap3A_113 = vector.load %arg14[%swap3A_111, %swap3A_112] : memref<64x10xf32, #tpu.memory_space<vmem>>, vector<64x10xf32>
      tpu.vector_store %arg14[%swap3A_111, %swap3A_112], %add3A_110 {strides = array<i32>} : memref<64x10xf32, #tpu.memory_space<vmem>>, vector<64x10xf32>,
    } else {
    }
    return
  }
  func.func @transform_0(%arg0: i32) -> (i32, i32) {
    %c0_i32 = arith.constant 0 : i32
    %c0_i32_0 = arith.constant 0 : i32
    return %arg0, %c0_i32 : i32, i32
  }
  func.func @transform_1(%arg0: i32) -> (i32, i32) {
    %c0_i32 = arith.constant 0 : i32
    %c0_i32_0 = arith.constant 0 : i32
    return %arg0, %c0_i32 : i32, i32
  }
  func.func @transform_2(%arg0: i32) -> (i32, i32) {
    %c0_i32 = arith.constant 0 : i32
    %c0_i32_0 = arith.constant 0 : i32
    return %arg0, %c0_i32 : i32, i32
  }
  func.func @transform_3(%arg0: i32) -> (i32, i32) {
    %c0_i32 = arith.constant 0 : i32
    %c0_i32_0 = arith.constant 0 : i32
    %c0_i32_1 = arith.constant 0 : i32
    return %c0_i32, %c0_i32_0 : i32, i32
  }
  func.func @transform_4(%arg0: i32) -> (i32, i32) {
    %c0_i32 = arith.constant 0 : i32
    %c0_i32_0 = arith.constant 0 : i32
    %c0_i32_1 = arith.constant 0 : i32
    return %c0_i32, %c0_i32_0 : i32, i32
  }
  func.func @transform_5(%arg0: i32) -> (i32, i32) {
    %c0_i32 = arith.constant 0 : i32
    %c0_i32_0 = arith.constant 0 : i32
    %c0_i32_1 = arith.constant 0 : i32
    return %c0_i32, %c0_i32_0 : i32, i32
  }
  func.func @transform_6(%arg0: i32) -> (i32, i32) {
    %c0_i32 = arith.constant 0 : i32
    %c0_i32_0 = arith.constant 0 : i32
    %c0_i32_1 = arith.constant 0 : i32
    return %c0_i32, %c0_i32_0 : i32, i32
  }
  func.func @transform_7(%arg0: i32) -> (i32, i32) {
    %c0_i32 = arith.constant 0 : i32
    %c0_i32_0 = arith.constant 0 : i32
    %c0_i32_1 = arith.constant 0 : i32
    return %c0_i32, %c0_i32_0 : i32, i32
  }
  func.func @transform_8(%arg0: i32) -> (i32, i32) {
    %c0_i32 = arith.constant 0 : i32
    %c0_i32_0 = arith.constant 0 : i32
    %c0_i32_1 = arith.constant 0 : i32
    return %c0_i32, %c0_i32_0 : i32, i32
  }
  func.func @transform_9(%arg0: i32) -> (i32, i32) {
    %c0_i32 = arith.constant 0 : i32
    %c0_i32_0 = arith.constant 0 : i32
    %c0_i32_1 = arith.constant 0 : i32
    return %c0_i32, %c0_i32_0 : i32, i32
  }
  func.func @transform_10(%arg0: i32) -> (i32, i32) {
    %c0_i32 = arith.constant 0 : i32
    %c0_i32_0 = arith.constant 0 : i32
    return %arg0, %c0_i32 : i32, i32
  }
  func.func @transform_11(%arg0: i32) -> (i32, i32) {
    %c0_i32 = arith.constant 0 : i32
    %c0_i32_0 = arith.constant 0 : i32
    %c0_i32_1 = arith.constant 0 : i32
    return %c0_i32, %c0_i32_0 : i32, i32
  }
  func.func @transform_12(%arg0: i32) -> (i32, i32) {
    %c0_i32 = arith.constant 0 : i32
    %c0_i32_0 = arith.constant 0 : i32
    %c0_i32_1 = arith.constant 0 : i32
    return %c0_i32, %c0_i32_0 : i32, i32
  }
  func.func @transform_13(%arg0: i32) -> (i32, i32) {
    %c0_i32 = arith.constant 0 : i32
    %c0_i32_0 = arith.constant 0 : i32
    %c0_i32_1 = arith.constant 0 : i32
    return %c0_i32, %c0_i32_0 : i32, i32
  }
}

</mosaic_0001>

<sc_bundles>
// kernel: kernel.10.cloned.1.call-start
scs
__scs_entry_jumppad:
0x0: {  	(pc) =	sbr.rel $0x88, $3  }
0x1: {  	(tag) =	ssettag $0x0;
	lr =	simm.s32 $0x1  }
0x2: {  	[smem:$0x3F8A] =	sst lr;
	_ =	strace $0xD0000000  }
0x3: {  	_ = 	snop  }
0x4: {  	_ = 	snop  }
0x5: {  	_ = 	snop  }
0x6: {  	_ = 	snop  }
0x7: {  	_ = 	snop  }
__scs_overlays_trampoline_lowered:
0x8: {  	[smem:$0x3F99] =	sst s0  }
0x9: {  	[smem:$0x3F9A] =	sst s1  }
0xa: {  	[smem:$0x3F9B] =	sst s2  }
0xb: {  	[smem:$0x3F9C] =	sst s3  }
0xc: {  	[smem:$0x3F9D] =	sst s4  }
0xd: {  	[smem:$0x3F9E] =	sst s5  }
0xe: {  	[smem:$0x3F9F] =	sst s6  }
0xf: {  	[smem:$0x3FA0] =	sst s7  }
0x10: {  	[smem:$0x3FA1] =	sst s8  }
0x11: {  	[smem:$0x3FA2] =	sst s9;
	s0 =	simm.s32 @!p0 $0x0  }
0x12: {  	s1 =	sld [smem:$0x3F88];
	s0 =	simm.s32 @p0 $0x1  }
0x13: {  	[smem:$0x3FA3] =	sst s0;
	s0 =	simm.s32 @!p1 $0x0  }
0x14: {  	s2 =	sld [smem:$0x3F87];
	s0 =	simm.s32 @p1 $0x1  }
0x15: {  	[smem:$0x3FA4] =	sst s0;
	s0 =	simm.s32 @!p2 $0x0  }
0x16: {  	s3 =	sld [smem:$0x3FDB];
	s0 =	simm.s32 @p2 $0x1  }
0x17: {  	s4 =	simm.s32 $0x1BF5;
	[smem:$0x3FA6] =	sst s0  }
0x18: {  	s0 =	sld [smem:$0x3F89];
	_ =	swait.ge [sflag:s4], $0x0  }
0x19: {  	s7 =	sld [smem:$0x3F8A]  }
0x1a: {  	s8 =	sadd.s32 $0xFFFFE003, lr  }
0x1b: {  	s9 =	sadd.s32 $0xFFFFFEF7, lr;
	s5 =	simm.s32 $0xFFFFFFFF;
	p2 =	slt.u32 s8, $0xFFFFF086  }
0x1c: {  	p1 =	slt.u32 s9, $0xF7A;
	s5 =	simm.s32 @!p2 $0x0  }
0x1d: {  	s5 =	simm.s32 @p1 $0x1;
	p0 =	seq.s32 s7, s2  }
0x1e: {  	s7 =	smul.u32 @!p0 $0xF7A, s2;
	p2 =	seq.s32 @!p0 s5, $0x0  }
0x1f: {  	s9 =	smul.u32 $0xF7A, s1;
	s8 =	simm.s32 @!p0 $0x1BF5;
	p2 =	por !p2, p0  }
0x20: {  	[sflag:s8] =	ssyncset.s32 @!p0 $0xFFFFF086;
	s6 =	sadd.s32 @!p0 s3, s7;
	s7 =	simm.s32 @!p0 $0x108  }
0x21: {  	s3 =	sadd.s32 s3, s9;
	s6 =	sadd.s32 @!p0 $0x88, s6;
	s7 =	simm.s32 @p2 $0x1082  }
0x22: {  	[simem:s7], [sflag:s8] =	dma.local @!p0 [hbm:s6], $0xF7A  }
0x23: {  	s9 =	sor.u32 $0xD0000000, s2;
	s6 =	simm.s32 $0x108;
	_ =	swait.ge @!p0 [sflag:s8], $0x0  }
0x24: {  	s3 =	sadd.s32 $0x88, s3;
	s6 =	simm.s32 @!p1 $0x1082;
	[sflag:s4] =	ssyncset.s32 $0xFFFFF086  }
0x25: {  	[simem:s6], [sflag:s4] =	dma.local [hbm:s3], $0xF7A  }
0x26: {  	[smem:$0x3F8A] =	sst s1;
	(tag) =	ssettag s2;
	_ =	strace s9  }
0x27: {  	s1 =	sld [smem:$0x3F9A]  }
0x28: {  	s2 =	sld [smem:$0x3F9B]  }
0x29: {  	s4 =	sld [smem:$0x3F9D]  }
0x2a: {  	p0 =	seq.s32 s5, $0x0;
	s5 =	sld [smem:$0x3F9E]  }
0x2b: {  	s6 =	sld [smem:$0x3F9F]  }
0x2c: {  	s7 =	sld [smem:$0x3FA0]  }
0x2d: {  	s3 =	simm.s32 $0x108;
	s8 =	sld [smem:$0x3FA1]  }
0x2e: {  	s3 =	simm.s32 @!p0 $0x1082;
	s9 =	sld [smem:$0x3FA2]  }
0x2f: {  	lr =	sadd.s32 s0, s3;
	s0 =	sld [smem:$0x3F99]  }
0x30: {  	s3 =	sld [smem:$0x3F9C]  }
0x31: {  	[smem:$0x3FA5] =	sst s10  }
0x32: {  	s10 =	sld [smem:$0x3FA3];
	_ =	sdelay $0x3  }
0x33: {  	p0 =	seq.s32 s10, $0x1;
	s10 =	sld [smem:$0x3FA5];
	_ =	sdelay $0x3  }
0x34: {  	[smem:$0x3FA5] =	sst s10  }
0x35: {  	s10 =	sld [smem:$0x3FA4];
	_ =	sdelay $0x3  }
0x36: {  	p1 =	seq.s32 s10, $0x1;
	s10 =	sld [smem:$0x3FA5];
	_ =	sdelay $0x3  }
0x37: {  	[smem:$0x3FA5] =	sst s10  }
0x38: {  	s10 =	sld [smem:$0x3FA6]  }
0x39: {  	_ = 	snop;
	(pc) =	sbr.ind lr, $3  }
0x3a: {  	_ = 	snop  }
0x3b: {  	_ = 	snop  }
0x3c: {  	p2 =	seq.s32 s10, $0x1;
	s10 =	sld [smem:$0x3FA5]  }
0x3d: {  	_ =	shalt  }
0x3e: {  	_ =	shalt  }
0x3f: {  	_ =	shalt  }
0x40: {  	_ =	shalt  }
0x41: {  	_ =	shalt  }
0x42: {  	_ =	shalt  }
0x43: {  	_ =	shalt  }
0x44: {  	_ =	shalt  }
0x45: {  	_ =	shalt  }
0x46: {  	_ =	shalt  }
0x47: {  	_ =	shalt  }
0x48: {  	_ =	shalt  }
0x49: {  	_ =	shalt  }
0x4a: {  	_ =	shalt  }
0x4b: {  	_ =	shalt  }
0x4c: {  	_ =	shalt  }
0x4d: {  	_ =	shalt  }
0x4e: {  	_ =	shalt  }
0x4f: {  	_ =	shalt  }
0x50: {  	_ =	shalt  }
0x51: {  	_ =	shalt  }
0x52: {  	_ =	shalt  }
0x53: {  	_ =	shalt  }
0x54: {  	_ =	shalt  }
0x55: {  	_ =	shalt  }
0x56: {  	_ =	shalt  }
0x57: {  	_ =	shalt  }
0x58: {  	_ =	shalt  }
0x59: {  	_ =	shalt  }
0x5a: {  	_ =	shalt  }
0x5b: {  	_ =	shalt  }
0x5c: {  	_ =	shalt  }
0x5d: {  	_ =	shalt  }
0x5e: {  	_ =	shalt  }
0x5f: {  	_ =	shalt  }
0x60: {  	_ =	shalt  }
0x61: {  	_ =	shalt  }
0x62: {  	_ =	shalt  }
0x63: {  	_ =	shalt  }
0x64: {  	_ =	shalt  }
0x65: {  	_ =	shalt  }
0x66: {  	_ =	shalt  }
0x67: {  	_ =	shalt  }
0x68: {  	_ =	shalt  }
0x69: {  	_ =	shalt  }
0x6a: {  	_ =	shalt  }
0x6b: {  	_ =	shalt  }
0x6c: {  	_ =	shalt  }
0x6d: {  	_ =	shalt  }
0x6e: {  	_ =	shalt  }
0x6f: {  	_ =	shalt  }
0x70: {  	_ =	shalt  }
0x71: {  	_ =	shalt  }
0x72: {  	_ =	shalt  }
0x73: {  	_ =	shalt  }
0x74: {  	_ =	shalt  }
0x75: {  	_ =	shalt  }
0x76: {  	_ =	shalt  }
0x77: {  	_ =	shalt  }
0x78: {  	_ =	shalt  }
0x79: {  	_ =	shalt  }
0x7a: {  	_ =	shalt  }
0x7b: {  	_ =	shalt  }
0x7c: {  	_ =	shalt  }
0x7d: {  	_ =	shalt  }
0x7e: {  	_ =	shalt  }
0x7f: {  	_ =	shalt  }
0x80: {  	_ =	shalt  }
0x81: {  	_ =	shalt  }
0x82: {  	_ =	shalt  }
0x83: {  	_ =	shalt  }
0x84: {  	_ =	shalt  }
0x85: {  	_ =	shalt  }
0x86: {  	_ =	shalt  }
0x87: {  	_ =	shalt  }
.Lfunc_end0:
.L_simem_size_0:
called_computation.1_lowered:
.L_overlay_start_0:
0x88: {  	s2 =	sld [smem:$0x3FD9]  }
0x89: {  	s3 =	sld [smem:$0x3FFE];
	_ =	sdelay $0x1  }
0x8a: {  	s1 =	srdreg.scid  }
0x8b: {  	s0 =	sand.u32 $0x1, s1  }
0x8c: {  	s16 =	sshll.u32 s0, $0xA;
	s2 =	sadd.s32 s3, s2  }
0x8d: {  	s2 =	sadd.s32 s2, s16  }
0x8e: {  	[smem:$0x3FB1] =	sst s2  }
0x8f: {  	_ = 	snop  }
0x90: {  	(tm) =	ssettm $0x1  }
0x91: {  	s17 =	sld [smem:$0x3FFB];
	_ =	sdelay $0x3  }
0x92: {  	_ =	strace s17  }
0x93: {  	s2 =	sld [smem:$0x3FFC];
	_ =	sdelay $0x3  }
0x94: {  	_ =	strace s2  }
0x95: {  	s2 =	sld [smem:$0x3FFD];
	_ =	sdelay $0x3  }
0x96: {  	_ =	strace s2  }
0x97: {  	_ =	strace $0x8FFFFFFF  }
0x98: {  	s18 =	sld [smem:$0x3FDB];
	_ =	sdelay $0x1  }
0x99: {  	s19 =	simm.s32 $_scs_section_size  }
0x9a: {  	s4 =	simm.s32 $_size__tile_overlayer_lowered;
	s5 =	simm.s32 $_tile_overlayer_lowered  }
0x9b: {  	s22 =	simm.s32 $0x1BFF;
	s21 =	sshll.u32 s5, $0x1;
	s2 =	sadd.s32 s19, s18  }
0x9c: {  	s6 =	simm.s32 $0x0;
	s20 =	sshll.u32 s4, $0x1;
	s4 =	sadd.s32 s21, s2  }
0x9d: {  	[timem:s6], [sflag:s22] =	dma.local [hbm:s4], s20  }
0x9e: {  	_ =	swait.ge [sflag:s22], s20  }
0x9f: {  	s3 =	ssub.s32 $0x0, s20;
	[sflag:s22] =	ssyncset.done $0x0  }
0xa0: {  	[sflag:s22] =	ssyncadd.s32 s3;
	_ =	sdelay $0x1  }
0xa1: {  	s23 =	simm.s32 $0x1B8B  }
0xa2: {  	_ =	swait.ge [sflag:s23], $0x1  }
0xa3: {  	[sflag:s23] =	ssyncset.done $0x0  }
0xa4: {  	s25 =	simm.s32 $0x1B8E;
	s24 =	sld [smem:$0x3FFE];
	[sflag:s23] =	ssyncadd.s32 $0xFFFFFFFF  }
0xa5: {  	s26 =	simm.s32 $execute0_lowered;
	[smem:$0x3FD2] =	sst s25  }
0xa6: {  	s4 =	sshll.u32 s26, $0x1;
	_ =	strace $0x80000049;
	[dreg:$0x1] =	wrdreg $0xFFFFFFFF  }
0xa7: {  	s28 =	simm.s32 $_size_execute0_lowered;
	s2 =	sadd.s32 s2, s4;
	[dreg:$0x0] =	wrdreg $0x0  }
0xa8: {  	s4 =	sshll.u32 s28, $0x1;
	[dreg:$0x2] =	wrdreg s2  }
0xa9: {  	[dreg:$0x3] =	wrdreg s4  }
0xaa: {  	[dreg:$0x4] =	wrdreg $0xC0  }
0xab: {  	_ =	task [dreg:s6], $0x5FFFF  }
0xac: {  	[dreg:$0x1] =	wrdreg $0xFFFFFFFF  }
0xad: {  	[dreg:$0x0] =	wrdreg $0x60  }
0xae: {  	[dreg:$0x2] =	wrdreg s24  }
0xaf: {  	[dreg:$0x3] =	wrdreg $0x0  }
0xb0: {  	[dreg:$0x4] =	wrdreg $0xA4000  }
0xb1: {  	[dreg:$0x5] =	wrdreg $0x9  }
0xb2: {  	_ =	task.clear_ibuf [dreg:s6], $0x6FFFF;
	_ =	strace $0x90000049  }
0xb3: {  	s29 =	simm.s32 $0x9;
	_ =	strace $0x8000004B  }
0xb4: {  	_ =	swait.ge [sflag:s29], $0x1  }
0xb5: {  	[sflag:s29] =	ssyncadd.s32 $0xFFFFFFFF  }
0xb6: {  	_ =	strace $0x9000004B  }
0xb7: {  	_ =	sfence  }
0xb8: {  	s30 =	sld [smem:$0x0];
	_ =	sdelay $0x2  }
0xb9: {  	s31 =	sshll.u32 s1, $0xD;
	s1 =	sshrl.u32 s1, $0x2  }
0xba: {  	s3 =	sand.u32 $0x4000, s31;
	s1 =	sadd.s32 s1, s30  }
0xbb: {  	s0 =	sor.u32 s3, s0;
	s1 =	sshll.u32 s1, $0x11  }
0xbc: {  	s0 =	sor.u32 s1, s0  }
0xbd: {  	s0 =	sadd.s32 $0x8F2B, s0  }
0xbe: {  	[sflag:s0] =	ssyncadd.remote.s32 $0x1  }
0xbf: {  	_ =	sfence.sel $0xFFFF  }
0xc0: {  	[dreg:$0x0] =	wrdreg $0xFFFFFFFF;
	(pc) =	sbr.abs _section_cstart, $3  }
0xc1: {  	[dreg:$0x1] =	wrdreg $0xFFFFFFFF  }
0xc2: {  	_ =	task.clear_ibuf [dreg:s6], $0x2FFFF;
	_ =	strace $0x9FFFFFFF  }
0xc3: {  	(tm) =	ssettm $0x7FFFFFFF  }
tec
execute0_lowered:
.L_overlay_start_1:
0x0: {  	(tag) =	ssettag $0x1  }
0x1: {  	s0 =	rddreg [dreg:$0x0]  }
0x2: {  	s1 =	rddreg [dreg:$0x1]  }
0x3: {  	s2 =	rddreg [dreg:$0x2]  }
0x4: {  	s4 =	simm.s32 $0x0;
	s3 =	srdreg.scid;
	s15 =	stileid.u32  }
0x5: {  	[smem:$0x7FF] =	sst s4;
	s6 =	smul.u32 $0xA400, s15  }
0x6: {  	s3 =	sand.u32 $0x1, s3;
	s5 =	sadd.s32 $0x18600, s0;
	s9 =	smul.u32 $0x4E20, s15  }
0x7: {  	s7 =	sadd.s32 $0xE800, s0;
	s8 =	sadd.s32 $0x4A00, s0;
	s12 =	smul.u32 $0x140, s15  }
0x8: {  	s10 =	sadd.s32 $0x8F800, s0;
	s0 =	sadd.s32 $0x3F800, s0;
	s30 =	smul.u32 $0x9C4, s15  }
0x9: {  	_ =	strace $0x8000004A;
	s23 =	smul.u32 $0x1400, s3;
	s3 =	ssub.s32 $0x2, s3  }
0xa: {  	s11 =	sshrl.u32 s3, $0x1;
	s18 =	sadd.s32 $0x2800, s6;
	s9 =	sshrl.u32 s9, $0x3  }
0xb: {  	s19 =	sadd.s32 s30, s8;
	s17 =	sadd.s32 s6, s1;
	s11 =	ssub.s32 s3, s11  }
0xc: {  	s13 =	sadd.s32 s18, s1;
	s12 =	sadd.s32 s12, s23;
	s20 =	sadd.s32 s7, s9  }
0xd: {  	s21 =	sadd.s32 s8, s9;
	s9 =	sadd.s32 $0x9BA, s9;
	[dreg:$0x14] =	wrdreg s17  }
0xe: {  	s3 =	sadd.s32 s18, s2;
	s18 =	sadd.s32 $0x7800, s6;
	[dreg:$0x4] =	wrdreg s13  }
0xf: {  	s17 =	simm.s32 $0x50;
	v0 =	vmov s23;
	s23 =	simm.s32 $0xE280;
	[dreg:$0x5] =	wrdreg s20  }
0x10: {  	[dreg:$0x6] =	wrdreg s21;
	s12 =	sshll.u32 s12, $0x4;
	s20 =	sadd.s32 s30, s7  }
0x11: {  	[dreg:$0x11] =	wrdreg s3;
	s21 =	smul.u32 $0xA000, s15;
	s22 =	sadd.s32 s10, s12  }
0x12: {  	s24 =	sadd.s32 $0x500, s12;
	s14 =	sadd.s32 s0, s12;
	[dreg:$0x7] =	wrdreg s22  }
0x13: {  	s11 =	smax.u32 s11, $0x1;
	[dreg:$0x8] =	wrdreg s14;
	s25 =	sadd.s32 s10, s24  }
0x14: {  	s26 =	sadd.s32 $0xA00, s12;
	s13 =	sadd.s32 s0, s24;
	[dreg:$0x9] =	wrdreg s25  }
0x15: {  	s15 =	simm.s32 $0xB880;
	s28 =	sadd.s32 s10, s26;
	[dreg:$0xa] =	wrdreg s13  }
0x16: {  	s12 =	sadd.s32 $0xF00, s12;
	s29 =	sadd.s32 s0, s26;
	[dreg:$0xb] =	wrdreg s28  }
0x17: {  	s10 =	sadd.s32 s10, s12;
	s0 =	sadd.s32 s0, s12;
	[dreg:$0xc] =	wrdreg s29  }
0x18: {  	s12 =	sadd.s32 s7, s9;
	s14 =	sadd.s32 $0x5000, s6;
	[dreg:$0xd] =	wrdreg s10  }
0x19: {  	s22 =	sadd.s32 s6, s2;
	s24 =	sadd.s32 $0xA000, s6;
	[dreg:$0xe] =	wrdreg s0  }
0x1a: {  	s7 =	sadd.s32 s21, s1;
	s30 =	sadd.s32 $0x7800, s21;
	[dreg:$0xf] =	wrdreg s12  }
0x1b: {  	s13 =	sadd.s32 s8, s9;
	s16 =	sadd.s32 s14, s1;
	s0 =	sadd.s32 s14, s2  }
0x1c: {  	[dreg:$0x15] =	wrdreg s22;
	s25 =	sadd.s32 s18, s1;
	s26 =	sadd.s32 s24, s1  }
0x1d: {  	s28 =	sadd.s32 $0x2800, s21;
	s3 =	sadd.s32 s24, s2;
	[dreg:$0x10] =	wrdreg s13  }
0x1e: {  	s29 =	sadd.s32 $0x5000, s21;
	s8 =	sadd.s32 s21, s2;
	[dreg:$0x12] =	wrdreg s16  }
0x1f: {  	s9 =	sadd.s32 s30, s1;
	s10 =	sadd.s32 s30, s2;
	[dreg:$0x13] =	wrdreg s0  }
0x20: {  	s12 =	simm.s32 $0xB980;
	s14 =	simm.s32 $0x10A80;
	[dreg:$0x16] =	wrdreg s25  }
0x21: {  	s21 =	simm.s32 $0xE200;
	s22 =	simm.s32 $0x1;
	[dreg:$0x18] =	wrdreg s26  }
0x22: {  	s24 =	simm.s32 $0x2;
	s0 =	sadd.s32 s18, s2;
	[dreg:$0x19] =	wrdreg s3  }
0x23: {  	s31 =	sadd.s32 s28, s1;
	s3 =	sadd.s32 s29, s1;
	s6 =	sadd.s32 s29, s2  }
0x24: {  	s13 =	simm.s32 $0x3;
	s16 =	simm.s32 $0xB900;
	s18 =	simm.s32 $0xE180  }
0x25: {  	v1 =	vimm.f32 $0.0e+00;
	v2 =	vimm.f32 $1.000000000e+00;
	s25 =	simm.s32 $0x0;
	[dreg:$0x17] =	wrdreg s0;
	s0 =	sadd.s32 s28, s2  }
.LBB2_1:
0x26: {  	s26 =	simm.s32 $0x0;
	s28 =	simm.s32 $0x200  }
.LBB2_2:
0x27: {  	p0 =	sne.s32 s28, $0x9E00;
	[tilespmem:s26+$0x10A80] =	vst v1  }
0x28: {  	[tilespmem:s26+$0xB980] =	vst v1  }
0x29: {  	[tilespmem:s26+$0xB990] =	vst v1  }
0x2a: {  	[tilespmem:s26+$0xB9A0] =	vst v1  }
.Ltmp0:
0x2b: {  	[tilespmem:s26+$0xB9B0] =	vst v1;
	(pc) =	sbr.rel @p0 .LBB2_2-.Ltmp0, $4  }
0x2c: {  	[tilespmem:s26+$0xB9C0] =	vst v1  }
0x2d: {  	[tilespmem:s26+$0xB9D0] =	vst v1  }
0x2e: {  	[tilespmem:s26+$0xB9E0] =	vst v1  }
0x2f: {  	[tilespmem:s26+$0xB9F0] =	vst v1;
	s26 =	sshra.s32 s28, $0x2;
	s28 =	sadd.s32 $0x200, s28  }
0x30: {  	[tilespmem:s26+$0x10A80] =	vst v1  }
0x31: {  	[tilespmem:s26+$0xB980] =	vst v1  }
0x32: {  	[tilespmem:s26+$0xB990] =	vst v1  }
0x33: {  	[tilespmem:s26+$0xB9A0] =	vst v1  }
0x34: {  	[tilespmem:s26+$0xB9B0] =	vst v1  }
0x35: {  	[tilespmem:s26+$0xB9C0] =	vst v1  }
0x36: {  	[tilespmem:s26+$0xB9D0] =	vst v1  }
0x37: {  	[tilespmem:s26+$0xB9E0] =	vst v1  }
0x38: {  	[tilespmem:s26+$0xB9F0] =	vst v1;
	s29 =	rddreg [dreg:$0x14]  }
0x39: {  	[spmem:s29] =	stream.linear.scatter [tilespmem:s12], [sflag:$0x3], $0x2800, $0x38;
	[tilespmem:$0x13280] =	vst v63  }
0x3a: {  	_ =	swait.ge [sflag:s13], $0x2800  }
0x3b: {  	[sflag:s13] =	ssyncset.done $0x0  }
0x3c: {  	s30 =	rddreg [dreg:$0x15];
	[sflag:s13] =	ssyncadd.s32 $0xFFFFD800  }
0x3d: {  	[spmem:s30] =	stream.linear.scatter [tilespmem:s14], [sflag:$0x3], $0x2800, $0x38;
	[tilespmem:$0x13280] =	vst v63  }
0x3e: {  	_ =	swait.ge [sflag:s13], $0x2800  }
0x3f: {  	[sflag:s13] =	ssyncset.done $0x0  }
0x40: {  	s29 =	rddreg [dreg:$0x4];
	[sflag:s13] =	ssyncadd.s32 $0xFFFFD800  }
0x41: {  	[spmem:s29] =	stream.linear.scatter [tilespmem:s12], [sflag:$0x3], $0x2800, $0x38;
	[tilespmem:$0x13280] =	vst v63  }
0x42: {  	_ =	swait.ge [sflag:s13], $0x2800  }
0x43: {  	[sflag:s13] =	ssyncset.done $0x0  }
0x44: {  	s30 =	rddreg [dreg:$0x11];
	[sflag:s13] =	ssyncadd.s32 $0xFFFFD800  }
0x45: {  	[spmem:s30] =	stream.linear.scatter [tilespmem:s14], [sflag:$0x3], $0x2800, $0x38;
	[tilespmem:$0x13280] =	vst v63  }
0x46: {  	_ =	swait.ge [sflag:s13], $0x2800  }
0x47: {  	[sflag:s13] =	ssyncset.done $0x0  }
0x48: {  	s29 =	rddreg [dreg:$0x12];
	[sflag:s13] =	ssyncadd.s32 $0xFFFFD800  }
0x49: {  	[spmem:s29] =	stream.linear.scatter [tilespmem:s12], [sflag:$0x3], $0x2800, $0x38;
	[tilespmem:$0x13280] =	vst v63  }
0x4a: {  	_ =	swait.ge [sflag:s13], $0x2800  }
0x4b: {  	[sflag:s13] =	ssyncset.done $0x0  }
0x4c: {  	s30 =	rddreg [dreg:$0x13];
	[sflag:s13] =	ssyncadd.s32 $0xFFFFD800  }
0x4d: {  	[spmem:s30] =	stream.linear.scatter [tilespmem:s14], [sflag:$0x3], $0x2800, $0x38;
	[tilespmem:$0x13280] =	vst v63  }
0x4e: {  	_ =	swait.ge [sflag:s13], $0x2800  }
0x4f: {  	[sflag:s13] =	ssyncset.done $0x0  }
0x50: {  	s29 =	rddreg [dreg:$0x16];
	[sflag:s13] =	ssyncadd.s32 $0xFFFFD800  }
0x51: {  	[spmem:s29] =	stream.linear.scatter [tilespmem:s12], [sflag:$0x3], $0x2800, $0x38;
	[tilespmem:$0x13280] =	vst v63  }
0x52: {  	_ =	swait.ge [sflag:s13], $0x2800  }
0x53: {  	[sflag:s13] =	ssyncset.done $0x0  }
0x54: {  	s30 =	rddreg [dreg:$0x17];
	[sflag:s13] =	ssyncadd.s32 $0xFFFFD800  }
0x55: {  	[spmem:s30] =	stream.linear.scatter [tilespmem:s14], [sflag:$0x3], $0x2800, $0x38;
	[tilespmem:$0x13280] =	vst v63  }
0x56: {  	_ =	swait.ge [sflag:s13], $0x2800  }
0x57: {  	[sflag:s13] =	ssyncset.done $0x0  }
0x58: {  	s29 =	rddreg [dreg:$0x18];
	[sflag:s13] =	ssyncadd.s32 $0xFFFFD800  }
0x59: {  	[spmem:s29] =	stream.linear.scatter [tilespmem:s12], [sflag:$0x3], $0x400, $0x38;
	[tilespmem:$0x13280] =	vst v63  }
0x5a: {  	_ =	swait.ge [sflag:s13], $0x400  }
0x5b: {  	[sflag:s13] =	ssyncset.done $0x0  }
0x5c: {  	s30 =	rddreg [dreg:$0x19];
	[sflag:s13] =	ssyncadd.s32 $0xFFFFFC00  }
0x5d: {  	[spmem:s30] =	stream.linear.scatter [tilespmem:s14], [sflag:$0x3], $0x400, $0x38;
	[tilespmem:$0x13280] =	vst v63  }
0x5e: {  	_ =	swait.ge [sflag:s13], $0x400  }
0x5f: {  	[sflag:s13] =	ssyncset.done $0x0  }
0x60: {  	s26 =	simm.s32 $0x200;
	s28 =	simm.s32 $0x0;
	[sflag:s13] =	ssyncadd.s32 $0xFFFFFC00  }
.LBB2_4:
0x61: {  	p0 =	sne.s32 s26, $0x9E00;
	[tilespmem:s28+$0x10A80] =	vst v2;
	s28 =	smov.u32 s26;
	s26 =	sadd.s32 $0x200, s26  }
.Ltmp1:
0x62: {  	(pc) =	sbr.rel @p0 .LBB2_4-.Ltmp1, $2  }
0x63: {  	_ =	sdelay $0x2  }
0x64: {  	s28 =	sshra.s32 s28, $0x2  }
0x65: {  	[tilespmem:s28+$0x10A80] =	vst v2  }
0x66: {  	[bflag:$0x0] =	sbarrier.arrive $0xFFFF  }
0x67: {  	s26 =	rddreg [dreg:$0x5]  }
0x68: {  	[tilespmem:s15], [sflag:$0x3] =	stream.linear.gather [hbm4b:s26+s4], $0x50, $0x38;
	[tilespmem:$0x13280] =	vst v63  }
0x69: {  	_ =	swait.ge [sflag:s13], $0x50  }
0x6a: {  	[sflag:s13] =	ssyncset.done $0x0  }
0x6b: {  	s28 =	rddreg [dreg:$0x6];
	[sflag:s13] =	ssyncadd.s32 $0xFFFFFFB0  }
0x6c: {  	[tilespmem:s16], [sflag:$0x3] =	stream.linear.gather [hbm4b:s28+s4], $0x50, $0x38;
	[tilespmem:$0x13280] =	vst v63  }
0x6d: {  	_ =	swait.ge [sflag:s13], $0x50  }
0x6e: {  	[sflag:s13] =	ssyncset.done $0x0  }
0x6f: {  	s26 =	sadd.s32 $0xFFFFF650, s20;
	[sflag:s13] =	ssyncadd.s32 $0xFFFFFFB0  }
0x70: {  	[tilespmem:s12], [sflag:$0x1] =	stream.indirect.gather [hbm4b:s5+s17], $0x80, s15, s17, $0xb8;
	[tilespmem:$0x13280] =	vst v63  }
0x71: {  	s29 =	sadd.s32 $0x9BA, s26  }
0x72: {  	[tilespmem:s18], [sflag:$0x3] =	stream.linear.gather [hbm4b:s29+s4], $0x50, $0x38;
	[tilespmem:$0x13280] =	vst v63  }
0x73: {  	_ =	swait.ge [sflag:s13], $0x50  }
0x74: {  	s30 =	sadd.s32 $0xFFFFF650, s19;
	[sflag:s13] =	ssyncset.done $0x0  }
0x75: {  	s29 =	sadd.s32 $0x9BA, s30;
	[sflag:s13] =	ssyncadd.s32 $0xFFFFFFB0  }
0x76: {  	[tilespmem:s21], [sflag:$0x3] =	stream.linear.gather [hbm4b:s29+s4], $0x50, $0x38;
	[tilespmem:$0x13280] =	vst v63  }
0x77: {  	_ =	swait.ge [sflag:s13], $0x50  }
0x78: {  	[sflag:s13] =	ssyncset.done $0x0  }
0x79: {  	[sflag:s13] =	ssyncadd.s32 $0xFFFFFFB0  }
0x7a: {  	v3 =	vld [tilespmem:$0xB930]  }
0x7b: {  	v5 =	vld [tilespmem:$0xB910]  }
0x7c: {  	v4 =	vld [tilespmem:$0xB940]  }
0x7d: {  	v7 =	vld [tilespmem:$0xB900]  }
0x7e: {  	v6 =	vld [tilespmem:$0xB920]  }
0x7f: {  	v3 =	vsub.s32 v3, v0  }
0x80: {  	v5 =	vsub.s32 v5, v0;
	vm0 =	vlt.u32 v3, $0x1400  }
0x81: {  	v4 =	vsub.s32 v4, v0;
	vm1 =	vlt.u32 v5, $0x1400;
	v3 =	vnsel vm0, $0x1407, v3  }
0x82: {  	v63 =	vsub.s32 v7, v0;
	vm13 =	vlt.u32 v4, $0x1400;
	v5 =	vnsel vm1, $0x1407, v5;
	[tilespmem:$0xB930] =	vst v3  }
0x83: {  	v6 =	vsub.s32 v6, v0;
	vm15 =	vlt.u32 v63, $0x1400;
	v3 =	vnsel vm13, $0x1407, v4;
	[tilespmem:$0xB910] =	vst v5  }
0x84: {  	vm14 =	vlt.u32 v6, $0x1400;
	v4 =	vnsel vm15, $0x1407, v63;
	[tilespmem:$0xB940] =	vst v3  }
0x85: {  	v3 =	vnsel vm14, $0x1407, v6;
	[tilespmem:$0xB900] =	vst v4  }
0x86: {  	[tilespmem:$0xB920] =	vst v3  }
0x87: {  	_ =	swait.ge [sflag:s22], $0x2800  }
0x88: {  	[sflag:s22] =	ssyncset.done $0x0  }
0x89: {  	[sflag:s22] =	ssyncadd.s32 $0xFFFFD800  }
0x8a: {  	[tilespmem:s23], [sflag:$0x2] =	stream.indirect.gather [hbm4b:s5+s17], $0x80, s18, s17, $0xb8;
	[tilespmem:$0x13280] =	vst v63  }
0x8b: {  	_ = 	snop  }
0x8c: {  	[spmem:s1] =	stream.indirect.scatter.add.f32 [tilespmem:s12], [sflag:$0x3], $0x80, s16, s17, $0xb8;
	[tilespmem:$0x13280] =	vst v63  }
0x8d: {  	_ =	swait.ge [sflag:s13], $0x2800  }
0x8e: {  	[sflag:s13] =	ssyncset.done $0x0  }
0x8f: {  	[sflag:s13] =	ssyncadd.s32 $0xFFFFD800  }
0x90: {  	[spmem:s2] =	stream.indirect.scatter.add.f32 [tilespmem:s14], [sflag:$0x3], $0x10, s16, s17, $0xb8;
	[tilespmem:$0x13280] =	vst v63  }
0x91: {  	_ =	swait.ge [sflag:s13], $0x500  }
0x92: {  	[sflag:s13] =	ssyncset.done $0x0  }
0x93: {  	s26 =	sadd.s32 $0x9C4, s26;
	[sflag:s13] =	ssyncadd.s32 $0xFFFFFB00  }
0x94: {  	[tilespmem:s15], [sflag:$0x3] =	stream.linear.gather [hbm4b:s26+s4], $0x50, $0x38;
	[tilespmem:$0x13280] =	vst v63  }
0x95: {  	_ =	swait.ge [sflag:s13], $0x50  }
0x96: {  	[sflag:s13] =	ssyncset.done $0x0  }
0x97: {  	s30 =	sadd.s32 $0x9C4, s30;
	[sflag:s13] =	ssyncadd.s32 $0xFFFFFFB0  }
0x98: {  	[tilespmem:s16], [sflag:$0x3] =	stream.linear.gather [hbm4b:s30+s4], $0x50, $0x38;
	[tilespmem:$0x13280] =	vst v63  }
0x99: {  	_ =	swait.ge [sflag:s13], $0x50  }
0x9a: {  	[sflag:s13] =	ssyncset.done $0x0  }
0x9b: {  	s26 =	simm.s32 $0xFFFFF664;
	[sflag:s13] =	ssyncadd.s32 $0xFFFFFFB0  }
.LBB2_6:
0x9c: {  	p0 =	sne.s32 s26, $0xFFFFFFEC;
	v3 =	vld [tilespmem:$0xE240];
	s29 =	smov.u32 s26;
	s26 =	sadd.s32 $0x14, s26  }
0x9d: {  	v4 =	vld [tilespmem:$0xE230]  }
0x9e: {  	v5 =	vld [tilespmem:$0xE220]  }
0x9f: {  	v6 =	vld [tilespmem:$0xE210]  }
0xa0: {  	v7 =	vld [tilespmem:$0xE200]  }
0xa1: {  	v3 =	vsub.s32 v3, v0  }
0xa2: {  	v4 =	vsub.s32 v4, v0;
	vm0 =	vlt.u32 v3, $0x1400  }
0xa3: {  	v5 =	vsub.s32 v5, v0;
	vm1 =	vlt.u32 v4, $0x1400;
	v3 =	vnsel vm0, $0x1407, v3  }
0xa4: {  	v6 =	vsub.s32 v6, v0;
	vm0 =	vlt.u32 v5, $0x1400;
	v4 =	vnsel vm1, $0x1407, v4;
	[tilespmem:$0xE240] =	vst v3  }
0xa5: {  	v3 =	vsub.s32 v7, v0;
	vm1 =	vlt.u32 v6, $0x1400;
	v5 =	vnsel vm0, $0x1407, v5;
	[tilespmem:$0xE230] =	vst v4  }
0xa6: {  	vm0 =	vlt.u32 v3, $0x1400;
	v4 =	vnsel vm1, $0x1407, v6;
	[tilespmem:$0xE220] =	vst v5  }
0xa7: {  	v3 =	vnsel vm0, $0x1407, v3;
	[tilespmem:$0xE210] =	vst v4  }
0xa8: {  	[tilespmem:$0xE200] =	vst v3  }
0xa9: {  	_ =	swait.ge [sflag:s24], $0x2800  }
0xaa: {  	[sflag:s24] =	ssyncset.done $0x0  }
0xab: {  	[sflag:s24] =	ssyncadd.s32 $0xFFFFD800  }
0xac: {  	[tilespmem:s12], [sflag:$0x1] =	stream.indirect.gather [hbm4b:s5+s17], $0x80, s15, s17, $0xb8;
	[tilespmem:$0x13280] =	vst v63  }
0xad: {  	_ = 	snop  }
0xae: {  	[spmem:s1] =	stream.indirect.scatter.add.f32 [tilespmem:s23], [sflag:$0x3], $0x80, s21, s17, $0xb8;
	[tilespmem:$0x13280] =	vst v63  }
0xaf: {  	_ =	swait.ge [sflag:s13], $0x2800  }
0xb0: {  	[sflag:s13] =	ssyncset.done $0x0  }
0xb1: {  	[sflag:s13] =	ssyncadd.s32 $0xFFFFD800  }
0xb2: {  	[spmem:s2] =	stream.indirect.scatter.add.f32 [tilespmem:s14], [sflag:$0x3], $0x10, s21, s17, $0xb8;
	[tilespmem:$0x13280] =	vst v63  }
0xb3: {  	_ =	swait.ge [sflag:s13], $0x500  }
0xb4: {  	s28 =	sadd.s32 s29, s20;
	[sflag:s13] =	ssyncset.done $0x0  }
0xb5: {  	s30 =	sadd.s32 $0x9BA, s28;
	[sflag:s13] =	ssyncadd.s32 $0xFFFFFB00  }
0xb6: {  	[tilespmem:s18], [sflag:$0x3] =	stream.linear.gather [hbm4b:s30+s4], $0x50, $0x38;
	[tilespmem:$0x13280] =	vst v63  }
0xb7: {  	_ =	swait.ge [sflag:s13], $0x50  }
0xb8: {  	s29 =	sadd.s32 s29, s19;
	[sflag:s13] =	ssyncset.done $0x0  }
0xb9: {  	s30 =	sadd.s32 $0x9BA, s29;
	[sflag:s13] =	ssyncadd.s32 $0xFFFFFFB0  }
0xba: {  	[tilespmem:s21], [sflag:$0x3] =	stream.linear.gather [hbm4b:s30+s4], $0x50, $0x38;
	[tilespmem:$0x13280] =	vst v63  }
0xbb: {  	_ =	swait.ge [sflag:s13], $0x50  }
0xbc: {  	[sflag:s13] =	ssyncset.done $0x0  }
0xbd: {  	[sflag:s13] =	ssyncadd.s32 $0xFFFFFFB0  }
0xbe: {  	v3 =	vld [tilespmem:$0xB930]  }
0xbf: {  	v4 =	vld [tilespmem:$0xB940]  }
0xc0: {  	v5 =	vld [tilespmem:$0xB910]  }
0xc1: {  	v6 =	vld [tilespmem:$0xB920]  }
0xc2: {  	v7 =	vld [tilespmem:$0xB900]  }
0xc3: {  	v3 =	vsub.s32 v3, v0  }
0xc4: {  	vm0 =	vlt.u32 v3, $0x1400;
	v4 =	vsub.s32 v4, v0  }
0xc5: {  	v5 =	vsub.s32 v5, v0;
	v3 =	vnsel vm0, $0x1407, v3;
	vm0 =	vlt.u32 v4, $0x1400  }
0xc6: {  	vm1 =	vlt.u32 v5, $0x1400;
	v6 =	vsub.s32 v6, v0;
	[tilespmem:$0xB930] =	vst v3;
	v3 =	vnsel vm0, $0x1407, v4  }
0xc7: {  	v4 =	vsub.s32 v7, v0;
	v5 =	vnsel vm1, $0x1407, v5;
	vm0 =	vlt.u32 v6, $0x1400;
	[tilespmem:$0xB940] =	vst v3  }
0xc8: {  	vm1 =	vlt.u32 v4, $0x1400;
	[tilespmem:$0xB910] =	vst v5;
	v3 =	vnsel vm0, $0x1407, v6  }
0xc9: {  	v4 =	vnsel vm1, $0x1407, v4;
	[tilespmem:$0xB920] =	vst v3  }
0xca: {  	[tilespmem:$0xB900] =	vst v4  }
0xcb: {  	_ =	swait.ge [sflag:s22], $0x2800  }
0xcc: {  	[sflag:s22] =	ssyncset.done $0x0  }
0xcd: {  	[sflag:s22] =	ssyncadd.s32 $0xFFFFD800  }
0xce: {  	[tilespmem:s23], [sflag:$0x2] =	stream.indirect.gather [hbm4b:s5+s17], $0x80, s18, s17, $0xb8;
	[tilespmem:$0x13280] =	vst v63  }
0xcf: {  	_ = 	snop  }
0xd0: {  	[spmem:s1] =	stream.indirect.scatter.add.f32 [tilespmem:s12], [sflag:$0x3], $0x80, s16, s17, $0xb8;
	[tilespmem:$0x13280] =	vst v63  }
0xd1: {  	_ =	swait.ge [sflag:s13], $0x2800  }
0xd2: {  	[sflag:s13] =	ssyncset.done $0x0  }
0xd3: {  	[sflag:s13] =	ssyncadd.s32 $0xFFFFD800  }
0xd4: {  	[spmem:s2] =	stream.indirect.scatter.add.f32 [tilespmem:s14], [sflag:$0x3], $0x10, s16, s17, $0xb8;
	[tilespmem:$0x13280] =	vst v63  }
0xd5: {  	_ =	swait.ge [sflag:s13], $0x500  }
0xd6: {  	[sflag:s13] =	ssyncset.done $0x0  }
0xd7: {  	s28 =	sadd.s32 $0x9C4, s28;
	[sflag:s13] =	ssyncadd.s32 $0xFFFFFB00  }
0xd8: {  	[tilespmem:s15], [sflag:$0x3] =	stream.linear.gather [hbm4b:s28+s4], $0x50, $0x38;
	[tilespmem:$0x13280] =	vst v63  }
0xd9: {  	_ =	swait.ge [sflag:s13], $0x50  }
0xda: {  	[sflag:s13] =	ssyncset.done $0x0  }
.Ltmp2:
0xdb: {  	s28 =	sadd.s32 $0x9C4, s29;
	[sflag:s13] =	ssyncadd.s32 $0xFFFFFFB0;
	(pc) =	sbr.rel @p0 .LBB2_6-.Ltmp2, $4  }
0xdc: {  	[tilespmem:s16], [sflag:$0x3] =	stream.linear.gather [hbm4b:s28+s4], $0x50, $0x38;
	[tilespmem:$0x13280] =	vst v63  }
0xdd: {  	_ =	swait.ge [sflag:s13], $0x50  }
0xde: {  	[sflag:s13] =	ssyncset.done $0x0  }
0xdf: {  	[sflag:s13] =	ssyncadd.s32 $0xFFFFFFB0  }
0xe0: {  	v3 =	vld [tilespmem:$0xE240]  }
0xe1: {  	v4 =	vld [tilespmem:$0xE230]  }
0xe2: {  	v5 =	vld [tilespmem:$0xE220]  }
0xe3: {  	v6 =	vld [tilespmem:$0xE210]  }
0xe4: {  	v7 =	vld [tilespmem:$0xE200]  }
0xe5: {  	v3 =	vsub.s32 v3, v0  }
0xe6: {  	v4 =	vsub.s32 v4, v0;
	vm0 =	vlt.u32 v3, $0x1400  }
0xe7: {  	v5 =	vsub.s32 v5, v0;
	vm1 =	vlt.u32 v4, $0x1400;
	v3 =	vnsel vm0, $0x1407, v3  }
0xe8: {  	v6 =	vsub.s32 v6, v0;
	vm15 =	vlt.u32 v5, $0x1400;
	v4 =	vnsel vm1, $0x1407, v4;
	[tilespmem:$0xE240] =	vst v3  }
0xe9: {  	vm4 =	vlt.u32 v6, $0x1400;
	v5 =	vnsel vm15, $0x1407, v5;
	v3 =	vsub.s32 v7, v0;
	[tilespmem:$0xE230] =	vst v4  }
0xea: {  	v51 =	vnsel vm4, $0x1407, v6;
	[tilespmem:$0xE220] =	vst v5;
	vm5 =	vlt.u32 v3, $0x1400  }
0xeb: {  	[tilespmem:$0xE210] =	vst v51;
	v3 =	vnsel vm5, $0x1407, v3  }
0xec: {  	[tilespmem:$0xE200] =	vst v3  }
0xed: {  	_ =	swait.ge [sflag:s24], $0x2800  }
0xee: {  	[sflag:s24] =	ssyncset.done $0x0  }
0xef: {  	[sflag:s24] =	ssyncadd.s32 $0xFFFFD800  }
0xf0: {  	[tilespmem:s12], [sflag:$0x1] =	stream.indirect.gather [hbm4b:s5+s17], $0x80, s15, s17, $0xb8;
	[tilespmem:$0x13280] =	vst v63  }
0xf1: {  	_ = 	snop  }
0xf2: {  	[spmem:s1] =	stream.indirect.scatter.add.f32 [tilespmem:s23], [sflag:$0x3], $0x80, s21, s17, $0xb8;
	[tilespmem:$0x13280] =	vst v63  }
0xf3: {  	_ =	swait.ge [sflag:s13], $0x2800  }
0xf4: {  	[sflag:s13] =	ssyncset.done $0x0  }
0xf5: {  	[sflag:s13] =	ssyncadd.s32 $0xFFFFD800  }
0xf6: {  	[spmem:s2] =	stream.indirect.scatter.add.f32 [tilespmem:s14], [sflag:$0x3], $0x10, s21, s17, $0xb8;
	[tilespmem:$0x13280] =	vst v63  }
0xf7: {  	_ =	swait.ge [sflag:s13], $0x500  }
0xf8: {  	[sflag:s13] =	ssyncset.done $0x0  }
0xf9: {  	s26 =	rddreg [dreg:$0xf];
	[sflag:s13] =	ssyncadd.s32 $0xFFFFFB00  }
0xfa: {  	[tilespmem:s18], [sflag:$0x3] =	stream.linear.gather [hbm4b:s26+s4], $0x50, $0x38;
	[tilespmem:$0x13280] =	vst v63  }
0xfb: {  	_ =	swait.ge [sflag:s13], $0x50  }
0xfc: {  	[sflag:s13] =	ssyncset.done $0x0  }
0xfd: {  	s28 =	rddreg [dreg:$0x10];
	[sflag:s13] =	ssyncadd.s32 $0xFFFFFFB0  }
0xfe: {  	[tilespmem:s21], [sflag:$0x3] =	stream.linear.gather [hbm4b:s28+s4], $0x50, $0x38;
	[tilespmem:$0x13280] =	vst v63  }
0xff: {  	_ =	swait.ge [sflag:s13], $0x50  }
0x100: {  	[sflag:s13] =	ssyncset.done $0x0  }
0x101: {  	[sflag:s13] =	ssyncadd.s32 $0xFFFFFFB0  }
0x102: {  	v3 =	vld [tilespmem:$0xB900]  }
0x103: {  	v52 =	vld [tilespmem:$0xB910]  }
0x104: {  	v53 =	vld [tilespmem:$0xB920]  }
0x105: {  	v54 =	vld [tilespmem:$0xB930]  }
0x106: {  	v55 =	vld [tilespmem:$0xB940]  }
0x107: {  	v3 =	vsub.s32 v3, v0  }
0x108: {  	v4 =	vsub.s32 v52, v0;
	vm6 =	vlt.u32 v3, $0x1400  }
0x109: {  	v5 =	vsub.s32 v53, v0;
	vm7 =	vlt.u32 v4, $0x1400;
	v3 =	vnsel vm6, $0x1407, v3  }
0x10a: {  	v56 =	vsub.s32 v54, v0;
	vm8 =	vlt.u32 v5, $0x1400;
	[tilespmem:$0xB900] =	vst v3;
	v3 =	vnsel vm7, $0x1407, v4  }
0x10b: {  	v57 =	vsub.s32 v55, v0;
	vm9 =	vlt.u32 v56, $0x1400;
	[tilespmem:$0xB910] =	vst v3;
	v3 =	vnsel vm8, $0x1407, v5  }
0x10c: {  	vm10 =	vlt.u32 v57, $0x1400;
	[tilespmem:$0xB920] =	vst v3;
	v3 =	vnsel vm9, $0x1407, v56  }
0x10d: {  	[tilespmem:$0xB930] =	vst v3;
	v3 =	vnsel vm10, $0x1407, v57  }
0x10e: {  	[tilespmem:$0xB940] =	vst v3  }
0x10f: {  	_ =	swait.ge [sflag:s22], $0x2800  }
0x110: {  	[sflag:s22] =	ssyncset.done $0x0  }
0x111: {  	[sflag:s22] =	ssyncadd.s32 $0xFFFFD800  }
0x112: {  	[tilespmem:s23], [sflag:$0x2] =	stream.indirect.gather [hbm4b:s5+s17], $0x80, s18, s17, $0xb8;
	[tilespmem:$0x13280] =	vst v63  }
0x113: {  	_ = 	snop  }
0x114: {  	[spmem:s1] =	stream.indirect.scatter.add.f32 [tilespmem:s12], [sflag:$0x3], $0x80, s16, s17, $0xb8;
	[tilespmem:$0x13280] =	vst v63  }
0x115: {  	_ =	swait.ge [sflag:s13], $0x2800  }
0x116: {  	[sflag:s13] =	ssyncset.done $0x0  }
0x117: {  	[sflag:s13] =	ssyncadd.s32 $0xFFFFD800  }
0x118: {  	[spmem:s2] =	stream.indirect.scatter.add.f32 [tilespmem:s14], [sflag:$0x3], $0x10, s16, s17, $0xb8;
	[tilespmem:$0x13280] =	vst v63  }
0x119: {  	_ =	swait.ge [sflag:s13], $0x500  }
0x11a: {  	[sflag:s13] =	ssyncset.done $0x0  }
0x11b: {  	[sflag:s13] =	ssyncadd.s32 $0xFFFFFB00  }
0x11c: {  	v3 =	vld [tilespmem:$0xE200]  }
0x11d: {  	v58 =	vld [tilespmem:$0xE210]  }
0x11e: {  	v59 =	vld [tilespmem:$0xE220]  }
0x11f: {  	v60 =	vld [tilespmem:$0xE230]  }
0x120: {  	v61 =	vld [tilespmem:$0xE240]  }
0x121: {  	v3 =	vsub.s32 v3, v0  }
0x122: {  	v4 =	vsub.s32 v58, v0;
	vm11 =	vlt.u32 v3, $0x1400  }
0x123: {  	v5 =	vsub.s32 v59, v0;
	vm12 =	vlt.u32 v4, $0x1400;
	v3 =	vnsel vm11, $0x1407, v3  }
0x124: {  	v62 =	vsub.s32 v60, v0;
	vm13 =	vlt.u32 v5, $0x1400;
	[tilespmem:$0xE200] =	vst v3;
	v3 =	vnsel vm12, $0x1407, v4  }
0x125: {  	v63 =	vsub.s32 v61, v0;
	vm14 =	vlt.u32 v62, $0x1400;
	[tilespmem:$0xE210] =	vst v3;
	v3 =	vnsel vm13, $0x1407, v5  }
0x126: {  	vm15 =	vlt.u32 v63, $0x1400;
	[tilespmem:$0xE220] =	vst v3;
	v3 =	vnsel vm14, $0x1407, v62  }
0x127: {  	[tilespmem:$0xE230] =	vst v3;
	v3 =	vnsel vm15, $0x1407, v63  }
0x128: {  	[tilespmem:$0xE240] =	vst v3  }
0x129: {  	_ =	swait.ge [sflag:s24], $0x2800  }
0x12a: {  	[sflag:s24] =	ssyncset.done $0x0  }
0x12b: {  	[sflag:s24] =	ssyncadd.s32 $0xFFFFD800  }
0x12c: {  	[spmem:s1] =	stream.indirect.scatter.add.f32 [tilespmem:s23], [sflag:$0x3], $0x80, s21, s17, $0xb8;
	[tilespmem:$0x13280] =	vst v63  }
0x12d: {  	_ =	swait.ge [sflag:s13], $0x2800  }
0x12e: {  	[sflag:s13] =	ssyncset.done $0x0  }
0x12f: {  	[sflag:s13] =	ssyncadd.s32 $0xFFFFD800  }
0x130: {  	[spmem:s2] =	stream.indirect.scatter.add.f32 [tilespmem:s14], [sflag:$0x3], $0x10, s21, s17, $0xb8;
	[tilespmem:$0x13280] =	vst v63  }
0x131: {  	_ =	swait.ge [sflag:s13], $0x500  }
0x132: {  	[sflag:s13] =	ssyncset.done $0x0  }
0x133: {  	[sflag:s13] =	ssyncadd.s32 $0xFFFFFB00  }
0x134: {  	[bflag:$0x0] =	sbarrier.arrive $0xFFFF  }
0x135: {  	[tilespmem:s12], [sflag:$0x3] =	stream.linear.gather [spmem:s7], $0x2800, $0x38;
	[tilespmem:$0x13280] =	vst v63  }
0x136: {  	_ =	swait.ge [sflag:s13], $0x2800  }
0x137: {  	[sflag:s13] =	ssyncset.done $0x0  }
0x138: {  	s29 =	rddreg [dreg:$0x7];
	[sflag:s13] =	ssyncadd.s32 $0xFFFFD800  }
0x139: {  	[hbm4b:s29+s4] =	stream.linear.scatter [tilespmem:s12], [sflag:$0x3], $0x2800, $0x38;
	[tilespmem:$0x13280] =	vst v63  }
0x13a: {  	_ =	swait.ge [sflag:s13], $0x2800  }
0x13b: {  	[sflag:s13] =	ssyncset.done $0x0  }
0x13c: {  	[sflag:s13] =	ssyncadd.s32 $0xFFFFD800  }
0x13d: {  	[tilespmem:s14], [sflag:$0x3] =	stream.linear.gather [spmem:s8], $0x2800, $0x38;
	[tilespmem:$0x13280] =	vst v63  }
0x13e: {  	_ =	swait.ge [sflag:s13], $0x2800  }
0x13f: {  	[sflag:s13] =	ssyncset.done $0x0  }
0x140: {  	s30 =	rddreg [dreg:$0x8];
	[sflag:s13] =	ssyncadd.s32 $0xFFFFD800  }
0x141: {  	[hbm4b:s30+s4] =	stream.linear.scatter [tilespmem:s14], [sflag:$0x3], $0x2800, $0x38;
	[tilespmem:$0x13280] =	vst v63  }
0x142: {  	_ =	swait.ge [sflag:s13], $0x2800  }
0x143: {  	[sflag:s13] =	ssyncset.done $0x0  }
0x144: {  	[sflag:s13] =	ssyncadd.s32 $0xFFFFD800  }
0x145: {  	[tilespmem:s12], [sflag:$0x3] =	stream.linear.gather [spmem:s31], $0x2800, $0x38;
	[tilespmem:$0x13280] =	vst v63  }
0x146: {  	_ =	swait.ge [sflag:s13], $0x2800  }
0x147: {  	[sflag:s13] =	ssyncset.done $0x0  }
0x148: {  	s28 =	rddreg [dreg:$0x9];
	[sflag:s13] =	ssyncadd.s32 $0xFFFFD800  }
0x149: {  	[hbm4b:s28+s4] =	stream.linear.scatter [tilespmem:s12], [sflag:$0x3], $0x2800, $0x38;
	[tilespmem:$0x13280] =	vst v63  }
0x14a: {  	_ =	swait.ge [sflag:s13], $0x2800  }
0x14b: {  	[sflag:s13] =	ssyncset.done $0x0  }
0x14c: {  	[sflag:s13] =	ssyncadd.s32 $0xFFFFD800  }
0x14d: {  	[tilespmem:s14], [sflag:$0x3] =	stream.linear.gather [spmem:s0], $0x2800, $0x38;
	[tilespmem:$0x13280] =	vst v63  }
0x14e: {  	_ =	swait.ge [sflag:s13], $0x2800  }
0x14f: {  	[sflag:s13] =	ssyncset.done $0x0  }
0x150: {  	s29 =	rddreg [dreg:$0xa];
	[sflag:s13] =	ssyncadd.s32 $0xFFFFD800  }
0x151: {  	[hbm4b:s29+s4] =	stream.linear.scatter [tilespmem:s14], [sflag:$0x3], $0x2800, $0x38;
	[tilespmem:$0x13280] =	vst v63  }
0x152: {  	_ =	swait.ge [sflag:s13], $0x2800  }
0x153: {  	[sflag:s13] =	ssyncset.done $0x0  }
0x154: {  	[sflag:s13] =	ssyncadd.s32 $0xFFFFD800  }
0x155: {  	[tilespmem:s12], [sflag:$0x3] =	stream.linear.gather [spmem:s3], $0x2800, $0x38;
	[tilespmem:$0x13280] =	vst v63  }
0x156: {  	_ =	swait.ge [sflag:s13], $0x2800  }
0x157: {  	[sflag:s13] =	ssyncset.done $0x0  }
0x158: {  	s30 =	rddreg [dreg:$0xb];
	[sflag:s13] =	ssyncadd.s32 $0xFFFFD800  }
0x159: {  	[hbm4b:s30+s4] =	stream.linear.scatter [tilespmem:s12], [sflag:$0x3], $0x2800, $0x38;
	[tilespmem:$0x13280] =	vst v63  }
0x15a: {  	_ =	swait.ge [sflag:s13], $0x2800  }
0x15b: {  	[sflag:s13] =	ssyncset.done $0x0  }
0x15c: {  	[sflag:s13] =	ssyncadd.s32 $0xFFFFD800  }
0x15d: {  	[tilespmem:s14], [sflag:$0x3] =	stream.linear.gather [spmem:s6], $0x2800, $0x38;
	[tilespmem:$0x13280] =	vst v63  }
0x15e: {  	_ =	swait.ge [sflag:s13], $0x2800  }
0x15f: {  	[sflag:s13] =	ssyncset.done $0x0  }
0x160: {  	s28 =	rddreg [dreg:$0xc];
	[sflag:s13] =	ssyncadd.s32 $0xFFFFD800  }
0x161: {  	[hbm4b:s28+s4] =	stream.linear.scatter [tilespmem:s14], [sflag:$0x3], $0x2800, $0x38;
	[tilespmem:$0x13280] =	vst v63  }
0x162: {  	_ =	swait.ge [sflag:s13], $0x2800  }
0x163: {  	[sflag:s13] =	ssyncset.done $0x0  }
0x164: {  	[sflag:s13] =	ssyncadd.s32 $0xFFFFD800  }
0x165: {  	[tilespmem:s12], [sflag:$0x3] =	stream.linear.gather [spmem:s9], $0x2800, $0x38;
	[tilespmem:$0x13280] =	vst v63  }
0x166: {  	_ =	swait.ge [sflag:s13], $0x2800  }
0x167: {  	[sflag:s13] =	ssyncset.done $0x0  }
0x168: {  	s29 =	rddreg [dreg:$0xd];
	[sflag:s13] =	ssyncadd.s32 $0xFFFFD800  }
0x169: {  	[hbm4b:s29+s4] =	stream.linear.scatter [tilespmem:s12], [sflag:$0x3], $0x2800, $0x38;
	[tilespmem:$0x13280] =	vst v63  }
0x16a: {  	_ =	swait.ge [sflag:s13], $0x2800  }
0x16b: {  	[sflag:s13] =	ssyncset.done $0x0  }
0x16c: {  	[sflag:s13] =	ssyncadd.s32 $0xFFFFD800  }
0x16d: {  	[tilespmem:s14], [sflag:$0x3] =	stream.linear.gather [spmem:s10], $0x2800, $0x38;
	[tilespmem:$0x13280] =	vst v63  }
0x16e: {  	s25 =	sadd.s32 $0x1, s25;
	_ =	swait.ge [sflag:s13], $0x2800  }
0x16f: {  	p0 =	sne.s32 s25, s11;
	[sflag:s13] =	ssyncset.done $0x0  }
.Ltmp3:
0x170: {  	s30 =	rddreg [dreg:$0xe];
	[sflag:s13] =	ssyncadd.s32 $0xFFFFD800;
	(pc) =	sbr.rel @p0 .LBB2_1-.Ltmp3, $4  }
0x171: {  	[hbm4b:s30+s4] =	stream.linear.scatter [tilespmem:s14], [sflag:$0x3], $0x2800, $0x38;
	[tilespmem:$0x13280] =	vst v63  }
0x172: {  	_ =	swait.ge [sflag:s13], $0x2800  }
0x173: {  	[sflag:s13] =	ssyncset.done $0x0  }
0x174: {  	[sflag:s13] =	ssyncadd.s32 $0xFFFFD800  }
0x175: {  	_ =	sfence.sel $0x180000  }
0x176: {  	[bflag:$0x0] =	sbarrier.arrive $0xFFFF  }
0x177: {  	_ =	strace $0x9000004A  }
0x178: {  	s0 =	stileid.u32;
	[bflag:$0x2] =	sbarrier.arrive $0xFFFF  }
0x179: {  	p0 =	sne.s32 s0, $0x0;
	s0 =	rddreg [dreg:$0x3]  }
0x17a: {  	s0 =	sadd.s32 @!p0 $0x100000, s0  }
0x17b: {  	[sflag:s0] =	ssyncadd.tile.s32 @!p0 $0x1;
	_ =	shalt  }
.Lfunc_end2:
_tile_overlayer_lowered:
.L_overlay_start_2:
0x17c: {  	(tag) =	ssettag $0x2  }
0x17d: {  	s0 =	rddreg [dreg:$0x0];
	s2 =	stileid.u32  }
0x17e: {  	s1 =	rddreg [dreg:$0x1];
	p0 =	sne.s32 s2, $0x0  }
0x17f: {  	s3 =	rddreg [dreg:$0x2];
	[bflag:$0x3] =	sbarrier.arrive $0xFFFF;
	s2 =	simm.s32 @!p0 $0x1C03  }
0x180: {  	[timem:s3], [sflag:s2] =	dma.local @!p0 [hbm:s0], s1  }
0x181: {  	s0 =	simm.s32 @!p0 $0x3  }
0x182: {  	_ =	swait.ge @!p0 [sflag:s0], s1  }
0x183: {  	s1 =	ssub.s32 @!p0 $0x0, s1;
	[sflag:s0] =	ssyncset.done @!p0 $0x0  }
0x184: {  	[sflag:s0] =	ssyncadd.s32 @!p0 s1  }
0x185: {  	[bflag:$0x3] =	sbarrier.arrive $0xFFFF  }
0x186: {  	_ =	shalt  }

// kernel: kernel.7.cloned.1.call-start
scs
__scs_entry_jumppad:
0x0: {  	(pc) =	sbr.rel $0x88, $3  }
0x1: {  	(tag) =	ssettag $0x0;
	lr =	simm.s32 $0x1  }
0x2: {  	[smem:$0x3F8A] =	sst lr;
	_ =	strace $0xD0000000  }
0x3: {  	_ = 	snop  }
0x4: {  	_ = 	snop  }
0x5: {  	_ = 	snop  }
0x6: {  	_ = 	snop  }
0x7: {  	_ = 	snop  }
__scs_overlays_trampoline_lowered:
0x8: {  	[smem:$0x3F99] =	sst s0  }
0x9: {  	[smem:$0x3F9A] =	sst s1  }
0xa: {  	[smem:$0x3F9B] =	sst s2  }
0xb: {  	[smem:$0x3F9C] =	sst s3  }
0xc: {  	[smem:$0x3F9D] =	sst s4  }
0xd: {  	[smem:$0x3F9E] =	sst s5  }
0xe: {  	[smem:$0x3F9F] =	sst s6  }
0xf: {  	[smem:$0x3FA0] =	sst s7  }
0x10: {  	[smem:$0x3FA1] =	sst s8  }
0x11: {  	[smem:$0x3FA2] =	sst s9;
	s0 =	simm.s32 @!p0 $0x0  }
0x12: {  	s1 =	sld [smem:$0x3F88];
	s0 =	simm.s32 @p0 $0x1  }
0x13: {  	[smem:$0x3FA3] =	sst s0;
	s0 =	simm.s32 @!p1 $0x0  }
0x14: {  	s2 =	sld [smem:$0x3F87];
	s0 =	simm.s32 @p1 $0x1  }
0x15: {  	[smem:$0x3FA4] =	sst s0;
	s0 =	simm.s32 @!p2 $0x0  }
0x16: {  	s3 =	sld [smem:$0x3FDB];
	s0 =	simm.s32 @p2 $0x1  }
0x17: {  	s4 =	simm.s32 $0x1BF5;
	[smem:$0x3FA6] =	sst s0  }
0x18: {  	s0 =	sld [smem:$0x3F89];
	_ =	swait.ge [sflag:s4], $0x0  }
0x19: {  	s7 =	sld [smem:$0x3F8A]  }
0x1a: {  	s8 =	sadd.s32 $0xFFFFE003, lr  }
0x1b: {  	s9 =	sadd.s32 $0xFFFFFEF7, lr;
	s5 =	simm.s32 $0xFFFFFFFF;
	p2 =	slt.u32 s8, $0xFFFFF086  }
0x1c: {  	p1 =	slt.u32 s9, $0xF7A;
	s5 =	simm.s32 @!p2 $0x0  }
0x1d: {  	s5 =	simm.s32 @p1 $0x1;
	p0 =	seq.s32 s7, s2  }
0x1e: {  	s7 =	smul.u32 @!p0 $0xF7A, s2;
	p2 =	seq.s32 @!p0 s5, $0x0  }
0x1f: {  	s9 =	smul.u32 $0xF7A, s1;
	s8 =	simm.s32 @!p0 $0x1BF5;
	p2 =	por !p2, p0  }
0x20: {  	[sflag:s8] =	ssyncset.s32 @!p0 $0xFFFFF086;
	s6 =	sadd.s32 @!p0 s3, s7;
	s7 =	simm.s32 @!p0 $0x108  }
0x21: {  	s3 =	sadd.s32 s3, s9;
	s6 =	sadd.s32 @!p0 $0x88, s6;
	s7 =	simm.s32 @p2 $0x1082  }
0x22: {  	[simem:s7], [sflag:s8] =	dma.local @!p0 [hbm:s6], $0xF7A  }
0x23: {  	s9 =	sor.u32 $0xD0000000, s2;
	s6 =	simm.s32 $0x108;
	_ =	swait.ge @!p0 [sflag:s8], $0x0  }
0x24: {  	s3 =	sadd.s32 $0x88, s3;
	s6 =	simm.s32 @!p1 $0x1082;
	[sflag:s4] =	ssyncset.s32 $0xFFFFF086  }
0x25: {  	[simem:s6], [sflag:s4] =	dma.local [hbm:s3], $0xF7A  }
0x26: {  	[smem:$0x3F8A] =	sst s1;
	(tag) =	ssettag s2;
	_ =	strace s9  }
0x27: {  	s1 =	sld [smem:$0x3F9A]  }
0x28: {  	s2 =	sld [smem:$0x3F9B]  }
0x29: {  	s4 =	sld [smem:$0x3F9D]  }
0x2a: {  	p0 =	seq.s32 s5, $0x0;
	s5 =	sld [smem:$0x3F9E]  }
0x2b: {  	s6 =	sld [smem:$0x3F9F]  }
0x2c: {  	s7 =	sld [smem:$0x3FA0]  }
0x2d: {  	s3 =	simm.s32 $0x108;
	s8 =	sld [smem:$0x3FA1]  }
0x2e: {  	s3 =	simm.s32 @!p0 $0x1082;
	s9 =	sld [smem:$0x3FA2]  }
0x2f: {  	lr =	sadd.s32 s0, s3;
	s0 =	sld [smem:$0x3F99]  }
0x30: {  	s3 =	sld [smem:$0x3F9C]  }
0x31: {  	[smem:$0x3FA5] =	sst s10  }
0x32: {  	s10 =	sld [smem:$0x3FA3];
	_ =	sdelay $0x3  }
0x33: {  	p0 =	seq.s32 s10, $0x1;
	s10 =	sld [smem:$0x3FA5];
	_ =	sdelay $0x3  }
0x34: {  	[smem:$0x3FA5] =	sst s10  }
0x35: {  	s10 =	sld [smem:$0x3FA4];
	_ =	sdelay $0x3  }
0x36: {  	p1 =	seq.s32 s10, $0x1;
	s10 =	sld [smem:$0x3FA5];
	_ =	sdelay $0x3  }
0x37: {  	[smem:$0x3FA5] =	sst s10  }
0x38: {  	s10 =	sld [smem:$0x3FA6]  }
0x39: {  	_ = 	snop;
	(pc) =	sbr.ind lr, $3  }
0x3a: {  	_ = 	snop  }
0x3b: {  	_ = 	snop  }
0x3c: {  	p2 =	seq.s32 s10, $0x1;
	s10 =	sld [smem:$0x3FA5]  }
0x3d: {  	_ =	shalt  }
0x3e: {  	_ =	shalt  }
0x3f: {  	_ =	shalt  }
0x40: {  	_ =	shalt  }
0x41: {  	_ =	shalt  }
0x42: {  	_ =	shalt  }
0x43: {  	_ =	shalt  }
0x44: {  	_ =	shalt  }
0x45: {  	_ =	shalt  }
0x46: {  	_ =	shalt  }
0x47: {  	_ =	shalt  }
0x48: {  	_ =	shalt  }
0x49: {  	_ =	shalt  }
0x4a: {  	_ =	shalt  }
0x4b: {  	_ =	shalt  }
0x4c: {  	_ =	shalt  }
0x4d: {  	_ =	shalt  }
0x4e: {  	_ =	shalt  }
0x4f: {  	_ =	shalt  }
0x50: {  	_ =	shalt  }
0x51: {  	_ =	shalt  }
0x52: {  	_ =	shalt  }
0x53: {  	_ =	shalt  }
0x54: {  	_ =	shalt  }
0x55: {  	_ =	shalt  }
0x56: {  	_ =	shalt  }
0x57: {  	_ =	shalt  }
0x58: {  	_ =	shalt  }
0x59: {  	_ =	shalt  }
0x5a: {  	_ =	shalt  }
0x5b: {  	_ =	shalt  }
0x5c: {  	_ =	shalt  }
0x5d: {  	_ =	shalt  }
0x5e: {  	_ =	shalt  }
0x5f: {  	_ =	shalt  }
0x60: {  	_ =	shalt  }
0x61: {  	_ =	shalt  }
0x62: {  	_ =	shalt  }
0x63: {  	_ =	shalt  }
0x64: {  	_ =	shalt  }
0x65: {  	_ =	shalt  }
0x66: {  	_ =	shalt  }
0x67: {  	_ =	shalt  }
0x68: {  	_ =	shalt  }
0x69: {  	_ =	shalt  }
0x6a: {  	_ =	shalt  }
0x6b: {  	_ =	shalt  }
0x6c: {  	_ =	shalt  }
0x6d: {  	_ =	shalt  }
0x6e: {  	_ =	shalt  }
0x6f: {  	_ =	shalt  }
0x70: {  	_ =	shalt  }
0x71: {  	_ =	shalt  }
0x72: {  	_ =	shalt  }
0x73: {  	_ =	shalt  }
0x74: {  	_ =	shalt  }
0x75: {  	_ =	shalt  }
0x76: {  	_ =	shalt  }
0x77: {  	_ =	shalt  }
0x78: {  	_ =	shalt  }
0x79: {  	_ =	shalt  }
0x7a: {  	_ =	shalt  }
0x7b: {  	_ =	shalt  }
0x7c: {  	_ =	shalt  }
0x7d: {  	_ =	shalt  }
0x7e: {  	_ =	shalt  }
0x7f: {  	_ =	shalt  }
0x80: {  	_ =	shalt  }
0x81: {  	_ =	shalt  }
0x82: {  	_ =	shalt  }
0x83: {  	_ =	shalt  }
0x84: {  	_ =	shalt  }
0x85: {  	_ =	shalt  }
0x86: {  	_ =	shalt  }
0x87: {  	_ =	shalt  }
.Lfunc_end0:
.L_simem_size_0:
called_computation_lowered:
.L_overlay_start_0:
0x88: {  	s2 =	sld [smem:$0x3FD9]  }
0x89: {  	s3 =	sld [smem:$0x3FFE];
	_ =	sdelay $0x1  }
0x8a: {  	s1 =	srdreg.scid  }
0x8b: {  	s0 =	sand.u32 $0x1, s1  }
0x8c: {  	s16 =	sshll.u32 s0, $0xA;
	s2 =	sadd.s32 s3, s2  }
0x8d: {  	s2 =	sadd.s32 s2, s16  }
0x8e: {  	[smem:$0x3FB1] =	sst s2  }
0x8f: {  	_ = 	snop  }
0x90: {  	(tm) =	ssettm $0x1  }
0x91: {  	s17 =	sld [smem:$0x3FFB];
	_ =	sdelay $0x3  }
0x92: {  	_ =	strace s17  }
0x93: {  	s2 =	sld [smem:$0x3FFC];
	_ =	sdelay $0x3  }
0x94: {  	_ =	strace s2  }
0x95: {  	s2 =	sld [smem:$0x3FFD];
	_ =	sdelay $0x3  }
0x96: {  	_ =	strace s2  }
0x97: {  	_ =	strace $0x8FFFFFFF  }
0x98: {  	s18 =	sld [smem:$0x3FDB];
	_ =	sdelay $0x1  }
0x99: {  	s19 =	simm.s32 $_scs_section_size  }
0x9a: {  	s4 =	simm.s32 $_size__tile_overlayer_lowered;
	s5 =	simm.s32 $_tile_overlayer_lowered  }
0x9b: {  	s22 =	simm.s32 $0x1BFF;
	s21 =	sshll.u32 s5, $0x1;
	s2 =	sadd.s32 s19, s18  }
0x9c: {  	s6 =	simm.s32 $0x0;
	s20 =	sshll.u32 s4, $0x1;
	s4 =	sadd.s32 s21, s2  }
0x9d: {  	[timem:s6], [sflag:s22] =	dma.local [hbm:s4], s20  }
0x9e: {  	_ =	swait.ge [sflag:s22], s20  }
0x9f: {  	s3 =	ssub.s32 $0x0, s20;
	[sflag:s22] =	ssyncset.done $0x0  }
0xa0: {  	[sflag:s22] =	ssyncadd.s32 s3;
	_ =	sdelay $0x1  }
0xa1: {  	s23 =	simm.s32 $0x1B8B  }
0xa2: {  	_ =	swait.ge [sflag:s23], $0x1  }
0xa3: {  	[sflag:s23] =	ssyncset.done $0x0  }
0xa4: {  	s25 =	simm.s32 $0x1B8E;
	s24 =	sld [smem:$0x3FFE];
	[sflag:s23] =	ssyncadd.s32 $0xFFFFFFFF  }
0xa5: {  	s26 =	simm.s32 $execute0_lowered;
	[smem:$0x3FD2] =	sst s25  }
0xa6: {  	s4 =	sshll.u32 s26, $0x1;
	_ =	strace $0x80000046;
	[dreg:$0x1] =	wrdreg $0xFFFFFFFF  }
0xa7: {  	s28 =	simm.s32 $_size_execute0_lowered;
	s2 =	sadd.s32 s2, s4;
	[dreg:$0x0] =	wrdreg $0x0  }
0xa8: {  	s4 =	sshll.u32 s28, $0x1;
	[dreg:$0x2] =	wrdreg s2  }
0xa9: {  	[dreg:$0x3] =	wrdreg s4  }
0xaa: {  	[dreg:$0x4] =	wrdreg $0xC0  }
0xab: {  	_ =	task [dreg:s6], $0x5FFFF  }
0xac: {  	[dreg:$0x1] =	wrdreg $0xFFFFFFFF  }
0xad: {  	[dreg:$0x0] =	wrdreg $0x60  }
0xae: {  	[dreg:$0x2] =	wrdreg s24  }
0xaf: {  	[dreg:$0x3] =	wrdreg $0x0  }
0xb0: {  	[dreg:$0x4] =	wrdreg $0xA4000  }
0xb1: {  	[dreg:$0x5] =	wrdreg $0x9  }
0xb2: {  	_ =	task.clear_ibuf [dreg:s6], $0x6FFFF;
	_ =	strace $0x90000046  }
0xb3: {  	s29 =	simm.s32 $0x9;
	_ =	strace $0x80000048  }
0xb4: {  	_ =	swait.ge [sflag:s29], $0x1  }
0xb5: {  	[sflag:s29] =	ssyncadd.s32 $0xFFFFFFFF  }
0xb6: {  	_ =	strace $0x90000048  }
0xb7: {  	_ =	sfence  }
0xb8: {  	s30 =	sld [smem:$0x0];
	_ =	sdelay $0x2  }
0xb9: {  	s31 =	sshll.u32 s1, $0xD;
	s1 =	sshrl.u32 s1, $0x2  }
0xba: {  	s3 =	sand.u32 $0x4000, s31;
	s1 =	sadd.s32 s1, s30  }
0xbb: {  	s0 =	sor.u32 s3, s0;
	s1 =	sshll.u32 s1, $0x11  }
0xbc: {  	s0 =	sor.u32 s1, s0  }
0xbd: {  	s0 =	sadd.s32 $0x8F2B, s0  }
0xbe: {  	[sflag:s0] =	ssyncadd.remote.s32 $0x1  }
0xbf: {  	_ =	sfence.sel $0xFFFF  }
0xc0: {  	[dreg:$0x0] =	wrdreg $0xFFFFFFFF;
	(pc) =	sbr.abs _section_cstart, $3  }
0xc1: {  	[dreg:$0x1] =	wrdreg $0xFFFFFFFF  }
0xc2: {  	_ =	task.clear_ibuf [dreg:s6], $0x2FFFF;
	_ =	strace $0x9FFFFFFF  }
0xc3: {  	(tm) =	ssettm $0x7FFFFFFF  }
tec
execute0_lowered:
.L_overlay_start_1:
0x0: {  	(tag) =	ssettag $0x1  }
0x1: {  	s0 =	rddreg [dreg:$0x0]  }
0x2: {  	s1 =	rddreg [dreg:$0x1]  }
0x3: {  	s2 =	rddreg [dreg:$0x2]  }
0x4: {  	s4 =	simm.s32 $0x0;
	s3 =	srdreg.scid;
	s15 =	stileid.u32  }
0x5: {  	[smem:$0x7FF] =	sst s4;
	s6 =	smul.u32 $0xA400, s15  }
0x6: {  	s3 =	sand.u32 $0x1, s3;
	s5 =	sadd.s32 $0x18600, s0;
	s9 =	smul.u32 $0x4E20, s15  }
0x7: {  	s7 =	sadd.s32 $0xE800, s0;
	s8 =	sadd.s32 $0x4A00, s0;
	s12 =	smul.u32 $0x140, s15  }
0x8: {  	s10 =	sadd.s32 $0x3F800, s0;
	s0 =	sadd.s32 $0x67800, s0;
	s30 =	smul.u32 $0x9C4, s15  }
0x9: {  	_ =	strace $0x80000047;
	s23 =	smul.u32 $0x1400, s3;
	s3 =	ssub.s32 $0x2, s3  }
0xa: {  	s11 =	sshrl.u32 s3, $0x1;
	s18 =	sadd.s32 $0x2800, s6;
	s9 =	sshrl.u32 s9, $0x3  }
0xb: {  	s19 =	sadd.s32 s30, s8;
	s17 =	sadd.s32 s6, s1;
	s11 =	ssub.s32 s3, s11  }
0xc: {  	s13 =	sadd.s32 s18, s1;
	s12 =	sadd.s32 s12, s23;
	s20 =	sadd.s32 s7, s9  }
0xd: {  	s21 =	sadd.s32 s8, s9;
	s9 =	sadd.s32 $0x9BA, s9;
	[dreg:$0x14] =	wrdreg s17  }
0xe: {  	s3 =	sadd.s32 s18, s2;
	s18 =	sadd.s32 $0x7800, s6;
	[dreg:$0x4] =	wrdreg s13  }
0xf: {  	s17 =	simm.s32 $0x50;
	v0 =	vmov s23;
	s23 =	simm.s32 $0xE280;
	[dreg:$0x5] =	wrdreg s20  }
0x10: {  	[dreg:$0x6] =	wrdreg s21;
	s12 =	sshll.u32 s12, $0x4;
	s20 =	sadd.s32 s30, s7  }
0x11: {  	[dreg:$0x11] =	wrdreg s3;
	s21 =	smul.u32 $0xA000, s15;
	s22 =	sadd.s32 s10, s12  }
0x12: {  	s24 =	sadd.s32 $0x500, s12;
	s14 =	sadd.s32 s0, s12;
	[dreg:$0x7] =	wrdreg s22  }
0x13: {  	s11 =	smax.u32 s11, $0x1;
	[dreg:$0x8] =	wrdreg s14;
	s25 =	sadd.s32 s10, s24  }
0x14: {  	s26 =	sadd.s32 $0xA00, s12;
	s13 =	sadd.s32 s0, s24;
	[dreg:$0x9] =	wrdreg s25  }
0x15: {  	s15 =	simm.s32 $0xB880;
	s28 =	sadd.s32 s10, s26;
	[dreg:$0xa] =	wrdreg s13  }
0x16: {  	s12 =	sadd.s32 $0xF00, s12;
	s29 =	sadd.s32 s0, s26;
	[dreg:$0xb] =	wrdreg s28  }
0x17: {  	s10 =	sadd.s32 s10, s12;
	s0 =	sadd.s32 s0, s12;
	[dreg:$0xc] =	wrdreg s29  }
0x18: {  	s12 =	sadd.s32 s7, s9;
	s14 =	sadd.s32 $0x5000, s6;
	[dreg:$0xd] =	wrdreg s10  }
0x19: {  	s22 =	sadd.s32 s6, s2;
	s24 =	sadd.s32 $0xA000, s6;
	[dreg:$0xe] =	wrdreg s0  }
0x1a: {  	s7 =	sadd.s32 s21, s1;
	s30 =	sadd.s32 $0x7800, s21;
	[dreg:$0xf] =	wrdreg s12  }
0x1b: {  	s13 =	sadd.s32 s8, s9;
	s16 =	sadd.s32 s14, s1;
	s0 =	sadd.s32 s14, s2  }
0x1c: {  	[dreg:$0x15] =	wrdreg s22;
	s25 =	sadd.s32 s18, s1;
	s26 =	sadd.s32 s24, s1  }
0x1d: {  	s28 =	sadd.s32 $0x2800, s21;
	s3 =	sadd.s32 s24, s2;
	[dreg:$0x10] =	wrdreg s13  }
0x1e: {  	s29 =	sadd.s32 $0x5000, s21;
	s8 =	sadd.s32 s21, s2;
	[dreg:$0x12] =	wrdreg s16  }
0x1f: {  	s9 =	sadd.s32 s30, s1;
	s10 =	sadd.s32 s30, s2;
	[dreg:$0x13] =	wrdreg s0  }
0x20: {  	s12 =	simm.s32 $0xB980;
	s14 =	simm.s32 $0x10A80;
	[dreg:$0x16] =	wrdreg s25  }
0x21: {  	s21 =	simm.s32 $0xE200;
	s22 =	simm.s32 $0x1;
	[dreg:$0x18] =	wrdreg s26  }
0x22: {  	s24 =	simm.s32 $0x2;
	s0 =	sadd.s32 s18, s2;
	[dreg:$0x19] =	wrdreg s3  }
0x23: {  	s31 =	sadd.s32 s28, s1;
	s3 =	sadd.s32 s29, s1;
	s6 =	sadd.s32 s29, s2  }
0x24: {  	s13 =	simm.s32 $0x3;
	s16 =	simm.s32 $0xB900;
	s18 =	simm.s32 $0xE180  }
0x25: {  	v1 =	vimm.f32 $0.0e+00;
	v2 =	vimm.f32 $1.000000000e+00;
	s25 =	simm.s32 $0x0;
	[dreg:$0x17] =	wrdreg s0;
	s0 =	sadd.s32 s28, s2  }
.LBB2_1:
0x26: {  	s26 =	simm.s32 $0x0;
	s28 =	simm.s32 $0x200  }
.LBB2_2:
0x27: {  	p0 =	sne.s32 s28, $0x9E00;
	[tilespmem:s26+$0x10A80] =	vst v1  }
0x28: {  	[tilespmem:s26+$0xB980] =	vst v1  }
0x29: {  	[tilespmem:s26+$0xB990] =	vst v1  }
0x2a: {  	[tilespmem:s26+$0xB9A0] =	vst v1  }
.Ltmp0:
0x2b: {  	[tilespmem:s26+$0xB9B0] =	vst v1;
	(pc) =	sbr.rel @p0 .LBB2_2-.Ltmp0, $4  }
0x2c: {  	[tilespmem:s26+$0xB9C0] =	vst v1  }
0x2d: {  	[tilespmem:s26+$0xB9D0] =	vst v1  }
0x2e: {  	[tilespmem:s26+$0xB9E0] =	vst v1  }
0x2f: {  	[tilespmem:s26+$0xB9F0] =	vst v1;
	s26 =	sshra.s32 s28, $0x2;
	s28 =	sadd.s32 $0x200, s28  }
0x30: {  	[tilespmem:s26+$0x10A80] =	vst v1  }
0x31: {  	[tilespmem:s26+$0xB980] =	vst v1  }
0x32: {  	[tilespmem:s26+$0xB990] =	vst v1  }
0x33: {  	[tilespmem:s26+$0xB9A0] =	vst v1  }
0x34: {  	[tilespmem:s26+$0xB9B0] =	vst v1  }
0x35: {  	[tilespmem:s26+$0xB9C0] =	vst v1  }
0x36: {  	[tilespmem:s26+$0xB9D0] =	vst v1  }
0x37: {  	[tilespmem:s26+$0xB9E0] =	vst v1  }
0x38: {  	[tilespmem:s26+$0xB9F0] =	vst v1;
	s29 =	rddreg [dreg:$0x14]  }
0x39: {  	[spmem:s29] =	stream.linear.scatter [tilespmem:s12], [sflag:$0x3], $0x2800, $0x38;
	[tilespmem:$0x13280] =	vst v63  }
0x3a: {  	_ =	swait.ge [sflag:s13], $0x2800  }
0x3b: {  	[sflag:s13] =	ssyncset.done $0x0  }
0x3c: {  	s30 =	rddreg [dreg:$0x15];
	[sflag:s13] =	ssyncadd.s32 $0xFFFFD800  }
0x3d: {  	[spmem:s30] =	stream.linear.scatter [tilespmem:s14], [sflag:$0x3], $0x2800, $0x38;
	[tilespmem:$0x13280] =	vst v63  }
0x3e: {  	_ =	swait.ge [sflag:s13], $0x2800  }
0x3f: {  	[sflag:s13] =	ssyncset.done $0x0  }
0x40: {  	s29 =	rddreg [dreg:$0x4];
	[sflag:s13] =	ssyncadd.s32 $0xFFFFD800  }
0x41: {  	[spmem:s29] =	stream.linear.scatter [tilespmem:s12], [sflag:$0x3], $0x2800, $0x38;
	[tilespmem:$0x13280] =	vst v63  }
0x42: {  	_ =	swait.ge [sflag:s13], $0x2800  }
0x43: {  	[sflag:s13] =	ssyncset.done $0x0  }
0x44: {  	s30 =	rddreg [dreg:$0x11];
	[sflag:s13] =	ssyncadd.s32 $0xFFFFD800  }
0x45: {  	[spmem:s30] =	stream.linear.scatter [tilespmem:s14], [sflag:$0x3], $0x2800, $0x38;
	[tilespmem:$0x13280] =	vst v63  }
0x46: {  	_ =	swait.ge [sflag:s13], $0x2800  }
0x47: {  	[sflag:s13] =	ssyncset.done $0x0  }
0x48: {  	s29 =	rddreg [dreg:$0x12];
	[sflag:s13] =	ssyncadd.s32 $0xFFFFD800  }
0x49: {  	[spmem:s29] =	stream.linear.scatter [tilespmem:s12], [sflag:$0x3], $0x2800, $0x38;
	[tilespmem:$0x13280] =	vst v63  }
0x4a: {  	_ =	swait.ge [sflag:s13], $0x2800  }
0x4b: {  	[sflag:s13] =	ssyncset.done $0x0  }
0x4c: {  	s30 =	rddreg [dreg:$0x13];
	[sflag:s13] =	ssyncadd.s32 $0xFFFFD800  }
0x4d: {  	[spmem:s30] =	stream.linear.scatter [tilespmem:s14], [sflag:$0x3], $0x2800, $0x38;
	[tilespmem:$0x13280] =	vst v63  }
0x4e: {  	_ =	swait.ge [sflag:s13], $0x2800  }
0x4f: {  	[sflag:s13] =	ssyncset.done $0x0  }
0x50: {  	s29 =	rddreg [dreg:$0x16];
	[sflag:s13] =	ssyncadd.s32 $0xFFFFD800  }
0x51: {  	[spmem:s29] =	stream.linear.scatter [tilespmem:s12], [sflag:$0x3], $0x2800, $0x38;
	[tilespmem:$0x13280] =	vst v63  }
0x52: {  	_ =	swait.ge [sflag:s13], $0x2800  }
0x53: {  	[sflag:s13] =	ssyncset.done $0x0  }
0x54: {  	s30 =	rddreg [dreg:$0x17];
	[sflag:s13] =	ssyncadd.s32 $0xFFFFD800  }
0x55: {  	[spmem:s30] =	stream.linear.scatter [tilespmem:s14], [sflag:$0x3], $0x2800, $0x38;
	[tilespmem:$0x13280] =	vst v63  }
0x56: {  	_ =	swait.ge [sflag:s13], $0x2800  }
0x57: {  	[sflag:s13] =	ssyncset.done $0x0  }
0x58: {  	s29 =	rddreg [dreg:$0x18];
	[sflag:s13] =	ssyncadd.s32 $0xFFFFD800  }
0x59: {  	[spmem:s29] =	stream.linear.scatter [tilespmem:s12], [sflag:$0x3], $0x400, $0x38;
	[tilespmem:$0x13280] =	vst v63  }
0x5a: {  	_ =	swait.ge [sflag:s13], $0x400  }
0x5b: {  	[sflag:s13] =	ssyncset.done $0x0  }
0x5c: {  	s30 =	rddreg [dreg:$0x19];
	[sflag:s13] =	ssyncadd.s32 $0xFFFFFC00  }
0x5d: {  	[spmem:s30] =	stream.linear.scatter [tilespmem:s14], [sflag:$0x3], $0x400, $0x38;
	[tilespmem:$0x13280] =	vst v63  }
0x5e: {  	_ =	swait.ge [sflag:s13], $0x400  }
0x5f: {  	[sflag:s13] =	ssyncset.done $0x0  }
0x60: {  	s26 =	simm.s32 $0x200;
	s28 =	simm.s32 $0x0;
	[sflag:s13] =	ssyncadd.s32 $0xFFFFFC00  }
.LBB2_4:
0x61: {  	p0 =	sne.s32 s26, $0x9E00;
	[tilespmem:s28+$0x10A80] =	vst v2;
	s28 =	smov.u32 s26;
	s26 =	sadd.s32 $0x200, s26  }
.Ltmp1:
0x62: {  	(pc) =	sbr.rel @p0 .LBB2_4-.Ltmp1, $2  }
0x63: {  	_ =	sdelay $0x2  }
0x64: {  	s28 =	sshra.s32 s28, $0x2  }
0x65: {  	[tilespmem:s28+$0x10A80] =	vst v2  }
0x66: {  	[bflag:$0x0] =	sbarrier.arrive $0xFFFF  }
0x67: {  	s26 =	rddreg [dreg:$0x5]  }
0x68: {  	[tilespmem:s15], [sflag:$0x3] =	stream.linear.gather [hbm4b:s26+s4], $0x50, $0x38;
	[tilespmem:$0x13280] =	vst v63  }
0x69: {  	_ =	swait.ge [sflag:s13], $0x50  }
0x6a: {  	[sflag:s13] =	ssyncset.done $0x0  }
0x6b: {  	s28 =	rddreg [dreg:$0x6];
	[sflag:s13] =	ssyncadd.s32 $0xFFFFFFB0  }
0x6c: {  	[tilespmem:s16], [sflag:$0x3] =	stream.linear.gather [hbm4b:s28+s4], $0x50, $0x38;
	[tilespmem:$0x13280] =	vst v63  }
0x6d: {  	_ =	swait.ge [sflag:s13], $0x50  }
0x6e: {  	[sflag:s13] =	ssyncset.done $0x0  }
0x6f: {  	s26 =	sadd.s32 $0xFFFFF650, s20;
	[sflag:s13] =	ssyncadd.s32 $0xFFFFFFB0  }
0x70: {  	[tilespmem:s12], [sflag:$0x1] =	stream.indirect.gather [hbm4b:s5+s17], $0x80, s15, s17, $0xb8;
	[tilespmem:$0x13280] =	vst v63  }
0x71: {  	s29 =	sadd.s32 $0x9BA, s26  }
0x72: {  	[tilespmem:s18], [sflag:$0x3] =	stream.linear.gather [hbm4b:s29+s4], $0x50, $0x38;
	[tilespmem:$0x13280] =	vst v63  }
0x73: {  	_ =	swait.ge [sflag:s13], $0x50  }
0x74: {  	s30 =	sadd.s32 $0xFFFFF650, s19;
	[sflag:s13] =	ssyncset.done $0x0  }
0x75: {  	s29 =	sadd.s32 $0x9BA, s30;
	[sflag:s13] =	ssyncadd.s32 $0xFFFFFFB0  }
0x76: {  	[tilespmem:s21], [sflag:$0x3] =	stream.linear.gather [hbm4b:s29+s4], $0x50, $0x38;
	[tilespmem:$0x13280] =	vst v63  }
0x77: {  	_ =	swait.ge [sflag:s13], $0x50  }
0x78: {  	[sflag:s13] =	ssyncset.done $0x0  }
0x79: {  	[sflag:s13] =	ssyncadd.s32 $0xFFFFFFB0  }
0x7a: {  	v3 =	vld [tilespmem:$0xB930]  }
0x7b: {  	v5 =	vld [tilespmem:$0xB910]  }
0x7c: {  	v4 =	vld [tilespmem:$0xB940]  }
0x7d: {  	v7 =	vld [tilespmem:$0xB900]  }
0x7e: {  	v6 =	vld [tilespmem:$0xB920]  }
0x7f: {  	v3 =	vsub.s32 v3, v0  }
0x80: {  	v5 =	vsub.s32 v5, v0;
	vm0 =	vlt.u32 v3, $0x1400  }
0x81: {  	v4 =	vsub.s32 v4, v0;
	vm1 =	vlt.u32 v5, $0x1400;
	v3 =	vnsel vm0, $0x1407, v3  }
0x82: {  	v63 =	vsub.s32 v7, v0;
	vm13 =	vlt.u32 v4, $0x1400;
	v5 =	vnsel vm1, $0x1407, v5;
	[tilespmem:$0xB930] =	vst v3  }
0x83: {  	v6 =	vsub.s32 v6, v0;
	vm15 =	vlt.u32 v63, $0x1400;
	v3 =	vnsel vm13, $0x1407, v4;
	[tilespmem:$0xB910] =	vst v5  }
0x84: {  	vm14 =	vlt.u32 v6, $0x1400;
	v4 =	vnsel vm15, $0x1407, v63;
	[tilespmem:$0xB940] =	vst v3  }
0x85: {  	v3 =	vnsel vm14, $0x1407, v6;
	[tilespmem:$0xB900] =	vst v4  }
0x86: {  	[tilespmem:$0xB920] =	vst v3  }
0x87: {  	_ =	swait.ge [sflag:s22], $0x2800  }
0x88: {  	[sflag:s22] =	ssyncset.done $0x0  }
0x89: {  	[sflag:s22] =	ssyncadd.s32 $0xFFFFD800  }
0x8a: {  	[tilespmem:s23], [sflag:$0x2] =	stream.indirect.gather [hbm4b:s5+s17], $0x80, s18, s17, $0xb8;
	[tilespmem:$0x13280] =	vst v63  }
0x8b: {  	_ = 	snop  }
0x8c: {  	[spmem:s1] =	stream.indirect.scatter.add.f32 [tilespmem:s12], [sflag:$0x3], $0x80, s16, s17, $0xb8;
	[tilespmem:$0x13280] =	vst v63  }
0x8d: {  	_ =	swait.ge [sflag:s13], $0x2800  }
0x8e: {  	[sflag:s13] =	ssyncset.done $0x0  }
0x8f: {  	[sflag:s13] =	ssyncadd.s32 $0xFFFFD800  }
0x90: {  	[spmem:s2] =	stream.indirect.scatter.add.f32 [tilespmem:s14], [sflag:$0x3], $0x10, s16, s17, $0xb8;
	[tilespmem:$0x13280] =	vst v63  }
0x91: {  	_ =	swait.ge [sflag:s13], $0x500  }
0x92: {  	[sflag:s13] =	ssyncset.done $0x0  }
0x93: {  	s26 =	sadd.s32 $0x9C4, s26;
	[sflag:s13] =	ssyncadd.s32 $0xFFFFFB00  }
0x94: {  	[tilespmem:s15], [sflag:$0x3] =	stream.linear.gather [hbm4b:s26+s4], $0x50, $0x38;
	[tilespmem:$0x13280] =	vst v63  }
0x95: {  	_ =	swait.ge [sflag:s13], $0x50  }
0x96: {  	[sflag:s13] =	ssyncset.done $0x0  }
0x97: {  	s30 =	sadd.s32 $0x9C4, s30;
	[sflag:s13] =	ssyncadd.s32 $0xFFFFFFB0  }
0x98: {  	[tilespmem:s16], [sflag:$0x3] =	stream.linear.gather [hbm4b:s30+s4], $0x50, $0x38;
	[tilespmem:$0x13280] =	vst v63  }
0x99: {  	_ =	swait.ge [sflag:s13], $0x50  }
0x9a: {  	[sflag:s13] =	ssyncset.done $0x0  }
0x9b: {  	s26 =	simm.s32 $0xFFFFF664;
	[sflag:s13] =	ssyncadd.s32 $0xFFFFFFB0  }
.LBB2_6:
0x9c: {  	p0 =	sne.s32 s26, $0xFFFFFFEC;
	v3 =	vld [tilespmem:$0xE240];
	s29 =	smov.u32 s26;
	s26 =	sadd.s32 $0x14, s26  }
0x9d: {  	v4 =	vld [tilespmem:$0xE230]  }
0x9e: {  	v5 =	vld [tilespmem:$0xE220]  }
0x9f: {  	v6 =	vld [tilespmem:$0xE210]  }
0xa0: {  	v7 =	vld [tilespmem:$0xE200]  }
0xa1: {  	v3 =	vsub.s32 v3, v0  }
0xa2: {  	v4 =	vsub.s32 v4, v0;
	vm0 =	vlt.u32 v3, $0x1400  }
0xa3: {  	v5 =	vsub.s32 v5, v0;
	vm1 =	vlt.u32 v4, $0x1400;
	v3 =	vnsel vm0, $0x1407, v3  }
0xa4: {  	v6 =	vsub.s32 v6, v0;
	vm0 =	vlt.u32 v5, $0x1400;
	v4 =	vnsel vm1, $0x1407, v4;
	[tilespmem:$0xE240] =	vst v3  }
0xa5: {  	v3 =	vsub.s32 v7, v0;
	vm1 =	vlt.u32 v6, $0x1400;
	v5 =	vnsel vm0, $0x1407, v5;
	[tilespmem:$0xE230] =	vst v4  }
0xa6: {  	vm0 =	vlt.u32 v3, $0x1400;
	v4 =	vnsel vm1, $0x1407, v6;
	[tilespmem:$0xE220] =	vst v5  }
0xa7: {  	v3 =	vnsel vm0, $0x1407, v3;
	[tilespmem:$0xE210] =	vst v4  }
0xa8: {  	[tilespmem:$0xE200] =	vst v3  }
0xa9: {  	_ =	swait.ge [sflag:s24], $0x2800  }
0xaa: {  	[sflag:s24] =	ssyncset.done $0x0  }
0xab: {  	[sflag:s24] =	ssyncadd.s32 $0xFFFFD800  }
0xac: {  	[tilespmem:s12], [sflag:$0x1] =	stream.indirect.gather [hbm4b:s5+s17], $0x80, s15, s17, $0xb8;
	[tilespmem:$0x13280] =	vst v63  }
0xad: {  	_ = 	snop  }
0xae: {  	[spmem:s1] =	stream.indirect.scatter.add.f32 [tilespmem:s23], [sflag:$0x3], $0x80, s21, s17, $0xb8;
	[tilespmem:$0x13280] =	vst v63  }
0xaf: {  	_ =	swait.ge [sflag:s13], $0x2800  }
0xb0: {  	[sflag:s13] =	ssyncset.done $0x0  }
0xb1: {  	[sflag:s13] =	ssyncadd.s32 $0xFFFFD800  }
0xb2: {  	[spmem:s2] =	stream.indirect.scatter.add.f32 [tilespmem:s14], [sflag:$0x3], $0x10, s21, s17, $0xb8;
	[tilespmem:$0x13280] =	vst v63  }
0xb3: {  	_ =	swait.ge [sflag:s13], $0x500  }
0xb4: {  	s28 =	sadd.s32 s29, s20;
	[sflag:s13] =	ssyncset.done $0x0  }
0xb5: {  	s30 =	sadd.s32 $0x9BA, s28;
	[sflag:s13] =	ssyncadd.s32 $0xFFFFFB00  }
0xb6: {  	[tilespmem:s18], [sflag:$0x3] =	stream.linear.gather [hbm4b:s30+s4], $0x50, $0x38;
	[tilespmem:$0x13280] =	vst v63  }
0xb7: {  	_ =	swait.ge [sflag:s13], $0x50  }
0xb8: {  	s29 =	sadd.s32 s29, s19;
	[sflag:s13] =	ssyncset.done $0x0  }
0xb9: {  	s30 =	sadd.s32 $0x9BA, s29;
	[sflag:s13] =	ssyncadd.s32 $0xFFFFFFB0  }
0xba: {  	[tilespmem:s21], [sflag:$0x3] =	stream.linear.gather [hbm4b:s30+s4], $0x50, $0x38;
	[tilespmem:$0x13280] =	vst v63  }
0xbb: {  	_ =	swait.ge [sflag:s13], $0x50  }
0xbc: {  	[sflag:s13] =	ssyncset.done $0x0  }
0xbd: {  	[sflag:s13] =	ssyncadd.s32 $0xFFFFFFB0  }
0xbe: {  	v3 =	vld [tilespmem:$0xB930]  }
0xbf: {  	v4 =	vld [tilespmem:$0xB940]  }
0xc0: {  	v5 =	vld [tilespmem:$0xB910]  }
0xc1: {  	v6 =	vld [tilespmem:$0xB920]  }
0xc2: {  	v7 =	vld [tilespmem:$0xB900]  }
0xc3: {  	v3 =	vsub.s32 v3, v0  }
0xc4: {  	vm0 =	vlt.u32 v3, $0x1400;
	v4 =	vsub.s32 v4, v0  }
0xc5: {  	v5 =	vsub.s32 v5, v0;
	v3 =	vnsel vm0, $0x1407, v3;
	vm0 =	vlt.u32 v4, $0x1400  }
0xc6: {  	vm1 =	vlt.u32 v5, $0x1400;
	v6 =	vsub.s32 v6, v0;
	[tilespmem:$0xB930] =	vst v3;
	v3 =	vnsel vm0, $0x1407, v4  }
0xc7: {  	v4 =	vsub.s32 v7, v0;
	v5 =	vnsel vm1, $0x1407, v5;
	vm0 =	vlt.u32 v6, $0x1400;
	[tilespmem:$0xB940] =	vst v3  }
0xc8: {  	vm1 =	vlt.u32 v4, $0x1400;
	[tilespmem:$0xB910] =	vst v5;
	v3 =	vnsel vm0, $0x1407, v6  }
0xc9: {  	v4 =	vnsel vm1, $0x1407, v4;
	[tilespmem:$0xB920] =	vst v3  }
0xca: {  	[tilespmem:$0xB900] =	vst v4  }
0xcb: {  	_ =	swait.ge [sflag:s22], $0x2800  }
0xcc: {  	[sflag:s22] =	ssyncset.done $0x0  }
0xcd: {  	[sflag:s22] =	ssyncadd.s32 $0xFFFFD800  }
0xce: {  	[tilespmem:s23], [sflag:$0x2] =	stream.indirect.gather [hbm4b:s5+s17], $0x80, s18, s17, $0xb8;
	[tilespmem:$0x13280] =	vst v63  }
0xcf: {  	_ = 	snop  }
0xd0: {  	[spmem:s1] =	stream.indirect.scatter.add.f32 [tilespmem:s12], [sflag:$0x3], $0x80, s16, s17, $0xb8;
	[tilespmem:$0x13280] =	vst v63  }
0xd1: {  	_ =	swait.ge [sflag:s13], $0x2800  }
0xd2: {  	[sflag:s13] =	ssyncset.done $0x0  }
0xd3: {  	[sflag:s13] =	ssyncadd.s32 $0xFFFFD800  }
0xd4: {  	[spmem:s2] =	stream.indirect.scatter.add.f32 [tilespmem:s14], [sflag:$0x3], $0x10, s16, s17, $0xb8;
	[tilespmem:$0x13280] =	vst v63  }
0xd5: {  	_ =	swait.ge [sflag:s13], $0x500  }
0xd6: {  	[sflag:s13] =	ssyncset.done $0x0  }
0xd7: {  	s28 =	sadd.s32 $0x9C4, s28;
	[sflag:s13] =	ssyncadd.s32 $0xFFFFFB00  }
0xd8: {  	[tilespmem:s15], [sflag:$0x3] =	stream.linear.gather [hbm4b:s28+s4], $0x50, $0x38;
	[tilespmem:$0x13280] =	vst v63  }
0xd9: {  	_ =	swait.ge [sflag:s13], $0x50  }
0xda: {  	[sflag:s13] =	ssyncset.done $0x0  }
.Ltmp2:
0xdb: {  	s28 =	sadd.s32 $0x9C4, s29;
	[sflag:s13] =	ssyncadd.s32 $0xFFFFFFB0;
	(pc) =	sbr.rel @p0 .LBB2_6-.Ltmp2, $4  }
0xdc: {  	[tilespmem:s16], [sflag:$0x3] =	stream.linear.gather [hbm4b:s28+s4], $0x50, $0x38;
	[tilespmem:$0x13280] =	vst v63  }
0xdd: {  	_ =	swait.ge [sflag:s13], $0x50  }
0xde: {  	[sflag:s13] =	ssyncset.done $0x0  }
0xdf: {  	[sflag:s13] =	ssyncadd.s32 $0xFFFFFFB0  }
0xe0: {  	v3 =	vld [tilespmem:$0xE240]  }
0xe1: {  	v4 =	vld [tilespmem:$0xE230]  }
0xe2: {  	v5 =	vld [tilespmem:$0xE220]  }
0xe3: {  	v6 =	vld [tilespmem:$0xE210]  }
0xe4: {  	v7 =	vld [tilespmem:$0xE200]  }
0xe5: {  	v3 =	vsub.s32 v3, v0  }
0xe6: {  	v4 =	vsub.s32 v4, v0;
	vm0 =	vlt.u32 v3, $0x1400  }
0xe7: {  	v5 =	vsub.s32 v5, v0;
	vm1 =	vlt.u32 v4, $0x1400;
	v3 =	vnsel vm0, $0x1407, v3  }
0xe8: {  	v6 =	vsub.s32 v6, v0;
	vm15 =	vlt.u32 v5, $0x1400;
	v4 =	vnsel vm1, $0x1407, v4;
	[tilespmem:$0xE240] =	vst v3  }
0xe9: {  	vm4 =	vlt.u32 v6, $0x1400;
	v5 =	vnsel vm15, $0x1407, v5;
	v3 =	vsub.s32 v7, v0;
	[tilespmem:$0xE230] =	vst v4  }
0xea: {  	v51 =	vnsel vm4, $0x1407, v6;
	[tilespmem:$0xE220] =	vst v5;
	vm5 =	vlt.u32 v3, $0x1400  }
0xeb: {  	[tilespmem:$0xE210] =	vst v51;
	v3 =	vnsel vm5, $0x1407, v3  }
0xec: {  	[tilespmem:$0xE200] =	vst v3  }
0xed: {  	_ =	swait.ge [sflag:s24], $0x2800  }
0xee: {  	[sflag:s24] =	ssyncset.done $0x0  }
0xef: {  	[sflag:s24] =	ssyncadd.s32 $0xFFFFD800  }
0xf0: {  	[tilespmem:s12], [sflag:$0x1] =	stream.indirect.gather [hbm4b:s5+s17], $0x80, s15, s17, $0xb8;
	[tilespmem:$0x13280] =	vst v63  }
0xf1: {  	_ = 	snop  }
0xf2: {  	[spmem:s1] =	stream.indirect.scatter.add.f32 [tilespmem:s23], [sflag:$0x3], $0x80, s21, s17, $0xb8;
	[tilespmem:$0x13280] =	vst v63  }
0xf3: {  	_ =	swait.ge [sflag:s13], $0x2800  }
0xf4: {  	[sflag:s13] =	ssyncset.done $0x0  }
0xf5: {  	[sflag:s13] =	ssyncadd.s32 $0xFFFFD800  }
0xf6: {  	[spmem:s2] =	stream.indirect.scatter.add.f32 [tilespmem:s14], [sflag:$0x3], $0x10, s21, s17, $0xb8;
	[tilespmem:$0x13280] =	vst v63  }
0xf7: {  	_ =	swait.ge [sflag:s13], $0x500  }
0xf8: {  	[sflag:s13] =	ssyncset.done $0x0  }
0xf9: {  	s26 =	rddreg [dreg:$0xf];
	[sflag:s13] =	ssyncadd.s32 $0xFFFFFB00  }
0xfa: {  	[tilespmem:s18], [sflag:$0x3] =	stream.linear.gather [hbm4b:s26+s4], $0x50, $0x38;
	[tilespmem:$0x13280] =	vst v63  }
0xfb: {  	_ =	swait.ge [sflag:s13], $0x50  }
0xfc: {  	[sflag:s13] =	ssyncset.done $0x0  }
0xfd: {  	s28 =	rddreg [dreg:$0x10];
	[sflag:s13] =	ssyncadd.s32 $0xFFFFFFB0  }
0xfe: {  	[tilespmem:s21], [sflag:$0x3] =	stream.linear.gather [hbm4b:s28+s4], $0x50, $0x38;
	[tilespmem:$0x13280] =	vst v63  }
0xff: {  	_ =	swait.ge [sflag:s13], $0x50  }
0x100: {  	[sflag:s13] =	ssyncset.done $0x0  }
0x101: {  	[sflag:s13] =	ssyncadd.s32 $0xFFFFFFB0  }
0x102: {  	v3 =	vld [tilespmem:$0xB900]  }
0x103: {  	v52 =	vld [tilespmem:$0xB910]  }
0x104: {  	v53 =	vld [tilespmem:$0xB920]  }
0x105: {  	v54 =	vld [tilespmem:$0xB930]  }
0x106: {  	v55 =	vld [tilespmem:$0xB940]  }
0x107: {  	v3 =	vsub.s32 v3, v0  }
0x108: {  	v4 =	vsub.s32 v52, v0;
	vm6 =	vlt.u32 v3, $0x1400  }
0x109: {  	v5 =	vsub.s32 v53, v0;
	vm7 =	vlt.u32 v4, $0x1400;
	v3 =	vnsel vm6, $0x1407, v3  }
0x10a: {  	v56 =	vsub.s32 v54, v0;
	vm8 =	vlt.u32 v5, $0x1400;
	[tilespmem:$0xB900] =	vst v3;
	v3 =	vnsel vm7, $0x1407, v4  }
0x10b: {  	v57 =	vsub.s32 v55, v0;
	vm9 =	vlt.u32 v56, $0x1400;
	[tilespmem:$0xB910] =	vst v3;
	v3 =	vnsel vm8, $0x1407, v5  }
0x10c: {  	vm10 =	vlt.u32 v57, $0x1400;
	[tilespmem:$0xB920] =	vst v3;
	v3 =	vnsel vm9, $0x1407, v56  }
0x10d: {  	[tilespmem:$0xB930] =	vst v3;
	v3 =	vnsel vm10, $0x1407, v57  }
0x10e: {  	[tilespmem:$0xB940] =	vst v3  }
0x10f: {  	_ =	swait.ge [sflag:s22], $0x2800  }
0x110: {  	[sflag:s22] =	ssyncset.done $0x0  }
0x111: {  	[sflag:s22] =	ssyncadd.s32 $0xFFFFD800  }
0x112: {  	[tilespmem:s23], [sflag:$0x2] =	stream.indirect.gather [hbm4b:s5+s17], $0x80, s18, s17, $0xb8;
	[tilespmem:$0x13280] =	vst v63  }
0x113: {  	_ = 	snop  }
0x114: {  	[spmem:s1] =	stream.indirect.scatter.add.f32 [tilespmem:s12], [sflag:$0x3], $0x80, s16, s17, $0xb8;
	[tilespmem:$0x13280] =	vst v63  }
0x115: {  	_ =	swait.ge [sflag:s13], $0x2800  }
0x116: {  	[sflag:s13] =	ssyncset.done $0x0  }
0x117: {  	[sflag:s13] =	ssyncadd.s32 $0xFFFFD800  }
0x118: {  	[spmem:s2] =	stream.indirect.scatter.add.f32 [tilespmem:s14], [sflag:$0x3], $0x10, s16, s17, $0xb8;
	[tilespmem:$0x13280] =	vst v63  }
0x119: {  	_ =	swait.ge [sflag:s13], $0x500  }
0x11a: {  	[sflag:s13] =	ssyncset.done $0x0  }
0x11b: {  	[sflag:s13] =	ssyncadd.s32 $0xFFFFFB00  }
0x11c: {  	v3 =	vld [tilespmem:$0xE200]  }
0x11d: {  	v58 =	vld [tilespmem:$0xE210]  }
0x11e: {  	v59 =	vld [tilespmem:$0xE220]  }
0x11f: {  	v60 =	vld [tilespmem:$0xE230]  }
0x120: {  	v61 =	vld [tilespmem:$0xE240]  }
0x121: {  	v3 =	vsub.s32 v3, v0  }
0x122: {  	v4 =	vsub.s32 v58, v0;
	vm11 =	vlt.u32 v3, $0x1400  }
0x123: {  	v5 =	vsub.s32 v59, v0;
	vm12 =	vlt.u32 v4, $0x1400;
	v3 =	vnsel vm11, $0x1407, v3  }
0x124: {  	v62 =	vsub.s32 v60, v0;
	vm13 =	vlt.u32 v5, $0x1400;
	[tilespmem:$0xE200] =	vst v3;
	v3 =	vnsel vm12, $0x1407, v4  }
0x125: {  	v63 =	vsub.s32 v61, v0;
	vm14 =	vlt.u32 v62, $0x1400;
	[tilespmem:$0xE210] =	vst v3;
	v3 =	vnsel vm13, $0x1407, v5  }
0x126: {  	vm15 =	vlt.u32 v63, $0x1400;
	[tilespmem:$0xE220] =	vst v3;
	v3 =	vnsel vm14, $0x1407, v62  }
0x127: {  	[tilespmem:$0xE230] =	vst v3;
	v3 =	vnsel vm15, $0x1407, v63  }
0x128: {  	[tilespmem:$0xE240] =	vst v3  }
0x129: {  	_ =	swait.ge [sflag:s24], $0x2800  }
0x12a: {  	[sflag:s24] =	ssyncset.done $0x0  }
0x12b: {  	[sflag:s24] =	ssyncadd.s32 $0xFFFFD800  }
0x12c: {  	[spmem:s1] =	stream.indirect.scatter.add.f32 [tilespmem:s23], [sflag:$0x3], $0x80, s21, s17, $0xb8;
	[tilespmem:$0x13280] =	vst v63  }
0x12d: {  	_ =	swait.ge [sflag:s13], $0x2800  }
0x12e: {  	[sflag:s13] =	ssyncset.done $0x0  }
0x12f: {  	[sflag:s13] =	ssyncadd.s32 $0xFFFFD800  }
0x130: {  	[spmem:s2] =	stream.indirect.scatter.add.f32 [tilespmem:s14], [sflag:$0x3], $0x10, s21, s17, $0xb8;
	[tilespmem:$0x13280] =	vst v63  }
0x131: {  	_ =	swait.ge [sflag:s13], $0x500  }
0x132: {  	[sflag:s13] =	ssyncset.done $0x0  }
0x133: {  	[sflag:s13] =	ssyncadd.s32 $0xFFFFFB00  }
0x134: {  	[bflag:$0x0] =	sbarrier.arrive $0xFFFF  }
0x135: {  	[tilespmem:s12], [sflag:$0x3] =	stream.linear.gather [spmem:s7], $0x2800, $0x38;
	[tilespmem:$0x13280] =	vst v63  }
0x136: {  	_ =	swait.ge [sflag:s13], $0x2800  }
0x137: {  	[sflag:s13] =	ssyncset.done $0x0  }
0x138: {  	s29 =	rddreg [dreg:$0x7];
	[sflag:s13] =	ssyncadd.s32 $0xFFFFD800  }
0x139: {  	[hbm4b:s29+s4] =	stream.linear.scatter [tilespmem:s12], [sflag:$0x3], $0x2800, $0x38;
	[tilespmem:$0x13280] =	vst v63  }
0x13a: {  	_ =	swait.ge [sflag:s13], $0x2800  }
0x13b: {  	[sflag:s13] =	ssyncset.done $0x0  }
0x13c: {  	[sflag:s13] =	ssyncadd.s32 $0xFFFFD800  }
0x13d: {  	[tilespmem:s14], [sflag:$0x3] =	stream.linear.gather [spmem:s8], $0x2800, $0x38;
	[tilespmem:$0x13280] =	vst v63  }
0x13e: {  	_ =	swait.ge [sflag:s13], $0x2800  }
0x13f: {  	[sflag:s13] =	ssyncset.done $0x0  }
0x140: {  	s30 =	rddreg [dreg:$0x8];
	[sflag:s13] =	ssyncadd.s32 $0xFFFFD800  }
0x141: {  	[hbm4b:s30+s4] =	stream.linear.scatter [tilespmem:s14], [sflag:$0x3], $0x2800, $0x38;
	[tilespmem:$0x13280] =	vst v63  }
0x142: {  	_ =	swait.ge [sflag:s13], $0x2800  }
0x143: {  	[sflag:s13] =	ssyncset.done $0x0  }
0x144: {  	[sflag:s13] =	ssyncadd.s32 $0xFFFFD800  }
0x145: {  	[tilespmem:s12], [sflag:$0x3] =	stream.linear.gather [spmem:s31], $0x2800, $0x38;
	[tilespmem:$0x13280] =	vst v63  }
0x146: {  	_ =	swait.ge [sflag:s13], $0x2800  }
0x147: {  	[sflag:s13] =	ssyncset.done $0x0  }
0x148: {  	s28 =	rddreg [dreg:$0x9];
	[sflag:s13] =	ssyncadd.s32 $0xFFFFD800  }
0x149: {  	[hbm4b:s28+s4] =	stream.linear.scatter [tilespmem:s12], [sflag:$0x3], $0x2800, $0x38;
	[tilespmem:$0x13280] =	vst v63  }
0x14a: {  	_ =	swait.ge [sflag:s13], $0x2800  }
0x14b: {  	[sflag:s13] =	ssyncset.done $0x0  }
0x14c: {  	[sflag:s13] =	ssyncadd.s32 $0xFFFFD800  }
0x14d: {  	[tilespmem:s14], [sflag:$0x3] =	stream.linear.gather [spmem:s0], $0x2800, $0x38;
	[tilespmem:$0x13280] =	vst v63  }
0x14e: {  	_ =	swait.ge [sflag:s13], $0x2800  }
0x14f: {  	[sflag:s13] =	ssyncset.done $0x0  }
0x150: {  	s29 =	rddreg [dreg:$0xa];
	[sflag:s13] =	ssyncadd.s32 $0xFFFFD800  }
0x151: {  	[hbm4b:s29+s4] =	stream.linear.scatter [tilespmem:s14], [sflag:$0x3], $0x2800, $0x38;
	[tilespmem:$0x13280] =	vst v63  }
0x152: {  	_ =	swait.ge [sflag:s13], $0x2800  }
0x153: {  	[sflag:s13] =	ssyncset.done $0x0  }
0x154: {  	[sflag:s13] =	ssyncadd.s32 $0xFFFFD800  }
0x155: {  	[tilespmem:s12], [sflag:$0x3] =	stream.linear.gather [spmem:s3], $0x2800, $0x38;
	[tilespmem:$0x13280] =	vst v63  }
0x156: {  	_ =	swait.ge [sflag:s13], $0x2800  }
0x157: {  	[sflag:s13] =	ssyncset.done $0x0  }
0x158: {  	s30 =	rddreg [dreg:$0xb];
	[sflag:s13] =	ssyncadd.s32 $0xFFFFD800  }
0x159: {  	[hbm4b:s30+s4] =	stream.linear.scatter [tilespmem:s12], [sflag:$0x3], $0x2800, $0x38;
	[tilespmem:$0x13280] =	vst v63  }
0x15a: {  	_ =	swait.ge [sflag:s13], $0x2800  }
0x15b: {  	[sflag:s13] =	ssyncset.done $0x0  }
0x15c: {  	[sflag:s13] =	ssyncadd.s32 $0xFFFFD800  }
0x15d: {  	[tilespmem:s14], [sflag:$0x3] =	stream.linear.gather [spmem:s6], $0x2800, $0x38;
	[tilespmem:$0x13280] =	vst v63  }
0x15e: {  	_ =	swait.ge [sflag:s13], $0x2800  }
0x15f: {  	[sflag:s13] =	ssyncset.done $0x0  }
0x160: {  	s28 =	rddreg [dreg:$0xc];
	[sflag:s13] =	ssyncadd.s32 $0xFFFFD800  }
0x161: {  	[hbm4b:s28+s4] =	stream.linear.scatter [tilespmem:s14], [sflag:$0x3], $0x2800, $0x38;
	[tilespmem:$0x13280] =	vst v63  }
0x162: {  	_ =	swait.ge [sflag:s13], $0x2800  }
0x163: {  	[sflag:s13] =	ssyncset.done $0x0  }
0x164: {  	[sflag:s13] =	ssyncadd.s32 $0xFFFFD800  }
0x165: {  	[tilespmem:s12], [sflag:$0x3] =	stream.linear.gather [spmem:s9], $0x2800, $0x38;
	[tilespmem:$0x13280] =	vst v63  }
0x166: {  	_ =	swait.ge [sflag:s13], $0x2800  }
0x167: {  	[sflag:s13] =	ssyncset.done $0x0  }
0x168: {  	s29 =	rddreg [dreg:$0xd];
	[sflag:s13] =	ssyncadd.s32 $0xFFFFD800  }
0x169: {  	[hbm4b:s29+s4] =	stream.linear.scatter [tilespmem:s12], [sflag:$0x3], $0x2800, $0x38;
	[tilespmem:$0x13280] =	vst v63  }
0x16a: {  	_ =	swait.ge [sflag:s13], $0x2800  }
0x16b: {  	[sflag:s13] =	ssyncset.done $0x0  }
0x16c: {  	[sflag:s13] =	ssyncadd.s32 $0xFFFFD800  }
0x16d: {  	[tilespmem:s14], [sflag:$0x3] =	stream.linear.gather [spmem:s10], $0x2800, $0x38;
	[tilespmem:$0x13280] =	vst v63  }
0x16e: {  	s25 =	sadd.s32 $0x1, s25;
	_ =	swait.ge [sflag:s13], $0x2800  }
0x16f: {  	p0 =	sne.s32 s25, s11;
	[sflag:s13] =	ssyncset.done $0x0  }
.Ltmp3:
0x170: {  	s30 =	rddreg [dreg:$0xe];
	[sflag:s13] =	ssyncadd.s32 $0xFFFFD800;
	(pc) =	sbr.rel @p0 .LBB2_1-.Ltmp3, $4  }
0x171: {  	[hbm4b:s30+s4] =	stream.linear.scatter [tilespmem:s14], [sflag:$0x3], $0x2800, $0x38;
	[tilespmem:$0x13280] =	vst v63  }
0x172: {  	_ =	swait.ge [sflag:s13], $0x2800  }
0x173: {  	[sflag:s13] =	ssyncset.done $0x0  }
0x174: {  	[sflag:s13] =	ssyncadd.s32 $0xFFFFD800  }
0x175: {  	_ =	sfence.sel $0x180000  }
0x176: {  	[bflag:$0x0] =	sbarrier.arrive $0xFFFF  }
0x177: {  	_ =	strace $0x90000047  }
0x178: {  	s0 =	stileid.u32;
	[bflag:$0x2] =	sbarrier.arrive $0xFFFF  }
0x179: {  	p0 =	sne.s32 s0, $0x0;
	s0 =	rddreg [dreg:$0x3]  }
0x17a: {  	s0 =	sadd.s32 @!p0 $0x100000, s0  }
0x17b: {  	[sflag:s0] =	ssyncadd.tile.s32 @!p0 $0x1;
	_ =	shalt  }
.Lfunc_end2:
_tile_overlayer_lowered:
.L_overlay_start_2:
0x17c: {  	(tag) =	ssettag $0x2  }
0x17d: {  	s0 =	rddreg [dreg:$0x0];
	s2 =	stileid.u32  }
0x17e: {  	s1 =	rddreg [dreg:$0x1];
	p0 =	sne.s32 s2, $0x0  }
0x17f: {  	s3 =	rddreg [dreg:$0x2];
	[bflag:$0x3] =	sbarrier.arrive $0xFFFF;
	s2 =	simm.s32 @!p0 $0x1C03  }
0x180: {  	[timem:s3], [sflag:s2] =	dma.local @!p0 [hbm:s0], s1  }
0x181: {  	s0 =	simm.s32 @!p0 $0x3  }
0x182: {  	_ =	swait.ge @!p0 [sflag:s0], s1  }
0x183: {  	s1 =	ssub.s32 @!p0 $0x0, s1;
	[sflag:s0] =	ssyncset.done @!p0 $0x0  }
0x184: {  	[sflag:s0] =	ssyncadd.s32 @!p0 s1  }
0x185: {  	[bflag:$0x3] =	sbarrier.arrive $0xFFFF  }
0x186: {  	_ =	shalt  }

</sc_bundles>
